<compile_context>
chip_gen: v7x
topology: tpu7x:2x2x1
jax: 0.10.2.dev20260603
libtpu: 0.0.44.dev20260713+nightly
codegen_flags: <defaults>
</compile_context>

<pallas_src>
import jax
import jax.numpy as jnp
from jax import lax
from jax.experimental import pallas as pl
from jax.experimental.pallas import tpu as pltpu
from jax.experimental.pallas import tpu_sc as plsc

NC = 2
NS = 16
NW = NC * NS
LANES = 16
CHUNK = 80


def _rsqrt16(v):
    i = plsc.bitcast(v, jnp.int32)
    i = jnp.int32(0x5F3759DF) - (i >> 1)
    y = plsc.bitcast(i, jnp.float32)
    half_v = v * 0.5
    for _ in range(3):
        y = y * (1.5 - half_v * y * y)
    return y


def _build(T, E, L, interpret=False):
    assert E == 128 and T % (NW * CHUNK) == 0
    LE = L * E
    n_chunks = T // (NW * CHUNK)
    assert n_chunks % 2 == 0
    per_w = n_chunks * CHUNK
    K = E // LANES

    mesh = plsc.VectorSubcoreMesh(
        core_axis_name="c", subcore_axis_name="s",
        num_cores=NC, num_subcores=NS)

    def body(seq_hbm, lab_hbm, table_hbm, seg_hbm, gamma_hbm, beta_hbm,
             pe_hbm, out_hbm,
             addend, rows0, rows1, xbuf0, xbuf1, idxall, laball, statsa, statsb,
             gbuf, bbuf, segbuf, semg0, semg1, semo0, semo1):
        wid = lax.axis_index("s") * NC + lax.axis_index("c")
        iota = lax.iota(jnp.int32, LANES)
        zeros = jnp.zeros((LANES,), jnp.float32)
        ones = jnp.ones((LANES,), jnp.float32)
        wbase = wid * per_w

        pltpu.sync_copy(seq_hbm.at[pl.ds(wbase, per_w)], idxall)
        pltpu.sync_copy(lab_hbm.at[pl.ds(wbase, per_w)], laball)
        pltpu.sync_copy(pe_hbm, addend.at[pl.ds(0, LE)])
        pltpu.sync_copy(pe_hbm, addend.at[pl.ds(LE, LE)])
        pltpu.sync_copy(seg_hbm, segbuf)
        pltpu.sync_copy(gamma_hbm, gbuf)
        pltpu.sync_copy(beta_hbm, bbuf)
        sg = [segbuf[pl.ds(E + k * LANES, LANES)] for k in range(K)]
        for k in range(K):
            rows0[CHUNK, pl.ds(k * LANES, LANES)] = zeros
            rows1[CHUNK, pl.ds(k * LANES, LANES)] = zeros

        @plsc.parallel_loop(0, L, unroll=2)
        def _addseg(l):
            for k in range(K):
                off = LE + l * E + k * LANES
                addend[pl.ds(off, LANES)] = addend[pl.ds(off, LANES)] + sg[k]

        gvecs = [gbuf[pl.ds(k * LANES, LANES)] for k in range(K)]
        bvecs = [bbuf[pl.ds(k * LANES, LANES)] for k in range(K)]
        inv_e = jnp.float32(1.0 / E)
        dev = zeros
        for k in range(K):
            dev = dev + jnp.abs(gvecs[k] - ones) + jnp.abs(bvecs[k])
        gb_trivial = lax.reduce_max(dev, (0,)) == jnp.float32(0.0)

        def fire_gather(c, rows, sem):
            idx = idxall.at[pl.ds(c * CHUNK, CHUNK)]
            pltpu.async_copy(table_hbm.at[idx], rows.at[pl.ds(0, CHUNK)], sem)

        def wait_gather(rows, sem):
            pltpu.make_async_copy(
                table_hbm.at[pl.ds(0, CHUNK)], rows.at[pl.ds(0, CHUNK)],
                sem).wait()

        def fire_out(c, xbuf, sem):
            pltpu.async_copy(xbuf, out_hbm.at[pl.ds(c * CHUNK + wbase, CHUNK)],
                             sem)

        def wait_out(xbuf, sem):
            pltpu.make_async_copy(
                xbuf, out_hbm.at[pl.ds(wbase, CHUNK)], sem).wait()

        def compute_chunk(c, rows, xbuf):
            coff = c * CHUNK

            def group_body(g, gc):
                toff = coff + g * LANES
                seqv = idxall[pl.ds(toff, LANES)]
                labv = laball[pl.ds(toff, LANES)]
                tokv = g * LANES + iota
                tokg = jnp.where(seqv != 0, tokv, jnp.full((LANES,), CHUNK,
                                                           jnp.int32))
                lv = lax.rem(wbase + toff + iota, jnp.int32(L))
                abase = labv * LE + lv * E

                @plsc.parallel_loop(0, E, unroll=16, carry=(zeros, zeros))
                def sums(d, sc):
                    s, s2 = sc
                    dd = iota ^ d
                    tok = plsc.load_gather(rows, [tokg, dd])
                    ad = plsc.load_gather(addend, [abase + dd])
                    x = tok + ad
                    plsc.store_scatter(xbuf, [tokv, dd], x)
                    return (s + x, s2 + x * x)
                s, s2 = sums
                mean = s * inv_e
                var = s2 * inv_e - mean * mean + jnp.float32(1e-12)
                rstd = _rsqrt16(var)
                statsa[pl.ds(g * LANES, LANES)] = rstd
                statsb[pl.ds(g * LANES, LANES)] = -mean * rstd
                return gc
            lax.fori_loop(0, CHUNK // LANES, group_body, 0)

            def norm_pass(apply_gb):
                @plsc.parallel_loop(0, CHUNK, unroll=4)
                def _norm(t):
                    tsp = jnp.full((LANES,), t, jnp.int32)
                    av = plsc.load_gather(statsa, [tsp])
                    bv = plsc.load_gather(statsb, [tsp])
                    for k in range(K):
                        x = xbuf[t, pl.ds(k * LANES, LANES)]
                        y = x * av + bv
                        if apply_gb:
                            y = y * gvecs[k] + bvecs[k]
                        xbuf[t, pl.ds(k * LANES, LANES)] = y

            lax.cond(gb_trivial,
                     lambda: norm_pass(False),
                     lambda: norm_pass(True))

        fire_gather(0, rows0, semg0)
        fire_out(0, xbuf0, semo0)
        fire_out(1, xbuf1, semo1)

        def pair_body(j, carry):
            c0 = 2 * j
            fire_gather(c0 + 1, rows1, semg1)
            wait_gather(rows0, semg0)
            wait_out(xbuf0, semo0)
            compute_chunk(c0, rows0, xbuf0)
            fire_out(c0, xbuf0, semo0)
            fire_gather(lax.rem(c0 + 2, n_chunks), rows0, semg0)
            wait_gather(rows1, semg1)
            wait_out(xbuf1, semo1)
            compute_chunk(c0 + 1, rows1, xbuf1)
            fire_out(c0 + 1, xbuf1, semo1)
            return carry
        lax.fori_loop(0, n_chunks // 2, pair_body, 0)
        wait_gather(rows0, semg0)
        wait_out(xbuf0, semo0)
        wait_out(xbuf1, semo1)

    return pl.kernel(
        body,
        out_type=jax.ShapeDtypeStruct((T, E), jnp.float32),
        mesh=mesh,
        scratch_types=[
            pltpu.VMEM((2 * LE,), jnp.float32),
            pltpu.VMEM((CHUNK + 1, E), jnp.float32),
            pltpu.VMEM((CHUNK + 1, E), jnp.float32),
            pltpu.VMEM((CHUNK, E), jnp.float32),
            pltpu.VMEM((CHUNK, E), jnp.float32),
            pltpu.VMEM((T // NW,), jnp.int32),
            pltpu.VMEM((T // NW,), jnp.int32),
            pltpu.VMEM((CHUNK,), jnp.float32),
            pltpu.VMEM((CHUNK,), jnp.float32),
            pltpu.VMEM((E,), jnp.float32),
            pltpu.VMEM((E,), jnp.float32),
            pltpu.VMEM((2 * E,), jnp.float32),
            pltpu.SemaphoreType.DMA,
            pltpu.SemaphoreType.DMA,
            pltpu.SemaphoreType.DMA,
            pltpu.SemaphoreType.DMA,
        ],
        compiler_params=pltpu.CompilerParams(needs_layout_passes=False),
        interpret=interpret,
    )


def kernel(sequence, segment_label, token_table, seg_table, gamma, beta, pe):
    B, L = sequence.shape
    V, E = token_table.shape
    seq = sequence.reshape(-1).astype(jnp.int32)
    lab = segment_label.reshape(-1).astype(jnp.int32)
    pe_l = pe[0, :L].reshape(-1)
    seg_flat = seg_table.reshape(-1)
    fn = _build(B * L, E, L)
    out = fn(seq, lab, token_table, seg_flat, gamma, beta, pe_l)
    return out.reshape(B, L, E)

# --- scband reference (transcript-rebuilt; emitter-appended) ---
"""Pipeline reference for scband-bertembedding-75041668596498 (READ-ONLY COPY).

The authoritative reference and input builder live on the scoring server;
editing this copy changes nothing except your own understanding.
"""

import jax, jax.numpy as jnp
import numpy as np
import math

VOCAB = 100000
EMBED = 128
B, L = 1024, 200
MAX_LEN = 512


def _make_pe(d_model, max_len=512):
    position = np.arange(max_len, dtype=np.float32)[:, None]
    div_term = np.exp(np.arange(0, d_model, 2, dtype=np.float32) * -(math.log(10000.0) / d_model))
    pe = np.zeros((max_len, d_model), dtype=np.float32)
    pe[:, 0::2] = np.sin(position * div_term)
    pe[:, 1::2] = np.cos(position * div_term)
    return jnp.asarray(pe[None])  # [1, max_len, d_model]


def setup_inputs(seed: int = 0) -> dict:
    key = jax.random.key(seed)
    k1, k2, k3, k4 = jax.random.split(key, 4)
    sequence = jax.random.randint(k1, (B, L), 0, VOCAB, dtype=jnp.int64)
    segment_label = jax.random.randint(k2, (B, L), 0, 2, dtype=jnp.int64)
    token_table = jax.random.normal(k3, (VOCAB, EMBED), dtype=jnp.float32) * 0.02
    seg_table = jax.random.normal(k4, (2, EMBED), dtype=jnp.float32) * 0.02
    gamma = jnp.ones((EMBED,), dtype=jnp.float32)
    beta = jnp.zeros((EMBED,), dtype=jnp.float32)
    pe = _make_pe(EMBED, MAX_LEN)
    return {
        "sequence": sequence,
        "segment_label": segment_label,
        "token_table": token_table,
        "seg_table": seg_table,
        "gamma": gamma,
        "beta": beta,
        "pe": pe,
    }


def reference(sequence, segment_label, token_table, seg_table, gamma, beta, pe):
    # padding_idx=0 for both nn.Embedding tables: row 0 contributes zeros
    tok_mask = (jnp.arange(token_table.shape[0]) != 0).astype(token_table.dtype)[:, None]
    seg_mask = (jnp.arange(seg_table.shape[0]) != 0).astype(seg_table.dtype)[:, None]
    tok = token_table * tok_mask
    seg = seg_table * seg_mask
    Lcur = sequence.shape[1]
    x = jnp.take(tok, sequence, axis=0) + pe[:, :Lcur] + jnp.take(seg, segment_label, axis=0)
    # LayerNorm (unbiased=False variance, eps=1e-12)
    mean = jnp.mean(x, axis=-1, keepdims=True)
    var = jnp.var(x, axis=-1, keepdims=True)
    out = (x - mean) / jnp.sqrt(var + 1e-12)
    out = gamma * out + beta
    # dropout: identity in eval mode
    return out

if __name__ == "__main__":
    import jax
    _d = setup_inputs()
    print(jax.jit(kernel)(*tuple(_d.values())))

</pallas_src>

<mosaic_0001>
#map = affine_map<(d0, d1) -> (0)>
#map1 = affine_map<(d0, d1) -> (0, 0)>
module attributes {stable_mosaic.version = 14 : i64} {
  func.func @body(%arg0: i32, %arg1: i32, %arg2: memref<204800xi32, #tpu.memory_space<hbm>>, %arg3: memref<204800xi32, #tpu.memory_space<hbm>>, %arg4: memref<100000x128xf32, #tpu.memory_space<hbm>>, %arg5: memref<256xf32, #tpu.memory_space<hbm>>, %arg6: memref<128xf32, #tpu.memory_space<hbm>>, %arg7: memref<128xf32, #tpu.memory_space<hbm>>, %arg8: memref<25600xf32, #tpu.memory_space<hbm>>, %arg9: memref<204800x128xf32, #tpu.memory_space<hbm>>, %arg10: memref<51200xf32, #tpu.memory_space<vmem>>, %arg11: memref<81x128xf32, #tpu.memory_space<vmem>>, %arg12: memref<81x128xf32, #tpu.memory_space<vmem>>, %arg13: memref<80x128xf32, #tpu.memory_space<vmem>>, %arg14: memref<80x128xf32, #tpu.memory_space<vmem>>, %arg15: memref<6400xi32, #tpu.memory_space<vmem>>, %arg16: memref<6400xi32, #tpu.memory_space<vmem>>, %arg17: memref<80xf32, #tpu.memory_space<vmem>>, %arg18: memref<80xf32, #tpu.memory_space<vmem>>, %arg19: memref<128xf32, #tpu.memory_space<vmem>>, %arg20: memref<128xf32, #tpu.memory_space<vmem>>, %arg21: memref<256xf32, #tpu.memory_space<vmem>>, %arg22: memref<!tpu.dma_semaphore, #tpu.memory_space<semaphore_mem>>, %arg23: memref<!tpu.dma_semaphore, #tpu.memory_space<semaphore_mem>>, %arg24: memref<!tpu.dma_semaphore, #tpu.memory_space<semaphore_mem>>, %arg25: memref<!tpu.dma_semaphore, #tpu.memory_space<semaphore_mem>>) attributes {dimension_semantics = [#tpu.dimension_semantics<core_parallel>, #tpu.dimension_semantics<subcore_parallel>], iteration_bounds = array<i64: 2, 16>, scalar_prefetch = 0 : i64, scratch_operands = 16 : i64, tpu.core_type = #tpu.core_type<sc_vector_subcore>, window_params = [{transform_indices = #map}, {transform_indices = #map}, {transform_indices = #map1}, {transform_indices = #map}, {transform_indices = #map}, {transform_indices = #map}, {transform_indices = #map}, {transform_indices = #map1}]} {
    %mul3A = arith.constant 2 : i32
    %mul3A_0 = arith.muli %arg1, %mul3A : i32
    %add3A = arith.addi %mul3A_0, %arg0 : i32
    %iota3A = tpu.iota {dimensions = array<i32: 0>} : vector<16xi32>
    %broadcast_in_dim3A = arith.constant 0.000000e+00 : f32
    %broadcast_in_dim3A_1 = vector.broadcast %broadcast_in_dim3A : f32 to vector<16xf32>
    %broadcast_in_dim3A_2 = arith.constant 1.000000e+00 : f32
    %broadcast_in_dim3A_3 = vector.broadcast %broadcast_in_dim3A_2 : f32 to vector<16xf32>
    %mul3A_4 = arith.constant 6400 : i32
    %mul3A_5 = arith.muli %add3A, %mul3A_4 : i32
    "tpu.region"() ({
      %run_scoped3A = tpu.sem_alloc : memref<!tpu.dma_semaphore, #tpu.memory_space<semaphore_mem>>
      %dma_start3A_204 = tpu.memref_slice %arg2[%mul3A_5] : memref<204800xi32, #tpu.memory_space<hbm>> -> memref<6400xi32, #tpu.memory_space<hbm>>
      %dma_start3A_205 = tpu.memref_slice %arg2[%mul3A_5] : memref<204800xi32, #tpu.memory_space<hbm>> -> memref<6400xi32, #tpu.memory_space<hbm>>
      tpu.enqueue_dma source(%dma_start3A_205 : memref<6400xi32, #tpu.memory_space<hbm>>) target(%arg15 : memref<6400xi32, #tpu.memory_space<vmem>>) target_semaphore(%run_scoped3A : memref<!tpu.dma_semaphore, #tpu.memory_space<semaphore_mem>>)
      %dma_wait3A_206 = tpu.memref_slice %arg2[%mul3A_5] : memref<204800xi32, #tpu.memory_space<hbm>> -> memref<6400xi32, #tpu.memory_space<hbm>>
      %dma_wait3A_207 = tpu.memref_slice %arg2[%mul3A_5] : memref<204800xi32, #tpu.memory_space<hbm>> -> memref<6400xi32, #tpu.memory_space<hbm>>
      tpu.wait_dma2 semaphore(%run_scoped3A : memref<!tpu.dma_semaphore, #tpu.memory_space<semaphore_mem>>) src(%dma_wait3A_207 : memref<6400xi32, #tpu.memory_space<hbm>>) dst(%arg15 : memref<6400xi32, #tpu.memory_space<vmem>>)
      tpu.yield
    }) : () -> ()
    "tpu.region"() ({
      %run_scoped3A = tpu.sem_alloc : memref<!tpu.dma_semaphore, #tpu.memory_space<semaphore_mem>>
      %dma_start3A_204 = tpu.memref_slice %arg3[%mul3A_5] : memref<204800xi32, #tpu.memory_space<hbm>> -> memref<6400xi32, #tpu.memory_space<hbm>>
      %dma_start3A_205 = tpu.memref_slice %arg3[%mul3A_5] : memref<204800xi32, #tpu.memory_space<hbm>> -> memref<6400xi32, #tpu.memory_space<hbm>>
      tpu.enqueue_dma source(%dma_start3A_205 : memref<6400xi32, #tpu.memory_space<hbm>>) target(%arg16 : memref<6400xi32, #tpu.memory_space<vmem>>) target_semaphore(%run_scoped3A : memref<!tpu.dma_semaphore, #tpu.memory_space<semaphore_mem>>)
      %dma_wait3A_206 = tpu.memref_slice %arg3[%mul3A_5] : memref<204800xi32, #tpu.memory_space<hbm>> -> memref<6400xi32, #tpu.memory_space<hbm>>
      %dma_wait3A_207 = tpu.memref_slice %arg3[%mul3A_5] : memref<204800xi32, #tpu.memory_space<hbm>> -> memref<6400xi32, #tpu.memory_space<hbm>>
      tpu.wait_dma2 semaphore(%run_scoped3A : memref<!tpu.dma_semaphore, #tpu.memory_space<semaphore_mem>>) src(%dma_wait3A_207 : memref<6400xi32, #tpu.memory_space<hbm>>) dst(%arg16 : memref<6400xi32, #tpu.memory_space<vmem>>)
      tpu.yield
    }) : () -> ()
    "tpu.region"() ({
      %run_scoped3A = tpu.sem_alloc : memref<!tpu.dma_semaphore, #tpu.memory_space<semaphore_mem>>
      %dma_start3A_204 = arith.constant 0 : i32
      %dma_start3A_205 = tpu.memref_slice %arg10[%dma_start3A_204] : memref<51200xf32, #tpu.memory_space<vmem>> -> memref<25600xf32, #tpu.memory_space<vmem>>
      %dma_start3A_206 = arith.constant 0 : i32
      %dma_start3A_207 = tpu.memref_slice %arg10[%dma_start3A_206] : memref<51200xf32, #tpu.memory_space<vmem>> -> memref<25600xf32, #tpu.memory_space<vmem>>
      tpu.enqueue_dma source(%arg8 : memref<25600xf32, #tpu.memory_space<hbm>>) target(%dma_start3A_207 : memref<25600xf32, #tpu.memory_space<vmem>>) target_semaphore(%run_scoped3A : memref<!tpu.dma_semaphore, #tpu.memory_space<semaphore_mem>>)
      %dma_wait3A_208 = arith.constant 0 : i32
      %dma_wait3A_209 = tpu.memref_slice %arg10[%dma_wait3A_208] : memref<51200xf32, #tpu.memory_space<vmem>> -> memref<25600xf32, #tpu.memory_space<vmem>>
      %dma_wait3A_210 = arith.constant 0 : i32
      %dma_wait3A_211 = tpu.memref_slice %arg10[%dma_wait3A_210] : memref<51200xf32, #tpu.memory_space<vmem>> -> memref<25600xf32, #tpu.memory_space<vmem>>
      tpu.wait_dma2 semaphore(%run_scoped3A : memref<!tpu.dma_semaphore, #tpu.memory_space<semaphore_mem>>) src(%arg8 : memref<25600xf32, #tpu.memory_space<hbm>>) dst(%dma_wait3A_211 : memref<25600xf32, #tpu.memory_space<vmem>>)
      tpu.yield
    }) : () -> ()
    "tpu.region"() ({
      %run_scoped3A = tpu.sem_alloc : memref<!tpu.dma_semaphore, #tpu.memory_space<semaphore_mem>>
      %dma_start3A_204 = arith.constant 25600 : i32
      %dma_start3A_205 = tpu.memref_slice %arg10[%dma_start3A_204] : memref<51200xf32, #tpu.memory_space<vmem>> -> memref<25600xf32, #tpu.memory_space<vmem>>
      %dma_start3A_206 = arith.constant 25600 : i32
      %dma_start3A_207 = tpu.memref_slice %arg10[%dma_start3A_206] : memref<51200xf32, #tpu.memory_space<vmem>> -> memref<25600xf32, #tpu.memory_space<vmem>>
      tpu.enqueue_dma source(%arg8 : memref<25600xf32, #tpu.memory_space<hbm>>) target(%dma_start3A_207 : memref<25600xf32, #tpu.memory_space<vmem>>) target_semaphore(%run_scoped3A : memref<!tpu.dma_semaphore, #tpu.memory_space<semaphore_mem>>)
      %dma_wait3A_208 = arith.constant 25600 : i32
      %dma_wait3A_209 = tpu.memref_slice %arg10[%dma_wait3A_208] : memref<51200xf32, #tpu.memory_space<vmem>> -> memref<25600xf32, #tpu.memory_space<vmem>>
      %dma_wait3A_210 = arith.constant 25600 : i32
      %dma_wait3A_211 = tpu.memref_slice %arg10[%dma_wait3A_210] : memref<51200xf32, #tpu.memory_space<vmem>> -> memref<25600xf32, #tpu.memory_space<vmem>>
      tpu.wait_dma2 semaphore(%run_scoped3A : memref<!tpu.dma_semaphore, #tpu.memory_space<semaphore_mem>>) src(%arg8 : memref<25600xf32, #tpu.memory_space<hbm>>) dst(%dma_wait3A_211 : memref<25600xf32, #tpu.memory_space<vmem>>)
      tpu.yield
    }) : () -> ()
    "tpu.region"() ({
      %run_scoped3A = tpu.sem_alloc : memref<!tpu.dma_semaphore, #tpu.memory_space<semaphore_mem>>
      tpu.enqueue_dma source(%arg5 : memref<256xf32, #tpu.memory_space<hbm>>) target(%arg21 : memref<256xf32, #tpu.memory_space<vmem>>) target_semaphore(%run_scoped3A : memref<!tpu.dma_semaphore, #tpu.memory_space<semaphore_mem>>)
      tpu.wait_dma2 semaphore(%run_scoped3A : memref<!tpu.dma_semaphore, #tpu.memory_space<semaphore_mem>>) src(%arg5 : memref<256xf32, #tpu.memory_space<hbm>>) dst(%arg21 : memref<256xf32, #tpu.memory_space<vmem>>)
      tpu.yield
    }) : () -> ()
    "tpu.region"() ({
      %run_scoped3A = tpu.sem_alloc : memref<!tpu.dma_semaphore, #tpu.memory_space<semaphore_mem>>
      tpu.enqueue_dma source(%arg6 : memref<128xf32, #tpu.memory_space<hbm>>) target(%arg19 : memref<128xf32, #tpu.memory_space<vmem>>) target_semaphore(%run_scoped3A : memref<!tpu.dma_semaphore, #tpu.memory_space<semaphore_mem>>)
      tpu.wait_dma2 semaphore(%run_scoped3A : memref<!tpu.dma_semaphore, #tpu.memory_space<semaphore_mem>>) src(%arg6 : memref<128xf32, #tpu.memory_space<hbm>>) dst(%arg19 : memref<128xf32, #tpu.memory_space<vmem>>)
      tpu.yield
    }) : () -> ()
    "tpu.region"() ({
      %run_scoped3A = tpu.sem_alloc : memref<!tpu.dma_semaphore, #tpu.memory_space<semaphore_mem>>
      tpu.enqueue_dma source(%arg7 : memref<128xf32, #tpu.memory_space<hbm>>) target(%arg20 : memref<128xf32, #tpu.memory_space<vmem>>) target_semaphore(%run_scoped3A : memref<!tpu.dma_semaphore, #tpu.memory_space<semaphore_mem>>)
      tpu.wait_dma2 semaphore(%run_scoped3A : memref<!tpu.dma_semaphore, #tpu.memory_space<semaphore_mem>>) src(%arg7 : memref<128xf32, #tpu.memory_space<hbm>>) dst(%arg20 : memref<128xf32, #tpu.memory_space<vmem>>)
      tpu.yield
    }) : () -> ()
    %get3A = arith.constant 128 : index
    %get3A_6 = tpu.vector_load %arg21[%get3A] {strides = array<i32>} : memref<256xf32, #tpu.memory_space<vmem>>, vector<16xf32>,
    %get3A_7 = arith.constant 144 : index
    %get3A_8 = tpu.vector_load %arg21[%get3A_7] {strides = array<i32>} : memref<256xf32, #tpu.memory_space<vmem>>, vector<16xf32>,
    %get3A_9 = arith.constant 160 : index
    %get3A_10 = tpu.vector_load %arg21[%get3A_9] {strides = array<i32>} : memref<256xf32, #tpu.memory_space<vmem>>, vector<16xf32>,
    %get3A_11 = arith.constant 176 : index
    %get3A_12 = tpu.vector_load %arg21[%get3A_11] {strides = array<i32>} : memref<256xf32, #tpu.memory_space<vmem>>, vector<16xf32>,
    %get3A_13 = arith.constant 192 : index
    %get3A_14 = tpu.vector_load %arg21[%get3A_13] {strides = array<i32>} : memref<256xf32, #tpu.memory_space<vmem>>, vector<16xf32>,
    %get3A_15 = arith.constant 208 : index
    %get3A_16 = tpu.vector_load %arg21[%get3A_15] {strides = array<i32>} : memref<256xf32, #tpu.memory_space<vmem>>, vector<16xf32>,
    %get3A_17 = arith.constant 224 : index
    %get3A_18 = tpu.vector_load %arg21[%get3A_17] {strides = array<i32>} : memref<256xf32, #tpu.memory_space<vmem>>, vector<16xf32>,
    %get3A_19 = arith.constant 240 : index
    %get3A_20 = tpu.vector_load %arg21[%get3A_19] {strides = array<i32>} : memref<256xf32, #tpu.memory_space<vmem>>, vector<16xf32>,
    %swap3A = arith.constant 80 : i32
    %swap3A_21 = arith.index_cast %swap3A : i32 to index
    %swap3A_22 = arith.constant 0 : index
    %swap3A_23 = tpu.vector_load %arg11[%swap3A_21, %swap3A_22] {strides = array<i32>} : memref<81x128xf32, #tpu.memory_space<vmem>>, vector<16xf32>,
    tpu.vector_store %arg11[%swap3A_21, %swap3A_22], %broadcast_in_dim3A_1 {strides = array<i32>} : memref<81x128xf32, #tpu.memory_space<vmem>>, vector<16xf32>,
    %swap3A_24 = arith.constant 80 : i32
    %swap3A_25 = arith.index_cast %swap3A_24 : i32 to index
    %swap3A_26 = arith.constant 0 : index
    %swap3A_27 = tpu.vector_load %arg12[%swap3A_25, %swap3A_26] {strides = array<i32>} : memref<81x128xf32, #tpu.memory_space<vmem>>, vector<16xf32>,
    tpu.vector_store %arg12[%swap3A_25, %swap3A_26], %broadcast_in_dim3A_1 {strides = array<i32>} : memref<81x128xf32, #tpu.memory_space<vmem>>, vector<16xf32>,
    %swap3A_28 = arith.constant 80 : i32
    %swap3A_29 = arith.index_cast %swap3A_28 : i32 to index
    %swap3A_30 = arith.constant 16 : index
    %swap3A_31 = tpu.vector_load %arg11[%swap3A_29, %swap3A_30] {strides = array<i32>} : memref<81x128xf32, #tpu.memory_space<vmem>>, vector<16xf32>,
    tpu.vector_store %arg11[%swap3A_29, %swap3A_30], %broadcast_in_dim3A_1 {strides = array<i32>} : memref<81x128xf32, #tpu.memory_space<vmem>>, vector<16xf32>,
    %swap3A_32 = arith.constant 80 : i32
    %swap3A_33 = arith.index_cast %swap3A_32 : i32 to index
    %swap3A_34 = arith.constant 16 : index
    %swap3A_35 = tpu.vector_load %arg12[%swap3A_33, %swap3A_34] {strides = array<i32>} : memref<81x128xf32, #tpu.memory_space<vmem>>, vector<16xf32>,
    tpu.vector_store %arg12[%swap3A_33, %swap3A_34], %broadcast_in_dim3A_1 {strides = array<i32>} : memref<81x128xf32, #tpu.memory_space<vmem>>, vector<16xf32>,
    %swap3A_36 = arith.constant 80 : i32
    %swap3A_37 = arith.index_cast %swap3A_36 : i32 to index
    %swap3A_38 = arith.constant 32 : index
    %swap3A_39 = tpu.vector_load %arg11[%swap3A_37, %swap3A_38] {strides = array<i32>} : memref<81x128xf32, #tpu.memory_space<vmem>>, vector<16xf32>,
    tpu.vector_store %arg11[%swap3A_37, %swap3A_38], %broadcast_in_dim3A_1 {strides = array<i32>} : memref<81x128xf32, #tpu.memory_space<vmem>>, vector<16xf32>,
    %swap3A_40 = arith.constant 80 : i32
    %swap3A_41 = arith.index_cast %swap3A_40 : i32 to index
    %swap3A_42 = arith.constant 32 : index
    %swap3A_43 = tpu.vector_load %arg12[%swap3A_41, %swap3A_42] {strides = array<i32>} : memref<81x128xf32, #tpu.memory_space<vmem>>, vector<16xf32>,
    tpu.vector_store %arg12[%swap3A_41, %swap3A_42], %broadcast_in_dim3A_1 {strides = array<i32>} : memref<81x128xf32, #tpu.memory_space<vmem>>, vector<16xf32>,
    %swap3A_44 = arith.constant 80 : i32
    %swap3A_45 = arith.index_cast %swap3A_44 : i32 to index
    %swap3A_46 = arith.constant 48 : index
    %swap3A_47 = tpu.vector_load %arg11[%swap3A_45, %swap3A_46] {strides = array<i32>} : memref<81x128xf32, #tpu.memory_space<vmem>>, vector<16xf32>,
    tpu.vector_store %arg11[%swap3A_45, %swap3A_46], %broadcast_in_dim3A_1 {strides = array<i32>} : memref<81x128xf32, #tpu.memory_space<vmem>>, vector<16xf32>,
    %swap3A_48 = arith.constant 80 : i32
    %swap3A_49 = arith.index_cast %swap3A_48 : i32 to index
    %swap3A_50 = arith.constant 48 : index
    %swap3A_51 = tpu.vector_load %arg12[%swap3A_49, %swap3A_50] {strides = array<i32>} : memref<81x128xf32, #tpu.memory_space<vmem>>, vector<16xf32>,
    tpu.vector_store %arg12[%swap3A_49, %swap3A_50], %broadcast_in_dim3A_1 {strides = array<i32>} : memref<81x128xf32, #tpu.memory_space<vmem>>, vector<16xf32>,
    %swap3A_52 = arith.constant 80 : i32
    %swap3A_53 = arith.index_cast %swap3A_52 : i32 to index
    %swap3A_54 = arith.constant 64 : index
    %swap3A_55 = tpu.vector_load %arg11[%swap3A_53, %swap3A_54] {strides = array<i32>} : memref<81x128xf32, #tpu.memory_space<vmem>>, vector<16xf32>,
    tpu.vector_store %arg11[%swap3A_53, %swap3A_54], %broadcast_in_dim3A_1 {strides = array<i32>} : memref<81x128xf32, #tpu.memory_space<vmem>>, vector<16xf32>,
    %swap3A_56 = arith.constant 80 : i32
    %swap3A_57 = arith.index_cast %swap3A_56 : i32 to index
    %swap3A_58 = arith.constant 64 : index
    %swap3A_59 = tpu.vector_load %arg12[%swap3A_57, %swap3A_58] {strides = array<i32>} : memref<81x128xf32, #tpu.memory_space<vmem>>, vector<16xf32>,
    tpu.vector_store %arg12[%swap3A_57, %swap3A_58], %broadcast_in_dim3A_1 {strides = array<i32>} : memref<81x128xf32, #tpu.memory_space<vmem>>, vector<16xf32>,
    %swap3A_60 = arith.constant 80 : i32
    %swap3A_61 = arith.index_cast %swap3A_60 : i32 to index
    %swap3A_62 = arith.constant 80 : index
    %swap3A_63 = tpu.vector_load %arg11[%swap3A_61, %swap3A_62] {strides = array<i32>} : memref<81x128xf32, #tpu.memory_space<vmem>>, vector<16xf32>,
    tpu.vector_store %arg11[%swap3A_61, %swap3A_62], %broadcast_in_dim3A_1 {strides = array<i32>} : memref<81x128xf32, #tpu.memory_space<vmem>>, vector<16xf32>,
    %swap3A_64 = arith.constant 80 : i32
    %swap3A_65 = arith.index_cast %swap3A_64 : i32 to index
    %swap3A_66 = arith.constant 80 : index
    %swap3A_67 = tpu.vector_load %arg12[%swap3A_65, %swap3A_66] {strides = array<i32>} : memref<81x128xf32, #tpu.memory_space<vmem>>, vector<16xf32>,
    tpu.vector_store %arg12[%swap3A_65, %swap3A_66], %broadcast_in_dim3A_1 {strides = array<i32>} : memref<81x128xf32, #tpu.memory_space<vmem>>, vector<16xf32>,
    %swap3A_68 = arith.constant 80 : i32
    %swap3A_69 = arith.index_cast %swap3A_68 : i32 to index
    %swap3A_70 = arith.constant 96 : index
    %swap3A_71 = tpu.vector_load %arg11[%swap3A_69, %swap3A_70] {strides = array<i32>} : memref<81x128xf32, #tpu.memory_space<vmem>>, vector<16xf32>,
    tpu.vector_store %arg11[%swap3A_69, %swap3A_70], %broadcast_in_dim3A_1 {strides = array<i32>} : memref<81x128xf32, #tpu.memory_space<vmem>>, vector<16xf32>,
    %swap3A_72 = arith.constant 80 : i32
    %swap3A_73 = arith.index_cast %swap3A_72 : i32 to index
    %swap3A_74 = arith.constant 96 : index
    %swap3A_75 = tpu.vector_load %arg12[%swap3A_73, %swap3A_74] {strides = array<i32>} : memref<81x128xf32, #tpu.memory_space<vmem>>, vector<16xf32>,
    tpu.vector_store %arg12[%swap3A_73, %swap3A_74], %broadcast_in_dim3A_1 {strides = array<i32>} : memref<81x128xf32, #tpu.memory_space<vmem>>, vector<16xf32>,
    %swap3A_76 = arith.constant 80 : i32
    %swap3A_77 = arith.index_cast %swap3A_76 : i32 to index
    %swap3A_78 = arith.constant 112 : index
    %swap3A_79 = tpu.vector_load %arg11[%swap3A_77, %swap3A_78] {strides = array<i32>} : memref<81x128xf32, #tpu.memory_space<vmem>>, vector<16xf32>,
    tpu.vector_store %arg11[%swap3A_77, %swap3A_78], %broadcast_in_dim3A_1 {strides = array<i32>} : memref<81x128xf32, #tpu.memory_space<vmem>>, vector<16xf32>,
    %swap3A_80 = arith.constant 80 : i32
    %swap3A_81 = arith.index_cast %swap3A_80 : i32 to index
    %swap3A_82 = arith.constant 112 : index
    %swap3A_83 = tpu.vector_load %arg12[%swap3A_81, %swap3A_82] {strides = array<i32>} : memref<81x128xf32, #tpu.memory_space<vmem>>, vector<16xf32>,
    tpu.vector_store %arg12[%swap3A_81, %swap3A_82], %broadcast_in_dim3A_1 {strides = array<i32>} : memref<81x128xf32, #tpu.memory_space<vmem>>, vector<16xf32>,
    %parallel_loop3A = arith.constant 0 : i32
    %parallel_loop3A_84 = arith.constant 200 : i32
    %parallel_loop3A_85 = arith.constant 1 : i32
    scf.for %parallel_loop3A_204 = %parallel_loop3A to %parallel_loop3A_84 step %parallel_loop3A_85  : i32 {
      %parallel_loop3A_205 = arith.constant 128 : i32
      %parallel_loop3A_206 = arith.muli %parallel_loop3A_204, %parallel_loop3A_205 : i32
      %parallel_loop3A_207 = arith.constant 25600 : i32
      %parallel_loop3A_208 = arith.addi %parallel_loop3A_207, %parallel_loop3A_206 : i32
      %parallel_loop3A_209 = arith.constant 0 : i32
      %parallel_loop3A_210 = arith.addi %parallel_loop3A_208, %parallel_loop3A_209 : i32
      %parallel_loop3A_211 = arith.index_cast %parallel_loop3A_210 : i32 to index
      %parallel_loop3A_212 = tpu.vector_load %arg10[%parallel_loop3A_211] {strides = array<i32>} : memref<51200xf32, #tpu.memory_space<vmem>>, vector<16xf32>,
      %parallel_loop3A_213 = arith.addf %parallel_loop3A_212, %get3A_6 : vector<16xf32>
      %parallel_loop3A_214 = arith.index_cast %parallel_loop3A_210 : i32 to index
      %parallel_loop3A_215 = tpu.vector_load %arg10[%parallel_loop3A_214] {strides = array<i32>} : memref<51200xf32, #tpu.memory_space<vmem>>, vector<16xf32>,
      tpu.vector_store %arg10[%parallel_loop3A_214], %parallel_loop3A_213 {strides = array<i32>} : memref<51200xf32, #tpu.memory_space<vmem>>, vector<16xf32>,
      %parallel_loop3A_216 = arith.constant 128 : i32
      %parallel_loop3A_217 = arith.muli %parallel_loop3A_204, %parallel_loop3A_216 : i32
      %parallel_loop3A_218 = arith.constant 25600 : i32
      %parallel_loop3A_219 = arith.addi %parallel_loop3A_218, %parallel_loop3A_217 : i32
      %parallel_loop3A_220 = arith.constant 16 : i32
      %parallel_loop3A_221 = arith.addi %parallel_loop3A_219, %parallel_loop3A_220 : i32
      %parallel_loop3A_222 = arith.index_cast %parallel_loop3A_221 : i32 to index
      %parallel_loop3A_223 = tpu.vector_load %arg10[%parallel_loop3A_222] {strides = array<i32>} : memref<51200xf32, #tpu.memory_space<vmem>>, vector<16xf32>,
      %parallel_loop3A_224 = arith.addf %parallel_loop3A_223, %get3A_8 : vector<16xf32>
      %parallel_loop3A_225 = arith.index_cast %parallel_loop3A_221 : i32 to index
      %parallel_loop3A_226 = tpu.vector_load %arg10[%parallel_loop3A_225] {strides = array<i32>} : memref<51200xf32, #tpu.memory_space<vmem>>, vector<16xf32>,
      tpu.vector_store %arg10[%parallel_loop3A_225], %parallel_loop3A_224 {strides = array<i32>} : memref<51200xf32, #tpu.memory_space<vmem>>, vector<16xf32>,
      %parallel_loop3A_227 = arith.constant 128 : i32
      %parallel_loop3A_228 = arith.muli %parallel_loop3A_204, %parallel_loop3A_227 : i32
      %parallel_loop3A_229 = arith.constant 25600 : i32
      %parallel_loop3A_230 = arith.addi %parallel_loop3A_229, %parallel_loop3A_228 : i32
      %parallel_loop3A_231 = arith.constant 32 : i32
      %parallel_loop3A_232 = arith.addi %parallel_loop3A_230, %parallel_loop3A_231 : i32
      %parallel_loop3A_233 = arith.index_cast %parallel_loop3A_232 : i32 to index
      %parallel_loop3A_234 = tpu.vector_load %arg10[%parallel_loop3A_233] {strides = array<i32>} : memref<51200xf32, #tpu.memory_space<vmem>>, vector<16xf32>,
      %parallel_loop3A_235 = arith.addf %parallel_loop3A_234, %get3A_10 : vector<16xf32>
      %parallel_loop3A_236 = arith.index_cast %parallel_loop3A_232 : i32 to index
      %parallel_loop3A_237 = tpu.vector_load %arg10[%parallel_loop3A_236] {strides = array<i32>} : memref<51200xf32, #tpu.memory_space<vmem>>, vector<16xf32>,
      tpu.vector_store %arg10[%parallel_loop3A_236], %parallel_loop3A_235 {strides = array<i32>} : memref<51200xf32, #tpu.memory_space<vmem>>, vector<16xf32>,
      %parallel_loop3A_238 = arith.constant 128 : i32
      %parallel_loop3A_239 = arith.muli %parallel_loop3A_204, %parallel_loop3A_238 : i32
      %parallel_loop3A_240 = arith.constant 25600 : i32
      %parallel_loop3A_241 = arith.addi %parallel_loop3A_240, %parallel_loop3A_239 : i32
      %parallel_loop3A_242 = arith.constant 48 : i32
      %parallel_loop3A_243 = arith.addi %parallel_loop3A_241, %parallel_loop3A_242 : i32
      %parallel_loop3A_244 = arith.index_cast %parallel_loop3A_243 : i32 to index
      %parallel_loop3A_245 = tpu.vector_load %arg10[%parallel_loop3A_244] {strides = array<i32>} : memref<51200xf32, #tpu.memory_space<vmem>>, vector<16xf32>,
      %parallel_loop3A_246 = arith.addf %parallel_loop3A_245, %get3A_12 : vector<16xf32>
      %parallel_loop3A_247 = arith.index_cast %parallel_loop3A_243 : i32 to index
      %parallel_loop3A_248 = tpu.vector_load %arg10[%parallel_loop3A_247] {strides = array<i32>} : memref<51200xf32, #tpu.memory_space<vmem>>, vector<16xf32>,
      tpu.vector_store %arg10[%parallel_loop3A_247], %parallel_loop3A_246 {strides = array<i32>} : memref<51200xf32, #tpu.memory_space<vmem>>, vector<16xf32>,
      %parallel_loop3A_249 = arith.constant 128 : i32
      %parallel_loop3A_250 = arith.muli %parallel_loop3A_204, %parallel_loop3A_249 : i32
      %parallel_loop3A_251 = arith.constant 25600 : i32
      %parallel_loop3A_252 = arith.addi %parallel_loop3A_251, %parallel_loop3A_250 : i32
      %parallel_loop3A_253 = arith.constant 64 : i32
      %parallel_loop3A_254 = arith.addi %parallel_loop3A_252, %parallel_loop3A_253 : i32
      %parallel_loop3A_255 = arith.index_cast %parallel_loop3A_254 : i32 to index
      %parallel_loop3A_256 = tpu.vector_load %arg10[%parallel_loop3A_255] {strides = array<i32>} : memref<51200xf32, #tpu.memory_space<vmem>>, vector<16xf32>,
      %parallel_loop3A_257 = arith.addf %parallel_loop3A_256, %get3A_14 : vector<16xf32>
      %parallel_loop3A_258 = arith.index_cast %parallel_loop3A_254 : i32 to index
      %parallel_loop3A_259 = tpu.vector_load %arg10[%parallel_loop3A_258] {strides = array<i32>} : memref<51200xf32, #tpu.memory_space<vmem>>, vector<16xf32>,
      tpu.vector_store %arg10[%parallel_loop3A_258], %parallel_loop3A_257 {strides = array<i32>} : memref<51200xf32, #tpu.memory_space<vmem>>, vector<16xf32>,
      %parallel_loop3A_260 = arith.constant 128 : i32
      %parallel_loop3A_261 = arith.muli %parallel_loop3A_204, %parallel_loop3A_260 : i32
      %parallel_loop3A_262 = arith.constant 25600 : i32
      %parallel_loop3A_263 = arith.addi %parallel_loop3A_262, %parallel_loop3A_261 : i32
      %parallel_loop3A_264 = arith.constant 80 : i32
      %parallel_loop3A_265 = arith.addi %parallel_loop3A_263, %parallel_loop3A_264 : i32
      %parallel_loop3A_266 = arith.index_cast %parallel_loop3A_265 : i32 to index
      %parallel_loop3A_267 = tpu.vector_load %arg10[%parallel_loop3A_266] {strides = array<i32>} : memref<51200xf32, #tpu.memory_space<vmem>>, vector<16xf32>,
      %parallel_loop3A_268 = arith.addf %parallel_loop3A_267, %get3A_16 : vector<16xf32>
      %parallel_loop3A_269 = arith.index_cast %parallel_loop3A_265 : i32 to index
      %parallel_loop3A_270 = tpu.vector_load %arg10[%parallel_loop3A_269] {strides = array<i32>} : memref<51200xf32, #tpu.memory_space<vmem>>, vector<16xf32>,
      tpu.vector_store %arg10[%parallel_loop3A_269], %parallel_loop3A_268 {strides = array<i32>} : memref<51200xf32, #tpu.memory_space<vmem>>, vector<16xf32>,
      %parallel_loop3A_271 = arith.constant 128 : i32
      %parallel_loop3A_272 = arith.muli %parallel_loop3A_204, %parallel_loop3A_271 : i32
      %parallel_loop3A_273 = arith.constant 25600 : i32
      %parallel_loop3A_274 = arith.addi %parallel_loop3A_273, %parallel_loop3A_272 : i32
      %parallel_loop3A_275 = arith.constant 96 : i32
      %parallel_loop3A_276 = arith.addi %parallel_loop3A_274, %parallel_loop3A_275 : i32
      %parallel_loop3A_277 = arith.index_cast %parallel_loop3A_276 : i32 to index
      %parallel_loop3A_278 = tpu.vector_load %arg10[%parallel_loop3A_277] {strides = array<i32>} : memref<51200xf32, #tpu.memory_space<vmem>>, vector<16xf32>,
      %parallel_loop3A_279 = arith.addf %parallel_loop3A_278, %get3A_18 : vector<16xf32>
      %parallel_loop3A_280 = arith.index_cast %parallel_loop3A_276 : i32 to index
      %parallel_loop3A_281 = tpu.vector_load %arg10[%parallel_loop3A_280] {strides = array<i32>} : memref<51200xf32, #tpu.memory_space<vmem>>, vector<16xf32>,
      tpu.vector_store %arg10[%parallel_loop3A_280], %parallel_loop3A_279 {strides = array<i32>} : memref<51200xf32, #tpu.memory_space<vmem>>, vector<16xf32>,
      %parallel_loop3A_282 = arith.constant 128 : i32
      %parallel_loop3A_283 = arith.muli %parallel_loop3A_204, %parallel_loop3A_282 : i32
      %parallel_loop3A_284 = arith.constant 25600 : i32
      %parallel_loop3A_285 = arith.addi %parallel_loop3A_284, %parallel_loop3A_283 : i32
      %parallel_loop3A_286 = arith.constant 112 : i32
      %parallel_loop3A_287 = arith.addi %parallel_loop3A_285, %parallel_loop3A_286 : i32
      %parallel_loop3A_288 = arith.index_cast %parallel_loop3A_287 : i32 to index
      %parallel_loop3A_289 = tpu.vector_load %arg10[%parallel_loop3A_288] {strides = array<i32>} : memref<51200xf32, #tpu.memory_space<vmem>>, vector<16xf32>,
      %parallel_loop3A_290 = arith.addf %parallel_loop3A_289, %get3A_20 : vector<16xf32>
      %parallel_loop3A_291 = arith.index_cast %parallel_loop3A_287 : i32 to index
      %parallel_loop3A_292 = tpu.vector_load %arg10[%parallel_loop3A_291] {strides = array<i32>} : memref<51200xf32, #tpu.memory_space<vmem>>, vector<16xf32>,
      tpu.vector_store %arg10[%parallel_loop3A_291], %parallel_loop3A_290 {strides = array<i32>} : memref<51200xf32, #tpu.memory_space<vmem>>, vector<16xf32>,
    } {sc.loop_unroll_factor = 2 : i64, sc.parallel_access}
    %get3A_86 = arith.constant 0 : index
    %get3A_87 = tpu.vector_load %arg19[%get3A_86] {strides = array<i32>} : memref<128xf32, #tpu.memory_space<vmem>>, vector<16xf32>,
    %get3A_88 = arith.constant 16 : index
    %get3A_89 = tpu.vector_load %arg19[%get3A_88] {strides = array<i32>} : memref<128xf32, #tpu.memory_space<vmem>>, vector<16xf32>,
    %get3A_90 = arith.constant 32 : index
    %get3A_91 = tpu.vector_load %arg19[%get3A_90] {strides = array<i32>} : memref<128xf32, #tpu.memory_space<vmem>>, vector<16xf32>,
    %get3A_92 = arith.constant 48 : index
    %get3A_93 = tpu.vector_load %arg19[%get3A_92] {strides = array<i32>} : memref<128xf32, #tpu.memory_space<vmem>>, vector<16xf32>,
    %get3A_94 = arith.constant 64 : index
    %get3A_95 = tpu.vector_load %arg19[%get3A_94] {strides = array<i32>} : memref<128xf32, #tpu.memory_space<vmem>>, vector<16xf32>,
    %get3A_96 = arith.constant 80 : index
    %get3A_97 = tpu.vector_load %arg19[%get3A_96] {strides = array<i32>} : memref<128xf32, #tpu.memory_space<vmem>>, vector<16xf32>,
    %get3A_98 = arith.constant 96 : index
    %get3A_99 = tpu.vector_load %arg19[%get3A_98] {strides = array<i32>} : memref<128xf32, #tpu.memory_space<vmem>>, vector<16xf32>,
    %get3A_100 = arith.constant 112 : index
    %get3A_101 = tpu.vector_load %arg19[%get3A_100] {strides = array<i32>} : memref<128xf32, #tpu.memory_space<vmem>>, vector<16xf32>,
    %get3A_102 = arith.constant 0 : index
    %get3A_103 = tpu.vector_load %arg20[%get3A_102] {strides = array<i32>} : memref<128xf32, #tpu.memory_space<vmem>>, vector<16xf32>,
    %get3A_104 = arith.constant 16 : index
    %get3A_105 = tpu.vector_load %arg20[%get3A_104] {strides = array<i32>} : memref<128xf32, #tpu.memory_space<vmem>>, vector<16xf32>,
    %get3A_106 = arith.constant 32 : index
    %get3A_107 = tpu.vector_load %arg20[%get3A_106] {strides = array<i32>} : memref<128xf32, #tpu.memory_space<vmem>>, vector<16xf32>,
    %get3A_108 = arith.constant 48 : index
    %get3A_109 = tpu.vector_load %arg20[%get3A_108] {strides = array<i32>} : memref<128xf32, #tpu.memory_space<vmem>>, vector<16xf32>,
    %get3A_110 = arith.constant 64 : index
    %get3A_111 = tpu.vector_load %arg20[%get3A_110] {strides = array<i32>} : memref<128xf32, #tpu.memory_space<vmem>>, vector<16xf32>,
    %get3A_112 = arith.constant 80 : index
    %get3A_113 = tpu.vector_load %arg20[%get3A_112] {strides = array<i32>} : memref<128xf32, #tpu.memory_space<vmem>>, vector<16xf32>,
    %get3A_114 = arith.constant 96 : index
    %get3A_115 = tpu.vector_load %arg20[%get3A_114] {strides = array<i32>} : memref<128xf32, #tpu.memory_space<vmem>>, vector<16xf32>,
    %get3A_116 = arith.constant 112 : index
    %get3A_117 = tpu.vector_load %arg20[%get3A_116] {strides = array<i32>} : memref<128xf32, #tpu.memory_space<vmem>>, vector<16xf32>,
    %sub3A = arith.subf %get3A_87, %broadcast_in_dim3A_3 : vector<16xf32>
    %abs3A = math.absf %sub3A : vector<16xf32>
    %add3A_118 = arith.addf %broadcast_in_dim3A_1, %abs3A : vector<16xf32>
    %abs3A_119 = math.absf %get3A_103 : vector<16xf32>
    %add3A_120 = arith.addf %add3A_118, %abs3A_119 : vector<16xf32>
    %sub3A_121 = arith.subf %get3A_89, %broadcast_in_dim3A_3 : vector<16xf32>
    %abs3A_122 = math.absf %sub3A_121 : vector<16xf32>
    %add3A_123 = arith.addf %add3A_120, %abs3A_122 : vector<16xf32>
    %abs3A_124 = math.absf %get3A_105 : vector<16xf32>
    %add3A_125 = arith.addf %add3A_123, %abs3A_124 : vector<16xf32>
    %sub3A_126 = arith.subf %get3A_91, %broadcast_in_dim3A_3 : vector<16xf32>
    %abs3A_127 = math.absf %sub3A_126 : vector<16xf32>
    %add3A_128 = arith.addf %add3A_125, %abs3A_127 : vector<16xf32>
    %abs3A_129 = math.absf %get3A_107 : vector<16xf32>
    %add3A_130 = arith.addf %add3A_128, %abs3A_129 : vector<16xf32>
    %sub3A_131 = arith.subf %get3A_93, %broadcast_in_dim3A_3 : vector<16xf32>
    %abs3A_132 = math.absf %sub3A_131 : vector<16xf32>
    %add3A_133 = arith.addf %add3A_130, %abs3A_132 : vector<16xf32>
    %abs3A_134 = math.absf %get3A_109 : vector<16xf32>
    %add3A_135 = arith.addf %add3A_133, %abs3A_134 : vector<16xf32>
    %sub3A_136 = arith.subf %get3A_95, %broadcast_in_dim3A_3 : vector<16xf32>
    %abs3A_137 = math.absf %sub3A_136 : vector<16xf32>
    %add3A_138 = arith.addf %add3A_135, %abs3A_137 : vector<16xf32>
    %abs3A_139 = math.absf %get3A_111 : vector<16xf32>
    %add3A_140 = arith.addf %add3A_138, %abs3A_139 : vector<16xf32>
    %sub3A_141 = arith.subf %get3A_97, %broadcast_in_dim3A_3 : vector<16xf32>
    %abs3A_142 = math.absf %sub3A_141 : vector<16xf32>
    %add3A_143 = arith.addf %add3A_140, %abs3A_142 : vector<16xf32>
    %abs3A_144 = math.absf %get3A_113 : vector<16xf32>
    %add3A_145 = arith.addf %add3A_143, %abs3A_144 : vector<16xf32>
    %sub3A_146 = arith.subf %get3A_99, %broadcast_in_dim3A_3 : vector<16xf32>
    %abs3A_147 = math.absf %sub3A_146 : vector<16xf32>
    %add3A_148 = arith.addf %add3A_145, %abs3A_147 : vector<16xf32>
    %abs3A_149 = math.absf %get3A_115 : vector<16xf32>
    %add3A_150 = arith.addf %add3A_148, %abs3A_149 : vector<16xf32>
    %sub3A_151 = arith.subf %get3A_101, %broadcast_in_dim3A_3 : vector<16xf32>
    %abs3A_152 = math.absf %sub3A_151 : vector<16xf32>
    %add3A_153 = arith.addf %add3A_150, %abs3A_152 : vector<16xf32>
    %abs3A_154 = math.absf %get3A_117 : vector<16xf32>
    %add3A_155 = arith.addf %add3A_153, %abs3A_154 : vector<16xf32>
    %reduce_max3A = arith.constant true
    %reduce_max3A_156 = vector.broadcast %reduce_max3A : i1 to vector<16xi1>
    %reduce_max3A_157 = tpu.scan <max>, %add3A_155 masked %reduce_max3A_156 : vector<16xf32>, vector<16xi1> -> vector<16xf32>
    %reduce_max3A_158 = vector.extract %reduce_max3A_157[15] : f32 from vector<16xf32>
    %eq3A = arith.constant 0.000000e+00 : f32
    %eq3A_159 = arith.cmpf oeq, %reduce_max3A_158, %eq3A : f32
    %dma_start3A = arith.constant 0 : i32
    %dma_start3A_160 = arith.constant 0 : i32
    %dma_start3A_161 = tpu.memref_slice %arg11[%dma_start3A, %dma_start3A_160] : memref<81x128xf32, #tpu.memory_space<vmem>> -> memref<80x128xf32, #tpu.memory_space<vmem>>
    %dma_start3A_162 = arith.constant 0 : i32
    %dma_start3A_163 = tpu.memref_slice %arg15[%dma_start3A_162] : memref<6400xi32, #tpu.memory_space<vmem>> -> memref<80xi32, #tpu.memory_space<vmem>>
    %dma_start3A_164 = arith.constant 0 : i32
    %dma_start3A_165 = arith.constant 0 : i32
    %dma_start3A_166 = tpu.memref_slice %arg4[%dma_start3A_164, %dma_start3A_165] : memref<100000x128xf32, #tpu.memory_space<hbm>> -> memref<100000x128xf32, #tpu.memory_space<hbm>>
    tpu.enqueue_indirect_dma source(%dma_start3A_166 : memref<100000x128xf32, #tpu.memory_space<hbm>>) target(%dma_start3A_161 : memref<80x128xf32, #tpu.memory_space<vmem>>) offsets(%dma_start3A_163 : memref<80xi32, #tpu.memory_space<vmem>>) semaphore(%arg22 : memref<!tpu.dma_semaphore, #tpu.memory_space<semaphore_mem>>)
    %add3A_167 = arith.constant 0 : i32
    %add3A_168 = arith.addi %add3A_167, %mul3A_5 : i32
    %dma_start3A_169 = arith.constant 0 : i32
    %dma_start3A_170 = tpu.memref_slice %arg9[%add3A_168, %dma_start3A_169] : memref<204800x128xf32, #tpu.memory_space<hbm>> -> memref<80x128xf32, #tpu.memory_space<hbm>>
    %dma_start3A_171 = arith.constant 0 : i32
    %dma_start3A_172 = tpu.memref_slice %arg9[%add3A_168, %dma_start3A_171] : memref<204800x128xf32, #tpu.memory_space<hbm>> -> memref<80x128xf32, #tpu.memory_space<hbm>>
    tpu.enqueue_dma source(%arg13 : memref<80x128xf32, #tpu.memory_space<vmem>>) target(%dma_start3A_172 : memref<80x128xf32, #tpu.memory_space<hbm>>) target_semaphore(%arg24 : memref<!tpu.dma_semaphore, #tpu.memory_space<semaphore_mem>>)
    %add3A_173 = arith.constant 80 : i32
    %add3A_174 = arith.addi %add3A_173, %mul3A_5 : i32
    %dma_start3A_175 = arith.constant 0 : i32
    %dma_start3A_176 = tpu.memref_slice %arg9[%add3A_174, %dma_start3A_175] : memref<204800x128xf32, #tpu.memory_space<hbm>> -> memref<80x128xf32, #tpu.memory_space<hbm>>
    %dma_start3A_177 = arith.constant 0 : i32
    %dma_start3A_178 = tpu.memref_slice %arg9[%add3A_174, %dma_start3A_177] : memref<204800x128xf32, #tpu.memory_space<hbm>> -> memref<80x128xf32, #tpu.memory_space<hbm>>
    tpu.enqueue_dma source(%arg14 : memref<80x128xf32, #tpu.memory_space<vmem>>) target(%dma_start3A_178 : memref<80x128xf32, #tpu.memory_space<hbm>>) target_semaphore(%arg25 : memref<!tpu.dma_semaphore, #tpu.memory_space<semaphore_mem>>)
    %scan3A = arith.constant 0 : i32
    %scan3A_179 = arith.constant 7.812500e-03 : f32
    %scan3A_180 = arith.constant 0 : i32
    %scan3A_181 = arith.constant 40 : i32
    %scan3A_182 = arith.addi %scan3A_180, %scan3A_181 : i32
    %scan3A_183 = arith.constant 1 : i32
    scf.for %scan3A_204 = %scan3A_180 to %scan3A_182 step %scan3A_183  : i32 {
      %mul3A_205 = arith.constant 2 : i32
      %mul3A_206 = arith.muli %mul3A_205, %scan3A_204 : i32
      %add3A_207 = arith.constant 1 : i32
      %add3A_208 = arith.addi %mul3A_206, %add3A_207 : i32
      %mul3A_209 = arith.constant 80 : i32
      %mul3A_210 = arith.muli %add3A_208, %mul3A_209 : i32
      %dma_start3A_211 = arith.constant 0 : i32
      %dma_start3A_212 = arith.constant 0 : i32
      %dma_start3A_213 = tpu.memref_slice %arg12[%dma_start3A_211, %dma_start3A_212] : memref<81x128xf32, #tpu.memory_space<vmem>> -> memref<80x128xf32, #tpu.memory_space<vmem>>
      %dma_start3A_214 = tpu.memref_slice %arg15[%mul3A_210] : memref<6400xi32, #tpu.memory_space<vmem>> -> memref<80xi32, #tpu.memory_space<vmem>>
      %dma_start3A_215 = arith.constant 0 : i32
      %dma_start3A_216 = arith.constant 0 : i32
      %dma_start3A_217 = tpu.memref_slice %arg4[%dma_start3A_215, %dma_start3A_216] : memref<100000x128xf32, #tpu.memory_space<hbm>> -> memref<100000x128xf32, #tpu.memory_space<hbm>>
      tpu.enqueue_indirect_dma source(%dma_start3A_217 : memref<100000x128xf32, #tpu.memory_space<hbm>>) target(%dma_start3A_213 : memref<80x128xf32, #tpu.memory_space<vmem>>) offsets(%dma_start3A_214 : memref<80xi32, #tpu.memory_space<vmem>>) semaphore(%arg23 : memref<!tpu.dma_semaphore, #tpu.memory_space<semaphore_mem>>)
      %dma_wait3A_218 = arith.constant 0 : i32
      %dma_wait3A_219 = arith.constant 0 : i32
      %dma_wait3A_220 = tpu.memref_slice %arg11[%dma_wait3A_218, %dma_wait3A_219] : memref<81x128xf32, #tpu.memory_space<vmem>> -> memref<80x128xf32, #tpu.memory_space<vmem>>
      %dma_wait3A_221 = arith.constant 0 : i32
      %dma_wait3A_222 = arith.constant 0 : i32
      %dma_wait3A_223 = tpu.memref_slice %arg4[%dma_wait3A_221, %dma_wait3A_222] : memref<100000x128xf32, #tpu.memory_space<hbm>> -> memref<80x128xf32, #tpu.memory_space<hbm>>
      %dma_wait3A_224 = arith.constant 0 : i32
      %dma_wait3A_225 = arith.constant 0 : i32
      %dma_wait3A_226 = tpu.memref_slice %arg11[%dma_wait3A_224, %dma_wait3A_225] : memref<81x128xf32, #tpu.memory_space<vmem>> -> memref<80x128xf32, #tpu.memory_space<vmem>>
      %dma_wait3A_227 = arith.constant 0 : i32
      %dma_wait3A_228 = arith.constant 0 : i32
      %dma_wait3A_229 = tpu.memref_slice %arg4[%dma_wait3A_227, %dma_wait3A_228] : memref<100000x128xf32, #tpu.memory_space<hbm>> -> memref<80x128xf32, #tpu.memory_space<hbm>>
      tpu.wait_dma2 semaphore(%arg22 : memref<!tpu.dma_semaphore, #tpu.memory_space<semaphore_mem>>) src(%dma_wait3A_229 : memref<80x128xf32, #tpu.memory_space<hbm>>) dst(%dma_wait3A_226 : memref<80x128xf32, #tpu.memory_space<vmem>>)
      %dma_wait3A_230 = arith.constant 0 : i32
      %dma_wait3A_231 = tpu.memref_slice %arg9[%mul3A_5, %dma_wait3A_230] : memref<204800x128xf32, #tpu.memory_space<hbm>> -> memref<80x128xf32, #tpu.memory_space<hbm>>
      %dma_wait3A_232 = arith.constant 0 : i32
      %dma_wait3A_233 = tpu.memref_slice %arg9[%mul3A_5, %dma_wait3A_232] : memref<204800x128xf32, #tpu.memory_space<hbm>> -> memref<80x128xf32, #tpu.memory_space<hbm>>
      tpu.wait_dma2 semaphore(%arg24 : memref<!tpu.dma_semaphore, #tpu.memory_space<semaphore_mem>>) src(%arg13 : memref<80x128xf32, #tpu.memory_space<vmem>>) dst(%dma_wait3A_233 : memref<80x128xf32, #tpu.memory_space<hbm>>)
      %mul3A_234 = arith.constant 80 : i32
      %mul3A_235 = arith.muli %mul3A_206, %mul3A_234 : i32
      %scan3A_236 = arith.constant 0 : i32
      %scan3A_237 = arith.constant 0 : i32
      %scan3A_238 = arith.constant 5 : i32
      %scan3A_239 = arith.addi %scan3A_237, %scan3A_238 : i32
      %scan3A_240 = arith.constant 1 : i32
      scf.for %scan3A_300 = %scan3A_237 to %scan3A_239 step %scan3A_240  : i32 {
        %mul3A_301 = arith.constant 16 : i32
        %mul3A_302 = arith.muli %scan3A_300, %mul3A_301 : i32
        %add3A_303 = arith.addi %mul3A_235, %mul3A_302 : i32
        %get3A_304 = arith.index_cast %add3A_303 : i32 to index
        %get3A_305 = tpu.vector_load %arg15[%get3A_304] {strides = array<i32>} : memref<6400xi32, #tpu.memory_space<vmem>>, vector<16xi32>,
        %get3A_306 = arith.index_cast %add3A_303 : i32 to index
        %get3A_307 = tpu.vector_load %arg16[%get3A_306] {strides = array<i32>} : memref<6400xi32, #tpu.memory_space<vmem>>, vector<16xi32>,
        %mul3A_308 = arith.constant 16 : i32
        %mul3A_309 = arith.muli %scan3A_300, %mul3A_308 : i32
        %add3A_310 = vector.broadcast %mul3A_309 : i32 to vector<16xi32>
        %add3A_311 = arith.addi %add3A_310, %iota3A : vector<16xi32>
        %ne3A = arith.constant 0 : i32
        %ne3A_312 = vector.broadcast %ne3A : i32 to vector<16xi32>
        %ne3A_313 = arith.cmpi ne, %get3A_305, %ne3A_312 : vector<16xi32>
        %broadcast_in_dim3A_314 = arith.constant 80 : i32
        %broadcast_in_dim3A_315 = vector.broadcast %broadcast_in_dim3A_314 : i32 to vector<16xi32>
        %select_n3A = arith.select %ne3A_313, %add3A_311, %broadcast_in_dim3A_315 : vector<16xi1>, vector<16xi32>
        %add3A_316 = arith.addi %mul3A_5, %add3A_303 : i32
        %add3A_317 = vector.broadcast %add3A_316 : i32 to vector<16xi32>
        %add3A_318 = arith.addi %add3A_317, %iota3A : vector<16xi32>
        %rem3A_319 = arith.constant 200 : i32
        %rem3A_320 = vector.broadcast %rem3A_319 : i32 to vector<16xi32>
        %rem3A_321 = arith.remsi %add3A_318, %rem3A_320 : vector<16xi32>
        %mul3A_322 = arith.constant 25600 : i32
        %mul3A_323 = vector.broadcast %mul3A_322 : i32 to vector<16xi32>
        %mul3A_324 = arith.muli %get3A_307, %mul3A_323 : vector<16xi32>
        %mul3A_325 = arith.constant 128 : i32
        %mul3A_326 = vector.broadcast %mul3A_325 : i32 to vector<16xi32>
        %mul3A_327 = arith.muli %rem3A_321, %mul3A_326 : vector<16xi32>
        %add3A_328 = arith.addi %mul3A_324, %mul3A_327 : vector<16xi32>
        %parallel_loop3A_329 = arith.constant 0 : i32
        %parallel_loop3A_330 = arith.constant 128 : i32
        %parallel_loop3A_331 = arith.constant 1 : i32
        %parallel_loop3A_332:2 = scf.for %parallel_loop3A_380 = %parallel_loop3A_329 to %parallel_loop3A_330 step %parallel_loop3A_331 iter_args(%parallel_loop3A_381 = %broadcast_in_dim3A_1, %parallel_loop3A_382 = %broadcast_in_dim3A_1) -> (vector<16xf32>, vector<16xf32>)  : i32 {
          %parallel_loop3A_383 = vector.broadcast %parallel_loop3A_380 : i32 to vector<16xi32>
          %parallel_loop3A_384 = arith.xori %iota3A, %parallel_loop3A_383 : vector<16xi32>
          %parallel_loop3A_385 = tpu.vector_load_idx %arg11[%select_n3A, %parallel_loop3A_384] : memref<81x128xf32, #tpu.memory_space<vmem>>[vector<16xi32>, vector<16xi32>], vector<16xf32>,
          %parallel_loop3A_386 = arith.addi %add3A_328, %parallel_loop3A_384 : vector<16xi32>
          %parallel_loop3A_387 = tpu.vector_load_idx %arg10[%parallel_loop3A_386] : memref<51200xf32, #tpu.memory_space<vmem>>[vector<16xi32>], vector<16xf32>,
          %parallel_loop3A_388 = arith.addf %parallel_loop3A_385, %parallel_loop3A_387 : vector<16xf32>
          tpu.vector_store_idx %arg13[%add3A_311, %parallel_loop3A_384], %parallel_loop3A_388 : memref<80x128xf32, #tpu.memory_space<vmem>>[vector<16xi32>, vector<16xi32>], vector<16xf32>,
          %parallel_loop3A_389 = arith.addf %parallel_loop3A_381, %parallel_loop3A_388 : vector<16xf32>
          %parallel_loop3A_390 = arith.mulf %parallel_loop3A_388, %parallel_loop3A_388 : vector<16xf32>
          %parallel_loop3A_391 = arith.addf %parallel_loop3A_382, %parallel_loop3A_390 : vector<16xf32>
          scf.yield %parallel_loop3A_389, %parallel_loop3A_391 : vector<16xf32>, vector<16xf32>
        } {sc.loop_unroll_factor = 16 : i64, sc.parallel_access}
        %mul3A_333 = vector.broadcast %scan3A_179 : f32 to vector<16xf32>
        %mul3A_334 = arith.mulf %parallel_loop3A_332#0, %mul3A_333 : vector<16xf32>
        %mul3A_335 = vector.broadcast %scan3A_179 : f32 to vector<16xf32>
        %mul3A_336 = arith.mulf %parallel_loop3A_332#1, %mul3A_335 : vector<16xf32>
        %mul3A_337 = arith.mulf %mul3A_334, %mul3A_334 : vector<16xf32>
        %sub3A_338 = arith.subf %mul3A_336, %mul3A_337 : vector<16xf32>
        %add3A_339 = arith.constant 9.99999996E-13 : f32
        %add3A_340 = vector.broadcast %add3A_339 : f32 to vector<16xf32>
        %add3A_341 = arith.addf %sub3A_338, %add3A_340 : vector<16xf32>
        %bitcast3A = vector.bitcast %add3A_341 : vector<16xf32> to vector<16xi32>
        %shift_right_arithmetic3A = arith.constant 1 : i32
        %shift_right_arithmetic3A_342 = vector.broadcast %shift_right_arithmetic3A : i32 to vector<16xi32>
        %shift_right_arithmetic3A_343 = arith.shrsi %bitcast3A, %shift_right_arithmetic3A_342 : vector<16xi32>
        %sub3A_344 = arith.constant 1597463007 : i32
        %sub3A_345 = vector.broadcast %sub3A_344 : i32 to vector<16xi32>
        %sub3A_346 = arith.subi %sub3A_345, %shift_right_arithmetic3A_343 : vector<16xi32>
        %bitcast3A_347 = vector.bitcast %sub3A_346 : vector<16xi32> to vector<16xf32>
        %mul3A_348 = arith.constant 5.000000e-01 : f32
        %mul3A_349 = vector.broadcast %mul3A_348 : f32 to vector<16xf32>
        %mul3A_350 = arith.mulf %add3A_341, %mul3A_349 : vector<16xf32>
        %mul3A_351 = arith.mulf %mul3A_350, %bitcast3A_347 : vector<16xf32>
        %mul3A_352 = arith.mulf %mul3A_351, %bitcast3A_347 : vector<16xf32>
        %sub3A_353 = arith.constant 1.500000e+00 : f32
        %sub3A_354 = vector.broadcast %sub3A_353 : f32 to vector<16xf32>
        %sub3A_355 = arith.subf %sub3A_354, %mul3A_352 : vector<16xf32>
        %mul3A_356 = arith.mulf %bitcast3A_347, %sub3A_355 : vector<16xf32>
        %mul3A_357 = arith.mulf %mul3A_350, %mul3A_356 : vector<16xf32>
        %mul3A_358 = arith.mulf %mul3A_357, %mul3A_356 : vector<16xf32>
        %sub3A_359 = arith.constant 1.500000e+00 : f32
        %sub3A_360 = vector.broadcast %sub3A_359 : f32 to vector<16xf32>
        %sub3A_361 = arith.subf %sub3A_360, %mul3A_358 : vector<16xf32>
        %mul3A_362 = arith.mulf %mul3A_356, %sub3A_361 : vector<16xf32>
        %mul3A_363 = arith.mulf %mul3A_350, %mul3A_362 : vector<16xf32>
        %mul3A_364 = arith.mulf %mul3A_363, %mul3A_362 : vector<16xf32>
        %sub3A_365 = arith.constant 1.500000e+00 : f32
        %sub3A_366 = vector.broadcast %sub3A_365 : f32 to vector<16xf32>
        %sub3A_367 = arith.subf %sub3A_366, %mul3A_364 : vector<16xf32>
        %mul3A_368 = arith.mulf %mul3A_362, %sub3A_367 : vector<16xf32>
        %mul3A_369 = arith.constant 16 : i32
        %mul3A_370 = arith.muli %scan3A_300, %mul3A_369 : i32
        %swap3A_371 = arith.index_cast %mul3A_370 : i32 to index
        %swap3A_372 = tpu.vector_load %arg17[%swap3A_371] {strides = array<i32>} : memref<80xf32, #tpu.memory_space<vmem>>, vector<16xf32>,
        tpu.vector_store %arg17[%swap3A_371], %mul3A_368 {strides = array<i32>} : memref<80xf32, #tpu.memory_space<vmem>>, vector<16xf32>,
        %neg3A = arith.constant 0.000000e+00 : f32
        %neg3A_373 = vector.broadcast %neg3A : f32 to vector<16xf32>
        %neg3A_374 = arith.subf %neg3A_373, %mul3A_334 : vector<16xf32>
        %mul3A_375 = arith.mulf %neg3A_374, %mul3A_368 : vector<16xf32>
        %mul3A_376 = arith.constant 16 : i32
        %mul3A_377 = arith.muli %scan3A_300, %mul3A_376 : i32
        %swap3A_378 = arith.index_cast %mul3A_377 : i32 to index
        %swap3A_379 = tpu.vector_load %arg18[%swap3A_378] {strides = array<i32>} : memref<80xf32, #tpu.memory_space<vmem>>, vector<16xf32>,
        tpu.vector_store %arg18[%swap3A_378], %mul3A_375 {strides = array<i32>} : memref<80xf32, #tpu.memory_space<vmem>>, vector<16xf32>,
      }
      %scan3A_241 = arith.constant 5 : i32
      %convert_element_type3A = arith.extui %eq3A_159 : i1 to i32
      %cond3A = arith.constant 0 : i32
      %cond3A_242 = arith.cmpi ne, %convert_element_type3A, %cond3A : i32
      scf.if %cond3A_242 {
        %parallel_loop3A_300 = arith.constant 0 : i32
        %parallel_loop3A_301 = arith.constant 80 : i32
        %parallel_loop3A_302 = arith.constant 1 : i32
        scf.for %parallel_loop3A_303 = %parallel_loop3A_300 to %parallel_loop3A_301 step %parallel_loop3A_302  : i32 {
          %parallel_loop3A_304 = vector.broadcast %parallel_loop3A_303 : i32 to vector<16xi32>
          %parallel_loop3A_305 = tpu.vector_load_idx %arg17[%parallel_loop3A_304] : memref<80xf32, #tpu.memory_space<vmem>>[vector<16xi32>], vector<16xf32>,
          %parallel_loop3A_306 = tpu.vector_load_idx %arg18[%parallel_loop3A_304] : memref<80xf32, #tpu.memory_space<vmem>>[vector<16xi32>], vector<16xf32>,
          %parallel_loop3A_307 = arith.index_cast %parallel_loop3A_303 : i32 to index
          %parallel_loop3A_308 = arith.constant 0 : index
          %parallel_loop3A_309 = tpu.vector_load %arg13[%parallel_loop3A_307, %parallel_loop3A_308] {strides = array<i32>} : memref<80x128xf32, #tpu.memory_space<vmem>>, vector<16xf32>,
          %parallel_loop3A_310 = arith.mulf %parallel_loop3A_309, %parallel_loop3A_305 : vector<16xf32>
          %parallel_loop3A_311 = arith.addf %parallel_loop3A_310, %parallel_loop3A_306 : vector<16xf32>
          %parallel_loop3A_312 = arith.index_cast %parallel_loop3A_303 : i32 to index
          %parallel_loop3A_313 = arith.constant 0 : index
          %parallel_loop3A_314 = tpu.vector_load %arg13[%parallel_loop3A_312, %parallel_loop3A_313] {strides = array<i32>} : memref<80x128xf32, #tpu.memory_space<vmem>>, vector<16xf32>,
          tpu.vector_store %arg13[%parallel_loop3A_312, %parallel_loop3A_313], %parallel_loop3A_311 {strides = array<i32>} : memref<80x128xf32, #tpu.memory_space<vmem>>, vector<16xf32>,
          %parallel_loop3A_315 = arith.index_cast %parallel_loop3A_303 : i32 to index
          %parallel_loop3A_316 = arith.constant 16 : index
          %parallel_loop3A_317 = tpu.vector_load %arg13[%parallel_loop3A_315, %parallel_loop3A_316] {strides = array<i32>} : memref<80x128xf32, #tpu.memory_space<vmem>>, vector<16xf32>,
          %parallel_loop3A_318 = arith.mulf %parallel_loop3A_317, %parallel_loop3A_305 : vector<16xf32>
          %parallel_loop3A_319 = arith.addf %parallel_loop3A_318, %parallel_loop3A_306 : vector<16xf32>
          %parallel_loop3A_320 = arith.index_cast %parallel_loop3A_303 : i32 to index
          %parallel_loop3A_321 = arith.constant 16 : index
          %parallel_loop3A_322 = tpu.vector_load %arg13[%parallel_loop3A_320, %parallel_loop3A_321] {strides = array<i32>} : memref<80x128xf32, #tpu.memory_space<vmem>>, vector<16xf32>,
          tpu.vector_store %arg13[%parallel_loop3A_320, %parallel_loop3A_321], %parallel_loop3A_319 {strides = array<i32>} : memref<80x128xf32, #tpu.memory_space<vmem>>, vector<16xf32>,
          %parallel_loop3A_323 = arith.index_cast %parallel_loop3A_303 : i32 to index
          %parallel_loop3A_324 = arith.constant 32 : index
          %parallel_loop3A_325 = tpu.vector_load %arg13[%parallel_loop3A_323, %parallel_loop3A_324] {strides = array<i32>} : memref<80x128xf32, #tpu.memory_space<vmem>>, vector<16xf32>,
          %parallel_loop3A_326 = arith.mulf %parallel_loop3A_325, %parallel_loop3A_305 : vector<16xf32>
          %parallel_loop3A_327 = arith.addf %parallel_loop3A_326, %parallel_loop3A_306 : vector<16xf32>
          %parallel_loop3A_328 = arith.index_cast %parallel_loop3A_303 : i32 to index
          %parallel_loop3A_329 = arith.constant 32 : index
          %parallel_loop3A_330 = tpu.vector_load %arg13[%parallel_loop3A_328, %parallel_loop3A_329] {strides = array<i32>} : memref<80x128xf32, #tpu.memory_space<vmem>>, vector<16xf32>,
          tpu.vector_store %arg13[%parallel_loop3A_328, %parallel_loop3A_329], %parallel_loop3A_327 {strides = array<i32>} : memref<80x128xf32, #tpu.memory_space<vmem>>, vector<16xf32>,
          %parallel_loop3A_331 = arith.index_cast %parallel_loop3A_303 : i32 to index
          %parallel_loop3A_332 = arith.constant 48 : index
          %parallel_loop3A_333 = tpu.vector_load %arg13[%parallel_loop3A_331, %parallel_loop3A_332] {strides = array<i32>} : memref<80x128xf32, #tpu.memory_space<vmem>>, vector<16xf32>,
          %parallel_loop3A_334 = arith.mulf %parallel_loop3A_333, %parallel_loop3A_305 : vector<16xf32>
          %parallel_loop3A_335 = arith.addf %parallel_loop3A_334, %parallel_loop3A_306 : vector<16xf32>
          %parallel_loop3A_336 = arith.index_cast %parallel_loop3A_303 : i32 to index
          %parallel_loop3A_337 = arith.constant 48 : index
          %parallel_loop3A_338 = tpu.vector_load %arg13[%parallel_loop3A_336, %parallel_loop3A_337] {strides = array<i32>} : memref<80x128xf32, #tpu.memory_space<vmem>>, vector<16xf32>,
          tpu.vector_store %arg13[%parallel_loop3A_336, %parallel_loop3A_337], %parallel_loop3A_335 {strides = array<i32>} : memref<80x128xf32, #tpu.memory_space<vmem>>, vector<16xf32>,
          %parallel_loop3A_339 = arith.index_cast %parallel_loop3A_303 : i32 to index
          %parallel_loop3A_340 = arith.constant 64 : index
          %parallel_loop3A_341 = tpu.vector_load %arg13[%parallel_loop3A_339, %parallel_loop3A_340] {strides = array<i32>} : memref<80x128xf32, #tpu.memory_space<vmem>>, vector<16xf32>,
          %parallel_loop3A_342 = arith.mulf %parallel_loop3A_341, %parallel_loop3A_305 : vector<16xf32>
          %parallel_loop3A_343 = arith.addf %parallel_loop3A_342, %parallel_loop3A_306 : vector<16xf32>
          %parallel_loop3A_344 = arith.index_cast %parallel_loop3A_303 : i32 to index
          %parallel_loop3A_345 = arith.constant 64 : index
          %parallel_loop3A_346 = tpu.vector_load %arg13[%parallel_loop3A_344, %parallel_loop3A_345] {strides = array<i32>} : memref<80x128xf32, #tpu.memory_space<vmem>>, vector<16xf32>,
          tpu.vector_store %arg13[%parallel_loop3A_344, %parallel_loop3A_345], %parallel_loop3A_343 {strides = array<i32>} : memref<80x128xf32, #tpu.memory_space<vmem>>, vector<16xf32>,
          %parallel_loop3A_347 = arith.index_cast %parallel_loop3A_303 : i32 to index
          %parallel_loop3A_348 = arith.constant 80 : index
          %parallel_loop3A_349 = tpu.vector_load %arg13[%parallel_loop3A_347, %parallel_loop3A_348] {strides = array<i32>} : memref<80x128xf32, #tpu.memory_space<vmem>>, vector<16xf32>,
          %parallel_loop3A_350 = arith.mulf %parallel_loop3A_349, %parallel_loop3A_305 : vector<16xf32>
          %parallel_loop3A_351 = arith.addf %parallel_loop3A_350, %parallel_loop3A_306 : vector<16xf32>
          %parallel_loop3A_352 = arith.index_cast %parallel_loop3A_303 : i32 to index
          %parallel_loop3A_353 = arith.constant 80 : index
          %parallel_loop3A_354 = tpu.vector_load %arg13[%parallel_loop3A_352, %parallel_loop3A_353] {strides = array<i32>} : memref<80x128xf32, #tpu.memory_space<vmem>>, vector<16xf32>,
          tpu.vector_store %arg13[%parallel_loop3A_352, %parallel_loop3A_353], %parallel_loop3A_351 {strides = array<i32>} : memref<80x128xf32, #tpu.memory_space<vmem>>, vector<16xf32>,
          %parallel_loop3A_355 = arith.index_cast %parallel_loop3A_303 : i32 to index
          %parallel_loop3A_356 = arith.constant 96 : index
          %parallel_loop3A_357 = tpu.vector_load %arg13[%parallel_loop3A_355, %parallel_loop3A_356] {strides = array<i32>} : memref<80x128xf32, #tpu.memory_space<vmem>>, vector<16xf32>,
          %parallel_loop3A_358 = arith.mulf %parallel_loop3A_357, %parallel_loop3A_305 : vector<16xf32>
          %parallel_loop3A_359 = arith.addf %parallel_loop3A_358, %parallel_loop3A_306 : vector<16xf32>
          %parallel_loop3A_360 = arith.index_cast %parallel_loop3A_303 : i32 to index
          %parallel_loop3A_361 = arith.constant 96 : index
          %parallel_loop3A_362 = tpu.vector_load %arg13[%parallel_loop3A_360, %parallel_loop3A_361] {strides = array<i32>} : memref<80x128xf32, #tpu.memory_space<vmem>>, vector<16xf32>,
          tpu.vector_store %arg13[%parallel_loop3A_360, %parallel_loop3A_361], %parallel_loop3A_359 {strides = array<i32>} : memref<80x128xf32, #tpu.memory_space<vmem>>, vector<16xf32>,
          %parallel_loop3A_363 = arith.index_cast %parallel_loop3A_303 : i32 to index
          %parallel_loop3A_364 = arith.constant 112 : index
          %parallel_loop3A_365 = tpu.vector_load %arg13[%parallel_loop3A_363, %parallel_loop3A_364] {strides = array<i32>} : memref<80x128xf32, #tpu.memory_space<vmem>>, vector<16xf32>,
          %parallel_loop3A_366 = arith.mulf %parallel_loop3A_365, %parallel_loop3A_305 : vector<16xf32>
          %parallel_loop3A_367 = arith.addf %parallel_loop3A_366, %parallel_loop3A_306 : vector<16xf32>
          %parallel_loop3A_368 = arith.index_cast %parallel_loop3A_303 : i32 to index
          %parallel_loop3A_369 = arith.constant 112 : index
          %parallel_loop3A_370 = tpu.vector_load %arg13[%parallel_loop3A_368, %parallel_loop3A_369] {strides = array<i32>} : memref<80x128xf32, #tpu.memory_space<vmem>>, vector<16xf32>,
          tpu.vector_store %arg13[%parallel_loop3A_368, %parallel_loop3A_369], %parallel_loop3A_367 {strides = array<i32>} : memref<80x128xf32, #tpu.memory_space<vmem>>, vector<16xf32>,
        } {sc.loop_unroll_factor = 4 : i64, sc.parallel_access}
      } else {
        %parallel_loop3A_300 = arith.constant 0 : i32
        %parallel_loop3A_301 = arith.constant 80 : i32
        %parallel_loop3A_302 = arith.constant 1 : i32
        scf.for %parallel_loop3A_303 = %parallel_loop3A_300 to %parallel_loop3A_301 step %parallel_loop3A_302  : i32 {
          %parallel_loop3A_304 = vector.broadcast %parallel_loop3A_303 : i32 to vector<16xi32>
          %parallel_loop3A_305 = tpu.vector_load_idx %arg17[%parallel_loop3A_304] : memref<80xf32, #tpu.memory_space<vmem>>[vector<16xi32>], vector<16xf32>,
          %parallel_loop3A_306 = tpu.vector_load_idx %arg18[%parallel_loop3A_304] : memref<80xf32, #tpu.memory_space<vmem>>[vector<16xi32>], vector<16xf32>,
          %parallel_loop3A_307 = arith.index_cast %parallel_loop3A_303 : i32 to index
          %parallel_loop3A_308 = arith.constant 0 : index
          %parallel_loop3A_309 = tpu.vector_load %arg13[%parallel_loop3A_307, %parallel_loop3A_308] {strides = array<i32>} : memref<80x128xf32, #tpu.memory_space<vmem>>, vector<16xf32>,
          %parallel_loop3A_310 = arith.mulf %parallel_loop3A_309, %parallel_loop3A_305 : vector<16xf32>
          %parallel_loop3A_311 = arith.addf %parallel_loop3A_310, %parallel_loop3A_306 : vector<16xf32>
          %parallel_loop3A_312 = arith.mulf %parallel_loop3A_311, %get3A_87 : vector<16xf32>
          %parallel_loop3A_313 = arith.addf %parallel_loop3A_312, %get3A_103 : vector<16xf32>
          %parallel_loop3A_314 = arith.index_cast %parallel_loop3A_303 : i32 to index
          %parallel_loop3A_315 = arith.constant 0 : index
          %parallel_loop3A_316 = tpu.vector_load %arg13[%parallel_loop3A_314, %parallel_loop3A_315] {strides = array<i32>} : memref<80x128xf32, #tpu.memory_space<vmem>>, vector<16xf32>,
          tpu.vector_store %arg13[%parallel_loop3A_314, %parallel_loop3A_315], %parallel_loop3A_313 {strides = array<i32>} : memref<80x128xf32, #tpu.memory_space<vmem>>, vector<16xf32>,
          %parallel_loop3A_317 = arith.index_cast %parallel_loop3A_303 : i32 to index
          %parallel_loop3A_318 = arith.constant 16 : index
          %parallel_loop3A_319 = tpu.vector_load %arg13[%parallel_loop3A_317, %parallel_loop3A_318] {strides = array<i32>} : memref<80x128xf32, #tpu.memory_space<vmem>>, vector<16xf32>,
          %parallel_loop3A_320 = arith.mulf %parallel_loop3A_319, %parallel_loop3A_305 : vector<16xf32>
          %parallel_loop3A_321 = arith.addf %parallel_loop3A_320, %parallel_loop3A_306 : vector<16xf32>
          %parallel_loop3A_322 = arith.mulf %parallel_loop3A_321, %get3A_89 : vector<16xf32>
          %parallel_loop3A_323 = arith.addf %parallel_loop3A_322, %get3A_105 : vector<16xf32>
          %parallel_loop3A_324 = arith.index_cast %parallel_loop3A_303 : i32 to index
          %parallel_loop3A_325 = arith.constant 16 : index
          %parallel_loop3A_326 = tpu.vector_load %arg13[%parallel_loop3A_324, %parallel_loop3A_325] {strides = array<i32>} : memref<80x128xf32, #tpu.memory_space<vmem>>, vector<16xf32>,
          tpu.vector_store %arg13[%parallel_loop3A_324, %parallel_loop3A_325], %parallel_loop3A_323 {strides = array<i32>} : memref<80x128xf32, #tpu.memory_space<vmem>>, vector<16xf32>,
          %parallel_loop3A_327 = arith.index_cast %parallel_loop3A_303 : i32 to index
          %parallel_loop3A_328 = arith.constant 32 : index
          %parallel_loop3A_329 = tpu.vector_load %arg13[%parallel_loop3A_327, %parallel_loop3A_328] {strides = array<i32>} : memref<80x128xf32, #tpu.memory_space<vmem>>, vector<16xf32>,
          %parallel_loop3A_330 = arith.mulf %parallel_loop3A_329, %parallel_loop3A_305 : vector<16xf32>
          %parallel_loop3A_331 = arith.addf %parallel_loop3A_330, %parallel_loop3A_306 : vector<16xf32>
          %parallel_loop3A_332 = arith.mulf %parallel_loop3A_331, %get3A_91 : vector<16xf32>
          %parallel_loop3A_333 = arith.addf %parallel_loop3A_332, %get3A_107 : vector<16xf32>
          %parallel_loop3A_334 = arith.index_cast %parallel_loop3A_303 : i32 to index
          %parallel_loop3A_335 = arith.constant 32 : index
          %parallel_loop3A_336 = tpu.vector_load %arg13[%parallel_loop3A_334, %parallel_loop3A_335] {strides = array<i32>} : memref<80x128xf32, #tpu.memory_space<vmem>>, vector<16xf32>,
          tpu.vector_store %arg13[%parallel_loop3A_334, %parallel_loop3A_335], %parallel_loop3A_333 {strides = array<i32>} : memref<80x128xf32, #tpu.memory_space<vmem>>, vector<16xf32>,
          %parallel_loop3A_337 = arith.index_cast %parallel_loop3A_303 : i32 to index
          %parallel_loop3A_338 = arith.constant 48 : index
          %parallel_loop3A_339 = tpu.vector_load %arg13[%parallel_loop3A_337, %parallel_loop3A_338] {strides = array<i32>} : memref<80x128xf32, #tpu.memory_space<vmem>>, vector<16xf32>,
          %parallel_loop3A_340 = arith.mulf %parallel_loop3A_339, %parallel_loop3A_305 : vector<16xf32>
          %parallel_loop3A_341 = arith.addf %parallel_loop3A_340, %parallel_loop3A_306 : vector<16xf32>
          %parallel_loop3A_342 = arith.mulf %parallel_loop3A_341, %get3A_93 : vector<16xf32>
          %parallel_loop3A_343 = arith.addf %parallel_loop3A_342, %get3A_109 : vector<16xf32>
          %parallel_loop3A_344 = arith.index_cast %parallel_loop3A_303 : i32 to index
          %parallel_loop3A_345 = arith.constant 48 : index
          %parallel_loop3A_346 = tpu.vector_load %arg13[%parallel_loop3A_344, %parallel_loop3A_345] {strides = array<i32>} : memref<80x128xf32, #tpu.memory_space<vmem>>, vector<16xf32>,
          tpu.vector_store %arg13[%parallel_loop3A_344, %parallel_loop3A_345], %parallel_loop3A_343 {strides = array<i32>} : memref<80x128xf32, #tpu.memory_space<vmem>>, vector<16xf32>,
          %parallel_loop3A_347 = arith.index_cast %parallel_loop3A_303 : i32 to index
          %parallel_loop3A_348 = arith.constant 64 : index
          %parallel_loop3A_349 = tpu.vector_load %arg13[%parallel_loop3A_347, %parallel_loop3A_348] {strides = array<i32>} : memref<80x128xf32, #tpu.memory_space<vmem>>, vector<16xf32>,
          %parallel_loop3A_350 = arith.mulf %parallel_loop3A_349, %parallel_loop3A_305 : vector<16xf32>
          %parallel_loop3A_351 = arith.addf %parallel_loop3A_350, %parallel_loop3A_306 : vector<16xf32>
          %parallel_loop3A_352 = arith.mulf %parallel_loop3A_351, %get3A_95 : vector<16xf32>
          %parallel_loop3A_353 = arith.addf %parallel_loop3A_352, %get3A_111 : vector<16xf32>
          %parallel_loop3A_354 = arith.index_cast %parallel_loop3A_303 : i32 to index
          %parallel_loop3A_355 = arith.constant 64 : index
          %parallel_loop3A_356 = tpu.vector_load %arg13[%parallel_loop3A_354, %parallel_loop3A_355] {strides = array<i32>} : memref<80x128xf32, #tpu.memory_space<vmem>>, vector<16xf32>,
          tpu.vector_store %arg13[%parallel_loop3A_354, %parallel_loop3A_355], %parallel_loop3A_353 {strides = array<i32>} : memref<80x128xf32, #tpu.memory_space<vmem>>, vector<16xf32>,
          %parallel_loop3A_357 = arith.index_cast %parallel_loop3A_303 : i32 to index
          %parallel_loop3A_358 = arith.constant 80 : index
          %parallel_loop3A_359 = tpu.vector_load %arg13[%parallel_loop3A_357, %parallel_loop3A_358] {strides = array<i32>} : memref<80x128xf32, #tpu.memory_space<vmem>>, vector<16xf32>,
          %parallel_loop3A_360 = arith.mulf %parallel_loop3A_359, %parallel_loop3A_305 : vector<16xf32>
          %parallel_loop3A_361 = arith.addf %parallel_loop3A_360, %parallel_loop3A_306 : vector<16xf32>
          %parallel_loop3A_362 = arith.mulf %parallel_loop3A_361, %get3A_97 : vector<16xf32>
          %parallel_loop3A_363 = arith.addf %parallel_loop3A_362, %get3A_113 : vector<16xf32>
          %parallel_loop3A_364 = arith.index_cast %parallel_loop3A_303 : i32 to index
          %parallel_loop3A_365 = arith.constant 80 : index
          %parallel_loop3A_366 = tpu.vector_load %arg13[%parallel_loop3A_364, %parallel_loop3A_365] {strides = array<i32>} : memref<80x128xf32, #tpu.memory_space<vmem>>, vector<16xf32>,
          tpu.vector_store %arg13[%parallel_loop3A_364, %parallel_loop3A_365], %parallel_loop3A_363 {strides = array<i32>} : memref<80x128xf32, #tpu.memory_space<vmem>>, vector<16xf32>,
          %parallel_loop3A_367 = arith.index_cast %parallel_loop3A_303 : i32 to index
          %parallel_loop3A_368 = arith.constant 96 : index
          %parallel_loop3A_369 = tpu.vector_load %arg13[%parallel_loop3A_367, %parallel_loop3A_368] {strides = array<i32>} : memref<80x128xf32, #tpu.memory_space<vmem>>, vector<16xf32>,
          %parallel_loop3A_370 = arith.mulf %parallel_loop3A_369, %parallel_loop3A_305 : vector<16xf32>
          %parallel_loop3A_371 = arith.addf %parallel_loop3A_370, %parallel_loop3A_306 : vector<16xf32>
          %parallel_loop3A_372 = arith.mulf %parallel_loop3A_371, %get3A_99 : vector<16xf32>
          %parallel_loop3A_373 = arith.addf %parallel_loop3A_372, %get3A_115 : vector<16xf32>
          %parallel_loop3A_374 = arith.index_cast %parallel_loop3A_303 : i32 to index
          %parallel_loop3A_375 = arith.constant 96 : index
          %parallel_loop3A_376 = tpu.vector_load %arg13[%parallel_loop3A_374, %parallel_loop3A_375] {strides = array<i32>} : memref<80x128xf32, #tpu.memory_space<vmem>>, vector<16xf32>,
          tpu.vector_store %arg13[%parallel_loop3A_374, %parallel_loop3A_375], %parallel_loop3A_373 {strides = array<i32>} : memref<80x128xf32, #tpu.memory_space<vmem>>, vector<16xf32>,
          %parallel_loop3A_377 = arith.index_cast %parallel_loop3A_303 : i32 to index
          %parallel_loop3A_378 = arith.constant 112 : index
          %parallel_loop3A_379 = tpu.vector_load %arg13[%parallel_loop3A_377, %parallel_loop3A_378] {strides = array<i32>} : memref<80x128xf32, #tpu.memory_space<vmem>>, vector<16xf32>,
          %parallel_loop3A_380 = arith.mulf %parallel_loop3A_379, %parallel_loop3A_305 : vector<16xf32>
          %parallel_loop3A_381 = arith.addf %parallel_loop3A_380, %parallel_loop3A_306 : vector<16xf32>
          %parallel_loop3A_382 = arith.mulf %parallel_loop3A_381, %get3A_101 : vector<16xf32>
          %parallel_loop3A_383 = arith.addf %parallel_loop3A_382, %get3A_117 : vector<16xf32>
          %parallel_loop3A_384 = arith.index_cast %parallel_loop3A_303 : i32 to index
          %parallel_loop3A_385 = arith.constant 112 : index
          %parallel_loop3A_386 = tpu.vector_load %arg13[%parallel_loop3A_384, %parallel_loop3A_385] {strides = array<i32>} : memref<80x128xf32, #tpu.memory_space<vmem>>, vector<16xf32>,
          tpu.vector_store %arg13[%parallel_loop3A_384, %parallel_loop3A_385], %parallel_loop3A_383 {strides = array<i32>} : memref<80x128xf32, #tpu.memory_space<vmem>>, vector<16xf32>,
        } {sc.loop_unroll_factor = 4 : i64, sc.parallel_access}
      }
      %mul3A_243 = arith.constant 80 : i32
      %mul3A_244 = arith.muli %mul3A_206, %mul3A_243 : i32
      %add3A_245 = arith.addi %mul3A_244, %mul3A_5 : i32
      %dma_start3A_246 = arith.constant 0 : i32
      %dma_start3A_247 = tpu.memref_slice %arg9[%add3A_245, %dma_start3A_246] : memref<204800x128xf32, #tpu.memory_space<hbm>> -> memref<80x128xf32, #tpu.memory_space<hbm>>
      %dma_start3A_248 = arith.constant 0 : i32
      %dma_start3A_249 = tpu.memref_slice %arg9[%add3A_245, %dma_start3A_248] : memref<204800x128xf32, #tpu.memory_space<hbm>> -> memref<80x128xf32, #tpu.memory_space<hbm>>
      tpu.enqueue_dma source(%arg13 : memref<80x128xf32, #tpu.memory_space<vmem>>) target(%dma_start3A_249 : memref<80x128xf32, #tpu.memory_space<hbm>>) target_semaphore(%arg24 : memref<!tpu.dma_semaphore, #tpu.memory_space<semaphore_mem>>)
      %add3A_250 = arith.constant 2 : i32
      %add3A_251 = arith.addi %mul3A_206, %add3A_250 : i32
      %rem3A = arith.constant 80 : i32
      %rem3A_252 = arith.remsi %add3A_251, %rem3A : i32
      %mul3A_253 = arith.constant 80 : i32
      %mul3A_254 = arith.muli %rem3A_252, %mul3A_253 : i32
      %dma_start3A_255 = arith.constant 0 : i32
      %dma_start3A_256 = arith.constant 0 : i32
      %dma_start3A_257 = tpu.memref_slice %arg11[%dma_start3A_255, %dma_start3A_256] : memref<81x128xf32, #tpu.memory_space<vmem>> -> memref<80x128xf32, #tpu.memory_space<vmem>>
      %dma_start3A_258 = tpu.memref_slice %arg15[%mul3A_254] : memref<6400xi32, #tpu.memory_space<vmem>> -> memref<80xi32, #tpu.memory_space<vmem>>
      %dma_start3A_259 = arith.constant 0 : i32
      %dma_start3A_260 = arith.constant 0 : i32
      %dma_start3A_261 = tpu.memref_slice %arg4[%dma_start3A_259, %dma_start3A_260] : memref<100000x128xf32, #tpu.memory_space<hbm>> -> memref<100000x128xf32, #tpu.memory_space<hbm>>
      tpu.enqueue_indirect_dma source(%dma_start3A_261 : memref<100000x128xf32, #tpu.memory_space<hbm>>) target(%dma_start3A_257 : memref<80x128xf32, #tpu.memory_space<vmem>>) offsets(%dma_start3A_258 : memref<80xi32, #tpu.memory_space<vmem>>) semaphore(%arg22 : memref<!tpu.dma_semaphore, #tpu.memory_space<semaphore_mem>>)
      %dma_wait3A_262 = arith.constant 0 : i32
      %dma_wait3A_263 = arith.constant 0 : i32
      %dma_wait3A_264 = tpu.memref_slice %arg12[%dma_wait3A_262, %dma_wait3A_263] : memref<81x128xf32, #tpu.memory_space<vmem>> -> memref<80x128xf32, #tpu.memory_space<vmem>>
      %dma_wait3A_265 = arith.constant 0 : i32
      %dma_wait3A_266 = arith.constant 0 : i32
      %dma_wait3A_267 = tpu.memref_slice %arg4[%dma_wait3A_265, %dma_wait3A_266] : memref<100000x128xf32, #tpu.memory_space<hbm>> -> memref<80x128xf32, #tpu.memory_space<hbm>>
      %dma_wait3A_268 = arith.constant 0 : i32
      %dma_wait3A_269 = arith.constant 0 : i32
      %dma_wait3A_270 = tpu.memref_slice %arg12[%dma_wait3A_268, %dma_wait3A_269] : memref<81x128xf32, #tpu.memory_space<vmem>> -> memref<80x128xf32, #tpu.memory_space<vmem>>
      %dma_wait3A_271 = arith.constant 0 : i32
      %dma_wait3A_272 = arith.constant 0 : i32
      %dma_wait3A_273 = tpu.memref_slice %arg4[%dma_wait3A_271, %dma_wait3A_272] : memref<100000x128xf32, #tpu.memory_space<hbm>> -> memref<80x128xf32, #tpu.memory_space<hbm>>
      tpu.wait_dma2 semaphore(%arg23 : memref<!tpu.dma_semaphore, #tpu.memory_space<semaphore_mem>>) src(%dma_wait3A_273 : memref<80x128xf32, #tpu.memory_space<hbm>>) dst(%dma_wait3A_270 : memref<80x128xf32, #tpu.memory_space<vmem>>)
      %dma_wait3A_274 = arith.constant 0 : i32
      %dma_wait3A_275 = tpu.memref_slice %arg9[%mul3A_5, %dma_wait3A_274] : memref<204800x128xf32, #tpu.memory_space<hbm>> -> memref<80x128xf32, #tpu.memory_space<hbm>>
      %dma_wait3A_276 = arith.constant 0 : i32
      %dma_wait3A_277 = tpu.memref_slice %arg9[%mul3A_5, %dma_wait3A_276] : memref<204800x128xf32, #tpu.memory_space<hbm>> -> memref<80x128xf32, #tpu.memory_space<hbm>>
      tpu.wait_dma2 semaphore(%arg25 : memref<!tpu.dma_semaphore, #tpu.memory_space<semaphore_mem>>) src(%arg14 : memref<80x128xf32, #tpu.memory_space<vmem>>) dst(%dma_wait3A_277 : memref<80x128xf32, #tpu.memory_space<hbm>>)
      %add3A_278 = arith.constant 1 : i32
      %add3A_279 = arith.addi %mul3A_206, %add3A_278 : i32
      %mul3A_280 = arith.constant 80 : i32
      %mul3A_281 = arith.muli %add3A_279, %mul3A_280 : i32
      %scan3A_282 = arith.constant 0 : i32
      %scan3A_283 = arith.constant 0 : i32
      %scan3A_284 = arith.constant 5 : i32
      %scan3A_285 = arith.addi %scan3A_283, %scan3A_284 : i32
      %scan3A_286 = arith.constant 1 : i32
      scf.for %scan3A_300 = %scan3A_283 to %scan3A_285 step %scan3A_286  : i32 {
        %mul3A_301 = arith.constant 16 : i32
        %mul3A_302 = arith.muli %scan3A_300, %mul3A_301 : i32
        %add3A_303 = arith.addi %mul3A_281, %mul3A_302 : i32
        %get3A_304 = arith.index_cast %add3A_303 : i32 to index
        %get3A_305 = tpu.vector_load %arg15[%get3A_304] {strides = array<i32>} : memref<6400xi32, #tpu.memory_space<vmem>>, vector<16xi32>,
        %get3A_306 = arith.index_cast %add3A_303 : i32 to index
        %get3A_307 = tpu.vector_load %arg16[%get3A_306] {strides = array<i32>} : memref<6400xi32, #tpu.memory_space<vmem>>, vector<16xi32>,
        %mul3A_308 = arith.constant 16 : i32
        %mul3A_309 = arith.muli %scan3A_300, %mul3A_308 : i32
        %add3A_310 = vector.broadcast %mul3A_309 : i32 to vector<16xi32>
        %add3A_311 = arith.addi %add3A_310, %iota3A : vector<16xi32>
        %ne3A = arith.constant 0 : i32
        %ne3A_312 = vector.broadcast %ne3A : i32 to vector<16xi32>
        %ne3A_313 = arith.cmpi ne, %get3A_305, %ne3A_312 : vector<16xi32>
        %broadcast_in_dim3A_314 = arith.constant 80 : i32
        %broadcast_in_dim3A_315 = vector.broadcast %broadcast_in_dim3A_314 : i32 to vector<16xi32>
        %select_n3A = arith.select %ne3A_313, %add3A_311, %broadcast_in_dim3A_315 : vector<16xi1>, vector<16xi32>
        %add3A_316 = arith.addi %mul3A_5, %add3A_303 : i32
        %add3A_317 = vector.broadcast %add3A_316 : i32 to vector<16xi32>
        %add3A_318 = arith.addi %add3A_317, %iota3A : vector<16xi32>
        %rem3A_319 = arith.constant 200 : i32
        %rem3A_320 = vector.broadcast %rem3A_319 : i32 to vector<16xi32>
        %rem3A_321 = arith.remsi %add3A_318, %rem3A_320 : vector<16xi32>
        %mul3A_322 = arith.constant 25600 : i32
        %mul3A_323 = vector.broadcast %mul3A_322 : i32 to vector<16xi32>
        %mul3A_324 = arith.muli %get3A_307, %mul3A_323 : vector<16xi32>
        %mul3A_325 = arith.constant 128 : i32
        %mul3A_326 = vector.broadcast %mul3A_325 : i32 to vector<16xi32>
        %mul3A_327 = arith.muli %rem3A_321, %mul3A_326 : vector<16xi32>
        %add3A_328 = arith.addi %mul3A_324, %mul3A_327 : vector<16xi32>
        %parallel_loop3A_329 = arith.constant 0 : i32
        %parallel_loop3A_330 = arith.constant 128 : i32
        %parallel_loop3A_331 = arith.constant 1 : i32
        %parallel_loop3A_332:2 = scf.for %parallel_loop3A_380 = %parallel_loop3A_329 to %parallel_loop3A_330 step %parallel_loop3A_331 iter_args(%parallel_loop3A_381 = %broadcast_in_dim3A_1, %parallel_loop3A_382 = %broadcast_in_dim3A_1) -> (vector<16xf32>, vector<16xf32>)  : i32 {
          %parallel_loop3A_383 = vector.broadcast %parallel_loop3A_380 : i32 to vector<16xi32>
          %parallel_loop3A_384 = arith.xori %iota3A, %parallel_loop3A_383 : vector<16xi32>
          %parallel_loop3A_385 = tpu.vector_load_idx %arg12[%select_n3A, %parallel_loop3A_384] : memref<81x128xf32, #tpu.memory_space<vmem>>[vector<16xi32>, vector<16xi32>], vector<16xf32>,
          %parallel_loop3A_386 = arith.addi %add3A_328, %parallel_loop3A_384 : vector<16xi32>
          %parallel_loop3A_387 = tpu.vector_load_idx %arg10[%parallel_loop3A_386] : memref<51200xf32, #tpu.memory_space<vmem>>[vector<16xi32>], vector<16xf32>,
          %parallel_loop3A_388 = arith.addf %parallel_loop3A_385, %parallel_loop3A_387 : vector<16xf32>
          tpu.vector_store_idx %arg14[%add3A_311, %parallel_loop3A_384], %parallel_loop3A_388 : memref<80x128xf32, #tpu.memory_space<vmem>>[vector<16xi32>, vector<16xi32>], vector<16xf32>,
          %parallel_loop3A_389 = arith.addf %parallel_loop3A_381, %parallel_loop3A_388 : vector<16xf32>
          %parallel_loop3A_390 = arith.mulf %parallel_loop3A_388, %parallel_loop3A_388 : vector<16xf32>
          %parallel_loop3A_391 = arith.addf %parallel_loop3A_382, %parallel_loop3A_390 : vector<16xf32>
          scf.yield %parallel_loop3A_389, %parallel_loop3A_391 : vector<16xf32>, vector<16xf32>
        } {sc.loop_unroll_factor = 16 : i64, sc.parallel_access}
        %mul3A_333 = vector.broadcast %scan3A_179 : f32 to vector<16xf32>
        %mul3A_334 = arith.mulf %parallel_loop3A_332#0, %mul3A_333 : vector<16xf32>
        %mul3A_335 = vector.broadcast %scan3A_179 : f32 to vector<16xf32>
        %mul3A_336 = arith.mulf %parallel_loop3A_332#1, %mul3A_335 : vector<16xf32>
        %mul3A_337 = arith.mulf %mul3A_334, %mul3A_334 : vector<16xf32>
        %sub3A_338 = arith.subf %mul3A_336, %mul3A_337 : vector<16xf32>
        %add3A_339 = arith.constant 9.99999996E-13 : f32
        %add3A_340 = vector.broadcast %add3A_339 : f32 to vector<16xf32>
        %add3A_341 = arith.addf %sub3A_338, %add3A_340 : vector<16xf32>
        %bitcast3A = vector.bitcast %add3A_341 : vector<16xf32> to vector<16xi32>
        %shift_right_arithmetic3A = arith.constant 1 : i32
        %shift_right_arithmetic3A_342 = vector.broadcast %shift_right_arithmetic3A : i32 to vector<16xi32>
        %shift_right_arithmetic3A_343 = arith.shrsi %bitcast3A, %shift_right_arithmetic3A_342 : vector<16xi32>
        %sub3A_344 = arith.constant 1597463007 : i32
        %sub3A_345 = vector.broadcast %sub3A_344 : i32 to vector<16xi32>
        %sub3A_346 = arith.subi %sub3A_345, %shift_right_arithmetic3A_343 : vector<16xi32>
        %bitcast3A_347 = vector.bitcast %sub3A_346 : vector<16xi32> to vector<16xf32>
        %mul3A_348 = arith.constant 5.000000e-01 : f32
        %mul3A_349 = vector.broadcast %mul3A_348 : f32 to vector<16xf32>
        %mul3A_350 = arith.mulf %add3A_341, %mul3A_349 : vector<16xf32>
        %mul3A_351 = arith.mulf %mul3A_350, %bitcast3A_347 : vector<16xf32>
        %mul3A_352 = arith.mulf %mul3A_351, %bitcast3A_347 : vector<16xf32>
        %sub3A_353 = arith.constant 1.500000e+00 : f32
        %sub3A_354 = vector.broadcast %sub3A_353 : f32 to vector<16xf32>
        %sub3A_355 = arith.subf %sub3A_354, %mul3A_352 : vector<16xf32>
        %mul3A_356 = arith.mulf %bitcast3A_347, %sub3A_355 : vector<16xf32>
        %mul3A_357 = arith.mulf %mul3A_350, %mul3A_356 : vector<16xf32>
        %mul3A_358 = arith.mulf %mul3A_357, %mul3A_356 : vector<16xf32>
        %sub3A_359 = arith.constant 1.500000e+00 : f32
        %sub3A_360 = vector.broadcast %sub3A_359 : f32 to vector<16xf32>
        %sub3A_361 = arith.subf %sub3A_360, %mul3A_358 : vector<16xf32>
        %mul3A_362 = arith.mulf %mul3A_356, %sub3A_361 : vector<16xf32>
        %mul3A_363 = arith.mulf %mul3A_350, %mul3A_362 : vector<16xf32>
        %mul3A_364 = arith.mulf %mul3A_363, %mul3A_362 : vector<16xf32>
        %sub3A_365 = arith.constant 1.500000e+00 : f32
        %sub3A_366 = vector.broadcast %sub3A_365 : f32 to vector<16xf32>
        %sub3A_367 = arith.subf %sub3A_366, %mul3A_364 : vector<16xf32>
        %mul3A_368 = arith.mulf %mul3A_362, %sub3A_367 : vector<16xf32>
        %mul3A_369 = arith.constant 16 : i32
        %mul3A_370 = arith.muli %scan3A_300, %mul3A_369 : i32
        %swap3A_371 = arith.index_cast %mul3A_370 : i32 to index
        %swap3A_372 = tpu.vector_load %arg17[%swap3A_371] {strides = array<i32>} : memref<80xf32, #tpu.memory_space<vmem>>, vector<16xf32>,
        tpu.vector_store %arg17[%swap3A_371], %mul3A_368 {strides = array<i32>} : memref<80xf32, #tpu.memory_space<vmem>>, vector<16xf32>,
        %neg3A = arith.constant 0.000000e+00 : f32
        %neg3A_373 = vector.broadcast %neg3A : f32 to vector<16xf32>
        %neg3A_374 = arith.subf %neg3A_373, %mul3A_334 : vector<16xf32>
        %mul3A_375 = arith.mulf %neg3A_374, %mul3A_368 : vector<16xf32>
        %mul3A_376 = arith.constant 16 : i32
        %mul3A_377 = arith.muli %scan3A_300, %mul3A_376 : i32
        %swap3A_378 = arith.index_cast %mul3A_377 : i32 to index
        %swap3A_379 = tpu.vector_load %arg18[%swap3A_378] {strides = array<i32>} : memref<80xf32, #tpu.memory_space<vmem>>, vector<16xf32>,
        tpu.vector_store %arg18[%swap3A_378], %mul3A_375 {strides = array<i32>} : memref<80xf32, #tpu.memory_space<vmem>>, vector<16xf32>,
      }
      %scan3A_287 = arith.constant 5 : i32
      %convert_element_type3A_288 = arith.extui %eq3A_159 : i1 to i32
      %cond3A_289 = arith.constant 0 : i32
      %cond3A_290 = arith.cmpi ne, %convert_element_type3A_288, %cond3A_289 : i32
      scf.if %cond3A_290 {
        %parallel_loop3A_300 = arith.constant 0 : i32
        %parallel_loop3A_301 = arith.constant 80 : i32
        %parallel_loop3A_302 = arith.constant 1 : i32
        scf.for %parallel_loop3A_303 = %parallel_loop3A_300 to %parallel_loop3A_301 step %parallel_loop3A_302  : i32 {
          %parallel_loop3A_304 = vector.broadcast %parallel_loop3A_303 : i32 to vector<16xi32>
          %parallel_loop3A_305 = tpu.vector_load_idx %arg17[%parallel_loop3A_304] : memref<80xf32, #tpu.memory_space<vmem>>[vector<16xi32>], vector<16xf32>,
          %parallel_loop3A_306 = tpu.vector_load_idx %arg18[%parallel_loop3A_304] : memref<80xf32, #tpu.memory_space<vmem>>[vector<16xi32>], vector<16xf32>,
          %parallel_loop3A_307 = arith.index_cast %parallel_loop3A_303 : i32 to index
          %parallel_loop3A_308 = arith.constant 0 : index
          %parallel_loop3A_309 = tpu.vector_load %arg14[%parallel_loop3A_307, %parallel_loop3A_308] {strides = array<i32>} : memref<80x128xf32, #tpu.memory_space<vmem>>, vector<16xf32>,
          %parallel_loop3A_310 = arith.mulf %parallel_loop3A_309, %parallel_loop3A_305 : vector<16xf32>
          %parallel_loop3A_311 = arith.addf %parallel_loop3A_310, %parallel_loop3A_306 : vector<16xf32>
          %parallel_loop3A_312 = arith.index_cast %parallel_loop3A_303 : i32 to index
          %parallel_loop3A_313 = arith.constant 0 : index
          %parallel_loop3A_314 = tpu.vector_load %arg14[%parallel_loop3A_312, %parallel_loop3A_313] {strides = array<i32>} : memref<80x128xf32, #tpu.memory_space<vmem>>, vector<16xf32>,
          tpu.vector_store %arg14[%parallel_loop3A_312, %parallel_loop3A_313], %parallel_loop3A_311 {strides = array<i32>} : memref<80x128xf32, #tpu.memory_space<vmem>>, vector<16xf32>,
          %parallel_loop3A_315 = arith.index_cast %parallel_loop3A_303 : i32 to index
          %parallel_loop3A_316 = arith.constant 16 : index
          %parallel_loop3A_317 = tpu.vector_load %arg14[%parallel_loop3A_315, %parallel_loop3A_316] {strides = array<i32>} : memref<80x128xf32, #tpu.memory_space<vmem>>, vector<16xf32>,
          %parallel_loop3A_318 = arith.mulf %parallel_loop3A_317, %parallel_loop3A_305 : vector<16xf32>
          %parallel_loop3A_319 = arith.addf %parallel_loop3A_318, %parallel_loop3A_306 : vector<16xf32>
          %parallel_loop3A_320 = arith.index_cast %parallel_loop3A_303 : i32 to index
          %parallel_loop3A_321 = arith.constant 16 : index
          %parallel_loop3A_322 = tpu.vector_load %arg14[%parallel_loop3A_320, %parallel_loop3A_321] {strides = array<i32>} : memref<80x128xf32, #tpu.memory_space<vmem>>, vector<16xf32>,
          tpu.vector_store %arg14[%parallel_loop3A_320, %parallel_loop3A_321], %parallel_loop3A_319 {strides = array<i32>} : memref<80x128xf32, #tpu.memory_space<vmem>>, vector<16xf32>,
          %parallel_loop3A_323 = arith.index_cast %parallel_loop3A_303 : i32 to index
          %parallel_loop3A_324 = arith.constant 32 : index
          %parallel_loop3A_325 = tpu.vector_load %arg14[%parallel_loop3A_323, %parallel_loop3A_324] {strides = array<i32>} : memref<80x128xf32, #tpu.memory_space<vmem>>, vector<16xf32>,
          %parallel_loop3A_326 = arith.mulf %parallel_loop3A_325, %parallel_loop3A_305 : vector<16xf32>
          %parallel_loop3A_327 = arith.addf %parallel_loop3A_326, %parallel_loop3A_306 : vector<16xf32>
          %parallel_loop3A_328 = arith.index_cast %parallel_loop3A_303 : i32 to index
          %parallel_loop3A_329 = arith.constant 32 : index
          %parallel_loop3A_330 = tpu.vector_load %arg14[%parallel_loop3A_328, %parallel_loop3A_329] {strides = array<i32>} : memref<80x128xf32, #tpu.memory_space<vmem>>, vector<16xf32>,
          tpu.vector_store %arg14[%parallel_loop3A_328, %parallel_loop3A_329], %parallel_loop3A_327 {strides = array<i32>} : memref<80x128xf32, #tpu.memory_space<vmem>>, vector<16xf32>,
          %parallel_loop3A_331 = arith.index_cast %parallel_loop3A_303 : i32 to index
          %parallel_loop3A_332 = arith.constant 48 : index
          %parallel_loop3A_333 = tpu.vector_load %arg14[%parallel_loop3A_331, %parallel_loop3A_332] {strides = array<i32>} : memref<80x128xf32, #tpu.memory_space<vmem>>, vector<16xf32>,
          %parallel_loop3A_334 = arith.mulf %parallel_loop3A_333, %parallel_loop3A_305 : vector<16xf32>
          %parallel_loop3A_335 = arith.addf %parallel_loop3A_334, %parallel_loop3A_306 : vector<16xf32>
          %parallel_loop3A_336 = arith.index_cast %parallel_loop3A_303 : i32 to index
          %parallel_loop3A_337 = arith.constant 48 : index
          %parallel_loop3A_338 = tpu.vector_load %arg14[%parallel_loop3A_336, %parallel_loop3A_337] {strides = array<i32>} : memref<80x128xf32, #tpu.memory_space<vmem>>, vector<16xf32>,
          tpu.vector_store %arg14[%parallel_loop3A_336, %parallel_loop3A_337], %parallel_loop3A_335 {strides = array<i32>} : memref<80x128xf32, #tpu.memory_space<vmem>>, vector<16xf32>,
          %parallel_loop3A_339 = arith.index_cast %parallel_loop3A_303 : i32 to index
          %parallel_loop3A_340 = arith.constant 64 : index
          %parallel_loop3A_341 = tpu.vector_load %arg14[%parallel_loop3A_339, %parallel_loop3A_340] {strides = array<i32>} : memref<80x128xf32, #tpu.memory_space<vmem>>, vector<16xf32>,
          %parallel_loop3A_342 = arith.mulf %parallel_loop3A_341, %parallel_loop3A_305 : vector<16xf32>
          %parallel_loop3A_343 = arith.addf %parallel_loop3A_342, %parallel_loop3A_306 : vector<16xf32>
          %parallel_loop3A_344 = arith.index_cast %parallel_loop3A_303 : i32 to index
          %parallel_loop3A_345 = arith.constant 64 : index
          %parallel_loop3A_346 = tpu.vector_load %arg14[%parallel_loop3A_344, %parallel_loop3A_345] {strides = array<i32>} : memref<80x128xf32, #tpu.memory_space<vmem>>, vector<16xf32>,
          tpu.vector_store %arg14[%parallel_loop3A_344, %parallel_loop3A_345], %parallel_loop3A_343 {strides = array<i32>} : memref<80x128xf32, #tpu.memory_space<vmem>>, vector<16xf32>,
          %parallel_loop3A_347 = arith.index_cast %parallel_loop3A_303 : i32 to index
          %parallel_loop3A_348 = arith.constant 80 : index
          %parallel_loop3A_349 = tpu.vector_load %arg14[%parallel_loop3A_347, %parallel_loop3A_348] {strides = array<i32>} : memref<80x128xf32, #tpu.memory_space<vmem>>, vector<16xf32>,
          %parallel_loop3A_350 = arith.mulf %parallel_loop3A_349, %parallel_loop3A_305 : vector<16xf32>
          %parallel_loop3A_351 = arith.addf %parallel_loop3A_350, %parallel_loop3A_306 : vector<16xf32>
          %parallel_loop3A_352 = arith.index_cast %parallel_loop3A_303 : i32 to index
          %parallel_loop3A_353 = arith.constant 80 : index
          %parallel_loop3A_354 = tpu.vector_load %arg14[%parallel_loop3A_352, %parallel_loop3A_353] {strides = array<i32>} : memref<80x128xf32, #tpu.memory_space<vmem>>, vector<16xf32>,
          tpu.vector_store %arg14[%parallel_loop3A_352, %parallel_loop3A_353], %parallel_loop3A_351 {strides = array<i32>} : memref<80x128xf32, #tpu.memory_space<vmem>>, vector<16xf32>,
          %parallel_loop3A_355 = arith.index_cast %parallel_loop3A_303 : i32 to index
          %parallel_loop3A_356 = arith.constant 96 : index
          %parallel_loop3A_357 = tpu.vector_load %arg14[%parallel_loop3A_355, %parallel_loop3A_356] {strides = array<i32>} : memref<80x128xf32, #tpu.memory_space<vmem>>, vector<16xf32>,
          %parallel_loop3A_358 = arith.mulf %parallel_loop3A_357, %parallel_loop3A_305 : vector<16xf32>
          %parallel_loop3A_359 = arith.addf %parallel_loop3A_358, %parallel_loop3A_306 : vector<16xf32>
          %parallel_loop3A_360 = arith.index_cast %parallel_loop3A_303 : i32 to index
          %parallel_loop3A_361 = arith.constant 96 : index
          %parallel_loop3A_362 = tpu.vector_load %arg14[%parallel_loop3A_360, %parallel_loop3A_361] {strides = array<i32>} : memref<80x128xf32, #tpu.memory_space<vmem>>, vector<16xf32>,
          tpu.vector_store %arg14[%parallel_loop3A_360, %parallel_loop3A_361], %parallel_loop3A_359 {strides = array<i32>} : memref<80x128xf32, #tpu.memory_space<vmem>>, vector<16xf32>,
          %parallel_loop3A_363 = arith.index_cast %parallel_loop3A_303 : i32 to index
          %parallel_loop3A_364 = arith.constant 112 : index
          %parallel_loop3A_365 = tpu.vector_load %arg14[%parallel_loop3A_363, %parallel_loop3A_364] {strides = array<i32>} : memref<80x128xf32, #tpu.memory_space<vmem>>, vector<16xf32>,
          %parallel_loop3A_366 = arith.mulf %parallel_loop3A_365, %parallel_loop3A_305 : vector<16xf32>
          %parallel_loop3A_367 = arith.addf %parallel_loop3A_366, %parallel_loop3A_306 : vector<16xf32>
          %parallel_loop3A_368 = arith.index_cast %parallel_loop3A_303 : i32 to index
          %parallel_loop3A_369 = arith.constant 112 : index
          %parallel_loop3A_370 = tpu.vector_load %arg14[%parallel_loop3A_368, %parallel_loop3A_369] {strides = array<i32>} : memref<80x128xf32, #tpu.memory_space<vmem>>, vector<16xf32>,
          tpu.vector_store %arg14[%parallel_loop3A_368, %parallel_loop3A_369], %parallel_loop3A_367 {strides = array<i32>} : memref<80x128xf32, #tpu.memory_space<vmem>>, vector<16xf32>,
        } {sc.loop_unroll_factor = 4 : i64, sc.parallel_access}
      } else {
        %parallel_loop3A_300 = arith.constant 0 : i32
        %parallel_loop3A_301 = arith.constant 80 : i32
        %parallel_loop3A_302 = arith.constant 1 : i32
        scf.for %parallel_loop3A_303 = %parallel_loop3A_300 to %parallel_loop3A_301 step %parallel_loop3A_302  : i32 {
          %parallel_loop3A_304 = vector.broadcast %parallel_loop3A_303 : i32 to vector<16xi32>
          %parallel_loop3A_305 = tpu.vector_load_idx %arg17[%parallel_loop3A_304] : memref<80xf32, #tpu.memory_space<vmem>>[vector<16xi32>], vector<16xf32>,
          %parallel_loop3A_306 = tpu.vector_load_idx %arg18[%parallel_loop3A_304] : memref<80xf32, #tpu.memory_space<vmem>>[vector<16xi32>], vector<16xf32>,
          %parallel_loop3A_307 = arith.index_cast %parallel_loop3A_303 : i32 to index
          %parallel_loop3A_308 = arith.constant 0 : index
          %parallel_loop3A_309 = tpu.vector_load %arg14[%parallel_loop3A_307, %parallel_loop3A_308] {strides = array<i32>} : memref<80x128xf32, #tpu.memory_space<vmem>>, vector<16xf32>,
          %parallel_loop3A_310 = arith.mulf %parallel_loop3A_309, %parallel_loop3A_305 : vector<16xf32>
          %parallel_loop3A_311 = arith.addf %parallel_loop3A_310, %parallel_loop3A_306 : vector<16xf32>
          %parallel_loop3A_312 = arith.mulf %parallel_loop3A_311, %get3A_87 : vector<16xf32>
          %parallel_loop3A_313 = arith.addf %parallel_loop3A_312, %get3A_103 : vector<16xf32>
          %parallel_loop3A_314 = arith.index_cast %parallel_loop3A_303 : i32 to index
          %parallel_loop3A_315 = arith.constant 0 : index
          %parallel_loop3A_316 = tpu.vector_load %arg14[%parallel_loop3A_314, %parallel_loop3A_315] {strides = array<i32>} : memref<80x128xf32, #tpu.memory_space<vmem>>, vector<16xf32>,
          tpu.vector_store %arg14[%parallel_loop3A_314, %parallel_loop3A_315], %parallel_loop3A_313 {strides = array<i32>} : memref<80x128xf32, #tpu.memory_space<vmem>>, vector<16xf32>,
          %parallel_loop3A_317 = arith.index_cast %parallel_loop3A_303 : i32 to index
          %parallel_loop3A_318 = arith.constant 16 : index
          %parallel_loop3A_319 = tpu.vector_load %arg14[%parallel_loop3A_317, %parallel_loop3A_318] {strides = array<i32>} : memref<80x128xf32, #tpu.memory_space<vmem>>, vector<16xf32>,
          %parallel_loop3A_320 = arith.mulf %parallel_loop3A_319, %parallel_loop3A_305 : vector<16xf32>
          %parallel_loop3A_321 = arith.addf %parallel_loop3A_320, %parallel_loop3A_306 : vector<16xf32>
          %parallel_loop3A_322 = arith.mulf %parallel_loop3A_321, %get3A_89 : vector<16xf32>
          %parallel_loop3A_323 = arith.addf %parallel_loop3A_322, %get3A_105 : vector<16xf32>
          %parallel_loop3A_324 = arith.index_cast %parallel_loop3A_303 : i32 to index
          %parallel_loop3A_325 = arith.constant 16 : index
          %parallel_loop3A_326 = tpu.vector_load %arg14[%parallel_loop3A_324, %parallel_loop3A_325] {strides = array<i32>} : memref<80x128xf32, #tpu.memory_space<vmem>>, vector<16xf32>,
          tpu.vector_store %arg14[%parallel_loop3A_324, %parallel_loop3A_325], %parallel_loop3A_323 {strides = array<i32>} : memref<80x128xf32, #tpu.memory_space<vmem>>, vector<16xf32>,
          %parallel_loop3A_327 = arith.index_cast %parallel_loop3A_303 : i32 to index
          %parallel_loop3A_328 = arith.constant 32 : index
          %parallel_loop3A_329 = tpu.vector_load %arg14[%parallel_loop3A_327, %parallel_loop3A_328] {strides = array<i32>} : memref<80x128xf32, #tpu.memory_space<vmem>>, vector<16xf32>,
          %parallel_loop3A_330 = arith.mulf %parallel_loop3A_329, %parallel_loop3A_305 : vector<16xf32>
          %parallel_loop3A_331 = arith.addf %parallel_loop3A_330, %parallel_loop3A_306 : vector<16xf32>
          %parallel_loop3A_332 = arith.mulf %parallel_loop3A_331, %get3A_91 : vector<16xf32>
          %parallel_loop3A_333 = arith.addf %parallel_loop3A_332, %get3A_107 : vector<16xf32>
          %parallel_loop3A_334 = arith.index_cast %parallel_loop3A_303 : i32 to index
          %parallel_loop3A_335 = arith.constant 32 : index
          %parallel_loop3A_336 = tpu.vector_load %arg14[%parallel_loop3A_334, %parallel_loop3A_335] {strides = array<i32>} : memref<80x128xf32, #tpu.memory_space<vmem>>, vector<16xf32>,
          tpu.vector_store %arg14[%parallel_loop3A_334, %parallel_loop3A_335], %parallel_loop3A_333 {strides = array<i32>} : memref<80x128xf32, #tpu.memory_space<vmem>>, vector<16xf32>,
          %parallel_loop3A_337 = arith.index_cast %parallel_loop3A_303 : i32 to index
          %parallel_loop3A_338 = arith.constant 48 : index
          %parallel_loop3A_339 = tpu.vector_load %arg14[%parallel_loop3A_337, %parallel_loop3A_338] {strides = array<i32>} : memref<80x128xf32, #tpu.memory_space<vmem>>, vector<16xf32>,
          %parallel_loop3A_340 = arith.mulf %parallel_loop3A_339, %parallel_loop3A_305 : vector<16xf32>
          %parallel_loop3A_341 = arith.addf %parallel_loop3A_340, %parallel_loop3A_306 : vector<16xf32>
          %parallel_loop3A_342 = arith.mulf %parallel_loop3A_341, %get3A_93 : vector<16xf32>
          %parallel_loop3A_343 = arith.addf %parallel_loop3A_342, %get3A_109 : vector<16xf32>
          %parallel_loop3A_344 = arith.index_cast %parallel_loop3A_303 : i32 to index
          %parallel_loop3A_345 = arith.constant 48 : index
          %parallel_loop3A_346 = tpu.vector_load %arg14[%parallel_loop3A_344, %parallel_loop3A_345] {strides = array<i32>} : memref<80x128xf32, #tpu.memory_space<vmem>>, vector<16xf32>,
          tpu.vector_store %arg14[%parallel_loop3A_344, %parallel_loop3A_345], %parallel_loop3A_343 {strides = array<i32>} : memref<80x128xf32, #tpu.memory_space<vmem>>, vector<16xf32>,
          %parallel_loop3A_347 = arith.index_cast %parallel_loop3A_303 : i32 to index
          %parallel_loop3A_348 = arith.constant 64 : index
          %parallel_loop3A_349 = tpu.vector_load %arg14[%parallel_loop3A_347, %parallel_loop3A_348] {strides = array<i32>} : memref<80x128xf32, #tpu.memory_space<vmem>>, vector<16xf32>,
          %parallel_loop3A_350 = arith.mulf %parallel_loop3A_349, %parallel_loop3A_305 : vector<16xf32>
          %parallel_loop3A_351 = arith.addf %parallel_loop3A_350, %parallel_loop3A_306 : vector<16xf32>
          %parallel_loop3A_352 = arith.mulf %parallel_loop3A_351, %get3A_95 : vector<16xf32>
          %parallel_loop3A_353 = arith.addf %parallel_loop3A_352, %get3A_111 : vector<16xf32>
          %parallel_loop3A_354 = arith.index_cast %parallel_loop3A_303 : i32 to index
          %parallel_loop3A_355 = arith.constant 64 : index
          %parallel_loop3A_356 = tpu.vector_load %arg14[%parallel_loop3A_354, %parallel_loop3A_355] {strides = array<i32>} : memref<80x128xf32, #tpu.memory_space<vmem>>, vector<16xf32>,
          tpu.vector_store %arg14[%parallel_loop3A_354, %parallel_loop3A_355], %parallel_loop3A_353 {strides = array<i32>} : memref<80x128xf32, #tpu.memory_space<vmem>>, vector<16xf32>,
          %parallel_loop3A_357 = arith.index_cast %parallel_loop3A_303 : i32 to index
          %parallel_loop3A_358 = arith.constant 80 : index
          %parallel_loop3A_359 = tpu.vector_load %arg14[%parallel_loop3A_357, %parallel_loop3A_358] {strides = array<i32>} : memref<80x128xf32, #tpu.memory_space<vmem>>, vector<16xf32>,
          %parallel_loop3A_360 = arith.mulf %parallel_loop3A_359, %parallel_loop3A_305 : vector<16xf32>
          %parallel_loop3A_361 = arith.addf %parallel_loop3A_360, %parallel_loop3A_306 : vector<16xf32>
          %parallel_loop3A_362 = arith.mulf %parallel_loop3A_361, %get3A_97 : vector<16xf32>
          %parallel_loop3A_363 = arith.addf %parallel_loop3A_362, %get3A_113 : vector<16xf32>
          %parallel_loop3A_364 = arith.index_cast %parallel_loop3A_303 : i32 to index
          %parallel_loop3A_365 = arith.constant 80 : index
          %parallel_loop3A_366 = tpu.vector_load %arg14[%parallel_loop3A_364, %parallel_loop3A_365] {strides = array<i32>} : memref<80x128xf32, #tpu.memory_space<vmem>>, vector<16xf32>,
          tpu.vector_store %arg14[%parallel_loop3A_364, %parallel_loop3A_365], %parallel_loop3A_363 {strides = array<i32>} : memref<80x128xf32, #tpu.memory_space<vmem>>, vector<16xf32>,
          %parallel_loop3A_367 = arith.index_cast %parallel_loop3A_303 : i32 to index
          %parallel_loop3A_368 = arith.constant 96 : index
          %parallel_loop3A_369 = tpu.vector_load %arg14[%parallel_loop3A_367, %parallel_loop3A_368] {strides = array<i32>} : memref<80x128xf32, #tpu.memory_space<vmem>>, vector<16xf32>,
          %parallel_loop3A_370 = arith.mulf %parallel_loop3A_369, %parallel_loop3A_305 : vector<16xf32>
          %parallel_loop3A_371 = arith.addf %parallel_loop3A_370, %parallel_loop3A_306 : vector<16xf32>
          %parallel_loop3A_372 = arith.mulf %parallel_loop3A_371, %get3A_99 : vector<16xf32>
          %parallel_loop3A_373 = arith.addf %parallel_loop3A_372, %get3A_115 : vector<16xf32>
          %parallel_loop3A_374 = arith.index_cast %parallel_loop3A_303 : i32 to index
          %parallel_loop3A_375 = arith.constant 96 : index
          %parallel_loop3A_376 = tpu.vector_load %arg14[%parallel_loop3A_374, %parallel_loop3A_375] {strides = array<i32>} : memref<80x128xf32, #tpu.memory_space<vmem>>, vector<16xf32>,
          tpu.vector_store %arg14[%parallel_loop3A_374, %parallel_loop3A_375], %parallel_loop3A_373 {strides = array<i32>} : memref<80x128xf32, #tpu.memory_space<vmem>>, vector<16xf32>,
          %parallel_loop3A_377 = arith.index_cast %parallel_loop3A_303 : i32 to index
          %parallel_loop3A_378 = arith.constant 112 : index
          %parallel_loop3A_379 = tpu.vector_load %arg14[%parallel_loop3A_377, %parallel_loop3A_378] {strides = array<i32>} : memref<80x128xf32, #tpu.memory_space<vmem>>, vector<16xf32>,
          %parallel_loop3A_380 = arith.mulf %parallel_loop3A_379, %parallel_loop3A_305 : vector<16xf32>
          %parallel_loop3A_381 = arith.addf %parallel_loop3A_380, %parallel_loop3A_306 : vector<16xf32>
          %parallel_loop3A_382 = arith.mulf %parallel_loop3A_381, %get3A_101 : vector<16xf32>
          %parallel_loop3A_383 = arith.addf %parallel_loop3A_382, %get3A_117 : vector<16xf32>
          %parallel_loop3A_384 = arith.index_cast %parallel_loop3A_303 : i32 to index
          %parallel_loop3A_385 = arith.constant 112 : index
          %parallel_loop3A_386 = tpu.vector_load %arg14[%parallel_loop3A_384, %parallel_loop3A_385] {strides = array<i32>} : memref<80x128xf32, #tpu.memory_space<vmem>>, vector<16xf32>,
          tpu.vector_store %arg14[%parallel_loop3A_384, %parallel_loop3A_385], %parallel_loop3A_383 {strides = array<i32>} : memref<80x128xf32, #tpu.memory_space<vmem>>, vector<16xf32>,
        } {sc.loop_unroll_factor = 4 : i64, sc.parallel_access}
      }
      %add3A_291 = arith.constant 1 : i32
      %add3A_292 = arith.addi %mul3A_206, %add3A_291 : i32
      %mul3A_293 = arith.constant 80 : i32
      %mul3A_294 = arith.muli %add3A_292, %mul3A_293 : i32
      %add3A_295 = arith.addi %mul3A_294, %mul3A_5 : i32
      %dma_start3A_296 = arith.constant 0 : i32
      %dma_start3A_297 = tpu.memref_slice %arg9[%add3A_295, %dma_start3A_296] : memref<204800x128xf32, #tpu.memory_space<hbm>> -> memref<80x128xf32, #tpu.memory_space<hbm>>
      %dma_start3A_298 = arith.constant 0 : i32
      %dma_start3A_299 = tpu.memref_slice %arg9[%add3A_295, %dma_start3A_298] : memref<204800x128xf32, #tpu.memory_space<hbm>> -> memref<80x128xf32, #tpu.memory_space<hbm>>
      tpu.enqueue_dma source(%arg14 : memref<80x128xf32, #tpu.memory_space<vmem>>) target(%dma_start3A_299 : memref<80x128xf32, #tpu.memory_space<hbm>>) target_semaphore(%arg25 : memref<!tpu.dma_semaphore, #tpu.memory_space<semaphore_mem>>)
    }
    %scan3A_184 = arith.constant 40 : i32
    %dma_wait3A = arith.constant 0 : i32
    %dma_wait3A_185 = arith.constant 0 : i32
    %dma_wait3A_186 = tpu.memref_slice %arg11[%dma_wait3A, %dma_wait3A_185] : memref<81x128xf32, #tpu.memory_space<vmem>> -> memref<80x128xf32, #tpu.memory_space<vmem>>
    %dma_wait3A_187 = arith.constant 0 : i32
    %dma_wait3A_188 = arith.constant 0 : i32
    %dma_wait3A_189 = tpu.memref_slice %arg4[%dma_wait3A_187, %dma_wait3A_188] : memref<100000x128xf32, #tpu.memory_space<hbm>> -> memref<80x128xf32, #tpu.memory_space<hbm>>
    %dma_wait3A_190 = arith.constant 0 : i32
    %dma_wait3A_191 = arith.constant 0 : i32
    %dma_wait3A_192 = tpu.memref_slice %arg11[%dma_wait3A_190, %dma_wait3A_191] : memref<81x128xf32, #tpu.memory_space<vmem>> -> memref<80x128xf32, #tpu.memory_space<vmem>>
    %dma_wait3A_193 = arith.constant 0 : i32
    %dma_wait3A_194 = arith.constant 0 : i32
    %dma_wait3A_195 = tpu.memref_slice %arg4[%dma_wait3A_193, %dma_wait3A_194] : memref<100000x128xf32, #tpu.memory_space<hbm>> -> memref<80x128xf32, #tpu.memory_space<hbm>>
    tpu.wait_dma2 semaphore(%arg22 : memref<!tpu.dma_semaphore, #tpu.memory_space<semaphore_mem>>) src(%dma_wait3A_195 : memref<80x128xf32, #tpu.memory_space<hbm>>) dst(%dma_wait3A_192 : memref<80x128xf32, #tpu.memory_space<vmem>>)
    %dma_wait3A_196 = arith.constant 0 : i32
    %dma_wait3A_197 = tpu.memref_slice %arg9[%mul3A_5, %dma_wait3A_196] : memref<204800x128xf32, #tpu.memory_space<hbm>> -> memref<80x128xf32, #tpu.memory_space<hbm>>
    %dma_wait3A_198 = arith.constant 0 : i32
    %dma_wait3A_199 = tpu.memref_slice %arg9[%mul3A_5, %dma_wait3A_198] : memref<204800x128xf32, #tpu.memory_space<hbm>> -> memref<80x128xf32, #tpu.memory_space<hbm>>
    tpu.wait_dma2 semaphore(%arg24 : memref<!tpu.dma_semaphore, #tpu.memory_space<semaphore_mem>>) src(%arg13 : memref<80x128xf32, #tpu.memory_space<vmem>>) dst(%dma_wait3A_199 : memref<80x128xf32, #tpu.memory_space<hbm>>)
    %dma_wait3A_200 = arith.constant 0 : i32
    %dma_wait3A_201 = tpu.memref_slice %arg9[%mul3A_5, %dma_wait3A_200] : memref<204800x128xf32, #tpu.memory_space<hbm>> -> memref<80x128xf32, #tpu.memory_space<hbm>>
    %dma_wait3A_202 = arith.constant 0 : i32
    %dma_wait3A_203 = tpu.memref_slice %arg9[%mul3A_5, %dma_wait3A_202] : memref<204800x128xf32, #tpu.memory_space<hbm>> -> memref<80x128xf32, #tpu.memory_space<hbm>>
    tpu.wait_dma2 semaphore(%arg25 : memref<!tpu.dma_semaphore, #tpu.memory_space<semaphore_mem>>) src(%arg14 : memref<80x128xf32, #tpu.memory_space<vmem>>) dst(%dma_wait3A_203 : memref<80x128xf32, #tpu.memory_space<hbm>>)
    return
  }
}

</mosaic_0001>

<sc_bundles>
// kernel: kernel.3.cloned.1.call-start
scs
__scs_entry_jumppad:
0x0: {  	(pc) =	sbr.rel $0x88, $3  }
0x1: {  	(tag) =	ssettag $0x0;
	lr =	simm.s32 $0x1  }
0x2: {  	[smem:$0x3F9A] =	sst lr;
	_ =	strace $0xD0000000  }
0x3: {  	_ = 	snop  }
0x4: {  	_ = 	snop  }
0x5: {  	_ = 	snop  }
0x6: {  	_ = 	snop  }
0x7: {  	_ = 	snop  }
__scs_overlays_trampoline_lowered:
0x8: {  	[smem:$0x3FA9] =	sst s0  }
0x9: {  	[smem:$0x3FAA] =	sst s1  }
0xa: {  	[smem:$0x3FAB] =	sst s2  }
0xb: {  	[smem:$0x3FAC] =	sst s3  }
0xc: {  	[smem:$0x3FAD] =	sst s4  }
0xd: {  	[smem:$0x3FAE] =	sst s5  }
0xe: {  	[smem:$0x3FAF] =	sst s6  }
0xf: {  	[smem:$0x3FB0] =	sst s7  }
0x10: {  	[smem:$0x3FB1] =	sst s8  }
0x11: {  	[smem:$0x3FB2] =	sst s9;
	s0 =	simm.s32 @!p0 $0x0  }
0x12: {  	s1 =	sld [smem:$0x3F98];
	s0 =	simm.s32 @p0 $0x1  }
0x13: {  	[smem:$0x3FB3] =	sst s0;
	s0 =	simm.s32 @!p1 $0x0  }
0x14: {  	s2 =	sld [smem:$0x3F97];
	s0 =	simm.s32 @p1 $0x1  }
0x15: {  	[smem:$0x3FB4] =	sst s0;
	s0 =	simm.s32 @!p2 $0x0  }
0x16: {  	s3 =	sld [smem:$0x3FDB];
	s0 =	simm.s32 @p2 $0x1  }
0x17: {  	s4 =	simm.s32 $0x1BF5;
	[smem:$0x3FB6] =	sst s0  }
0x18: {  	s0 =	sld [smem:$0x3F99];
	_ =	swait.ge [sflag:s4], $0x0  }
0x19: {  	s7 =	sld [smem:$0x3F9A]  }
0x1a: {  	s8 =	sadd.s32 $0xFFFFE003, lr  }
0x1b: {  	s9 =	sadd.s32 $0xFFFFFEF7, lr;
	s5 =	simm.s32 $0xFFFFFFFF;
	p2 =	slt.u32 s8, $0xFFFFF086  }
0x1c: {  	p1 =	slt.u32 s9, $0xF7A;
	s5 =	simm.s32 @!p2 $0x0  }
0x1d: {  	s5 =	simm.s32 @p1 $0x1;
	p0 =	seq.s32 s7, s2  }
0x1e: {  	s7 =	smul.u32 @!p0 $0xF7A, s2;
	p2 =	seq.s32 @!p0 s5, $0x0  }
0x1f: {  	s9 =	smul.u32 $0xF7A, s1;
	s8 =	simm.s32 @!p0 $0x1BF5;
	p2 =	por !p2, p0  }
0x20: {  	[sflag:s8] =	ssyncset.s32 @!p0 $0xFFFFF086;
	s6 =	sadd.s32 @!p0 s3, s7;
	s7 =	simm.s32 @!p0 $0x108  }
0x21: {  	s3 =	sadd.s32 s3, s9;
	s6 =	sadd.s32 @!p0 $0x88, s6;
	s7 =	simm.s32 @p2 $0x1082  }
0x22: {  	[simem:s7], [sflag:s8] =	dma.local @!p0 [hbm:s6], $0xF7A  }
0x23: {  	s9 =	sor.u32 $0xD0000000, s2;
	s6 =	simm.s32 $0x108;
	_ =	swait.ge @!p0 [sflag:s8], $0x0  }
0x24: {  	s3 =	sadd.s32 $0x88, s3;
	s6 =	simm.s32 @!p1 $0x1082;
	[sflag:s4] =	ssyncset.s32 $0xFFFFF086  }
0x25: {  	[simem:s6], [sflag:s4] =	dma.local [hbm:s3], $0xF7A  }
0x26: {  	[smem:$0x3F9A] =	sst s1;
	(tag) =	ssettag s2;
	_ =	strace s9  }
0x27: {  	s1 =	sld [smem:$0x3FAA]  }
0x28: {  	s2 =	sld [smem:$0x3FAB]  }
0x29: {  	s4 =	sld [smem:$0x3FAD]  }
0x2a: {  	p0 =	seq.s32 s5, $0x0;
	s5 =	sld [smem:$0x3FAE]  }
0x2b: {  	s6 =	sld [smem:$0x3FAF]  }
0x2c: {  	s7 =	sld [smem:$0x3FB0]  }
0x2d: {  	s3 =	simm.s32 $0x108;
	s8 =	sld [smem:$0x3FB1]  }
0x2e: {  	s3 =	simm.s32 @!p0 $0x1082;
	s9 =	sld [smem:$0x3FB2]  }
0x2f: {  	lr =	sadd.s32 s0, s3;
	s0 =	sld [smem:$0x3FA9]  }
0x30: {  	s3 =	sld [smem:$0x3FAC]  }
0x31: {  	[smem:$0x3FB5] =	sst s10  }
0x32: {  	s10 =	sld [smem:$0x3FB3];
	_ =	sdelay $0x3  }
0x33: {  	p0 =	seq.s32 s10, $0x1;
	s10 =	sld [smem:$0x3FB5];
	_ =	sdelay $0x3  }
0x34: {  	[smem:$0x3FB5] =	sst s10  }
0x35: {  	s10 =	sld [smem:$0x3FB4];
	_ =	sdelay $0x3  }
0x36: {  	p1 =	seq.s32 s10, $0x1;
	s10 =	sld [smem:$0x3FB5];
	_ =	sdelay $0x3  }
0x37: {  	[smem:$0x3FB5] =	sst s10  }
0x38: {  	s10 =	sld [smem:$0x3FB6]  }
0x39: {  	_ = 	snop;
	(pc) =	sbr.ind lr, $3  }
0x3a: {  	_ = 	snop  }
0x3b: {  	_ = 	snop  }
0x3c: {  	p2 =	seq.s32 s10, $0x1;
	s10 =	sld [smem:$0x3FB5]  }
0x3d: {  	_ =	shalt  }
0x3e: {  	_ =	shalt  }
0x3f: {  	_ =	shalt  }
0x40: {  	_ =	shalt  }
0x41: {  	_ =	shalt  }
0x42: {  	_ =	shalt  }
0x43: {  	_ =	shalt  }
0x44: {  	_ =	shalt  }
0x45: {  	_ =	shalt  }
0x46: {  	_ =	shalt  }
0x47: {  	_ =	shalt  }
0x48: {  	_ =	shalt  }
0x49: {  	_ =	shalt  }
0x4a: {  	_ =	shalt  }
0x4b: {  	_ =	shalt  }
0x4c: {  	_ =	shalt  }
0x4d: {  	_ =	shalt  }
0x4e: {  	_ =	shalt  }
0x4f: {  	_ =	shalt  }
0x50: {  	_ =	shalt  }
0x51: {  	_ =	shalt  }
0x52: {  	_ =	shalt  }
0x53: {  	_ =	shalt  }
0x54: {  	_ =	shalt  }
0x55: {  	_ =	shalt  }
0x56: {  	_ =	shalt  }
0x57: {  	_ =	shalt  }
0x58: {  	_ =	shalt  }
0x59: {  	_ =	shalt  }
0x5a: {  	_ =	shalt  }
0x5b: {  	_ =	shalt  }
0x5c: {  	_ =	shalt  }
0x5d: {  	_ =	shalt  }
0x5e: {  	_ =	shalt  }
0x5f: {  	_ =	shalt  }
0x60: {  	_ =	shalt  }
0x61: {  	_ =	shalt  }
0x62: {  	_ =	shalt  }
0x63: {  	_ =	shalt  }
0x64: {  	_ =	shalt  }
0x65: {  	_ =	shalt  }
0x66: {  	_ =	shalt  }
0x67: {  	_ =	shalt  }
0x68: {  	_ =	shalt  }
0x69: {  	_ =	shalt  }
0x6a: {  	_ =	shalt  }
0x6b: {  	_ =	shalt  }
0x6c: {  	_ =	shalt  }
0x6d: {  	_ =	shalt  }
0x6e: {  	_ =	shalt  }
0x6f: {  	_ =	shalt  }
0x70: {  	_ =	shalt  }
0x71: {  	_ =	shalt  }
0x72: {  	_ =	shalt  }
0x73: {  	_ =	shalt  }
0x74: {  	_ =	shalt  }
0x75: {  	_ =	shalt  }
0x76: {  	_ =	shalt  }
0x77: {  	_ =	shalt  }
0x78: {  	_ =	shalt  }
0x79: {  	_ =	shalt  }
0x7a: {  	_ =	shalt  }
0x7b: {  	_ =	shalt  }
0x7c: {  	_ =	shalt  }
0x7d: {  	_ =	shalt  }
0x7e: {  	_ =	shalt  }
0x7f: {  	_ =	shalt  }
0x80: {  	_ =	shalt  }
0x81: {  	_ =	shalt  }
0x82: {  	_ =	shalt  }
0x83: {  	_ =	shalt  }
0x84: {  	_ =	shalt  }
0x85: {  	_ =	shalt  }
0x86: {  	_ =	shalt  }
0x87: {  	_ =	shalt  }
.Lfunc_end0:
.L_simem_size_0:
called_computation_lowered:
.L_overlay_start_0:
0x88: {  	s2 =	sld [smem:$0x3FD9]  }
0x89: {  	s3 =	sld [smem:$0x3FFE];
	_ =	sdelay $0x1  }
0x8a: {  	s1 =	srdreg.scid  }
0x8b: {  	s0 =	sand.u32 $0x1, s1  }
0x8c: {  	s17 =	sshll.u32 s0, $0xA;
	s2 =	sadd.s32 s3, s2  }
0x8d: {  	s2 =	sadd.s32 s2, s17  }
0x8e: {  	[smem:$0x3FC1] =	sst s2  }
0x8f: {  	_ = 	snop  }
0x90: {  	s2 =	sld [smem:$0x3FC7]  }
0x91: {  	s18 =	sld [smem:$0x3FC6]  }
0x92: {  	s4 =	sld [smem:$0x3FC5]  }
0x93: {  	s5 =	sld [smem:$0x3FC4]  }
0x94: {  	s6 =	sld [smem:$0x3FD0];
	(tm) =	ssettm $0x1  }
0x95: {  	s7 =	sld [smem:$0x3FFB];
	_ =	sdelay $0x3  }
0x96: {  	_ =	strace s7  }
0x97: {  	s7 =	sld [smem:$0x3FFC];
	_ =	sdelay $0x3  }
0x98: {  	_ =	strace s7  }
0x99: {  	s7 =	sld [smem:$0x3FFD];
	_ =	sdelay $0x3  }
0x9a: {  	_ =	strace s7  }
0x9b: {  	_ =	strace $0x8FFFFFFF  }
0x9c: {  	s19 =	sld [smem:$0x3FDB];
	_ =	sdelay $0x1  }
0x9d: {  	s8 =	simm.s32 $_scs_section_size  }
0x9e: {  	s9 =	simm.s32 $_size__tile_overlayer_lowered;
	s10 =	simm.s32 $_tile_overlayer_lowered  }
0x9f: {  	s22 =	simm.s32 $0x1BFF;
	s21 =	sshll.u32 s10, $0x1;
	s7 =	sadd.s32 s8, s19  }
0xa0: {  	s11 =	simm.s32 $0x0;
	s20 =	sshll.u32 s9, $0x1;
	s9 =	sadd.s32 s21, s7  }
0xa1: {  	[timem:s11], [sflag:s22] =	dma.local [hbm:s9], s20  }
0xa2: {  	_ =	swait.ge [sflag:s22], s20  }
0xa3: {  	s8 =	ssub.s32 $0x0, s20;
	[sflag:s22] =	ssyncset.done $0x0  }
0xa4: {  	[sflag:s22] =	ssyncadd.s32 s8;
	_ =	sdelay $0x1  }
0xa5: {  	s23 =	simm.s32 $0x1B8B  }
0xa6: {  	_ =	swait.ge [sflag:s23], $0x1  }
0xa7: {  	[sflag:s23] =	ssyncset.done $0x0  }
0xa8: {  	s25 =	simm.s32 $0x1B8E;
	s24 =	sld [smem:$0x3FFE];
	[sflag:s23] =	ssyncadd.s32 $0xFFFFFFFF  }
0xa9: {  	s26 =	simm.s32 $execute0_lowered;
	[smem:$0x3FD2] =	sst s25  }
0xaa: {  	s9 =	sshll.u32 s26, $0x1;
	_ =	strace $0x80000046;
	[dreg:$0x1] =	wrdreg $0xFFFFFFFF  }
0xab: {  	s28 =	simm.s32 $_size_execute0_lowered;
	s7 =	sadd.s32 s7, s9;
	[dreg:$0x0] =	wrdreg $0x0  }
0xac: {  	s9 =	sshll.u32 s28, $0x1;
	[dreg:$0x2] =	wrdreg s7  }
0xad: {  	[dreg:$0x3] =	wrdreg s9  }
0xae: {  	[dreg:$0x4] =	wrdreg $0xC0  }
0xaf: {  	_ =	task [dreg:s11], $0x5FFFF  }
0xb0: {  	[dreg:$0x1] =	wrdreg $0xFFFFFFFF  }
0xb1: {  	[dreg:$0x0] =	wrdreg $0x60  }
0xb2: {  	[dreg:$0x2] =	wrdreg s24  }
0xb3: {  	[dreg:$0x3] =	wrdreg s2  }
0xb4: {  	[dreg:$0x4] =	wrdreg s18  }
0xb5: {  	[dreg:$0x5] =	wrdreg s4  }
0xb6: {  	[dreg:$0x6] =	wrdreg s5  }
0xb7: {  	[dreg:$0x7] =	wrdreg s6  }
0xb8: {  	[dreg:$0x8] =	wrdreg $0x9  }
0xb9: {  	_ =	task.clear_ibuf [dreg:s11], $0x9FFFF;
	_ =	strace $0x90000046  }
0xba: {  	s29 =	simm.s32 $0x9;
	_ =	strace $0x80000048  }
0xbb: {  	_ =	swait.ge [sflag:s29], $0x1  }
0xbc: {  	[sflag:s29] =	ssyncadd.s32 $0xFFFFFFFF  }
0xbd: {  	_ =	strace $0x90000048  }
0xbe: {  	_ =	sfence  }
0xbf: {  	s30 =	sld [smem:$0x0];
	_ =	sdelay $0x2  }
0xc0: {  	s31 =	sshll.u32 s1, $0xD;
	s1 =	sshrl.u32 s1, $0x2  }
0xc1: {  	s3 =	sand.u32 $0x4000, s31;
	s1 =	sadd.s32 s1, s30  }
0xc2: {  	s0 =	sor.u32 s3, s0;
	s1 =	sshll.u32 s1, $0x11  }
0xc3: {  	s0 =	sor.u32 s1, s0  }
0xc4: {  	s0 =	sadd.s32 $0x8F2B, s0  }
0xc5: {  	[sflag:s0] =	ssyncadd.remote.s32 $0x1  }
0xc6: {  	_ =	sfence.sel $0xFFFF  }
0xc7: {  	[dreg:$0x0] =	wrdreg $0xFFFFFFFF;
	(pc) =	sbr.abs _section_cstart, $3  }
0xc8: {  	[dreg:$0x1] =	wrdreg $0xFFFFFFFF  }
0xc9: {  	_ =	task.clear_ibuf [dreg:s11], $0x2FFFF;
	_ =	strace $0x9FFFFFFF  }
0xca: {  	(tm) =	ssettm $0x7FFFFFFF  }
0xcb: {  	_ =	shalt  }
tec
execute0_lowered:
.L_overlay_start_1:
0x0: {  	(tag) =	ssettag $0x1  }
0x1: {  	s1 =	rddreg [dreg:$0x0]  }
0x2: {  	s0 =	rddreg [dreg:$0x1];
	s2 =	srdreg.scid  }
0x3: {  	s3 =	stileid.u32;
	s6 =	rddreg [dreg:$0x5];
	s7 =	simm.s32 $0x0  }
0x4: {  	s10 =	simm.s32 $0x17000;
	s16 =	simm.s32 $0x5;
	s21 =	simm.s32 $0x50  }
0x5: {  	s22 =	simm.s32 $0xC800;
	s2 =	sand.u32 $0x1, s2;
	s3 =	sshll.u32 s3, $0x1  }
0x6: {  	s28 =	simm.s32 $0x3;
	s29 =	simm.s32 $0x1A200;
	s3 =	sor.u32 s2, s3  }
0x7: {  	s30 =	simm.s32 $0x1A280;
	s31 =	simm.s32 $0x2;
	s8 =	smul.u32 $0x1900, s3  }
0x8: {  	[smem:$0x7FF] =	sst s7;
	s9 =	sadd.s32 $0x400, s1;
	s3 =	smul.u32 $0x19000, s3  }
0x9: {  	_ =	strace $0x80000047;
	s2 =	ssub.s32 $0x2, s2;
	s4 =	sshrl.u32 s8, $0x3  }
0xa: {  	s23 =	sshrl.u32 s2, $0x1;
	s11 =	sadd.s32 s6, s3;
	s4 =	sadd.s32 s4, s1  }
.Ltmp0:
0xb: {  	s1 =	ssub.s32 s2, s23;
	s26 =	sadd.s32 $0x500, s11;
	(pc) =	sbr.rel .LBB2_1-.Ltmp0, $4  }
0xc: {  	v0 =	vlaneseq.u32;
	s23 =	simm.s32 $0x12000;
	s24 =	sadd.s32 $0x1200, s4;
	s25 =	sadd.s32 $0x7600, s4  }
0xd: {  	v1 =	vmul.u32 $0x80, v0;
	[dreg:$0x9] =	wrdreg s26;
	s14 =	smax.u32 s1, $0x1;
	s26 =	simm.s32 $0x1  }
0xe: {  	s4 =	simm.s32 $0x4;
	s1 =	simm.s32 $0x0;
	[dreg:$0x7] =	wrdreg s24  }
0xf: {  	[tilespmem:$0x1FFF0] =	vst v1;
	[dreg:$0x8] =	wrdreg s25;
	s24 =	simm.s32 $0x14800;
	s25 =	simm.s32 $0xF400  }
.LBB2_27:
0x10: {  	_ =	swait.ge [sflag:s26], $0x2800  }
0x11: {  	[sflag:s26] =	ssyncset.done $0x0  }
0x12: {  	s1 =	sadd.s32 $0x1, s1;
	[sflag:s26] =	ssyncadd.s32 $0xFFFFD800  }
0x13: {  	p0 =	sne.s32 s1, s14;
	_ =	swait.ge [sflag:s28], $0x2800  }
.Ltmp1:
0x14: {  	[sflag:s28] =	ssyncset.done $0x0;
	(pc) =	sbr.rel @!p0 .LBB2_28-.Ltmp1, $4  }
0x15: {  	[sflag:s28] =	ssyncadd.s32 $0xFFFFD800  }
0x16: {  	_ =	swait.ge [sflag:s4], $0x2800  }
0x17: {  	[sflag:s4] =	ssyncset.done $0x0  }
0x18: {  	s10 =	simm.s32 $0x17000;
	[sflag:s4] =	ssyncadd.s32 $0xFFFFD800  }
.LBB2_1:
0x19: {  	s2 =	rddreg [dreg:$0x7]  }
0x1a: {  	[tilespmem:s10], [sflag:$0x5] =	stream.linear.gather [hbm4b:s2+s7], $0x1900, $0x38;
	[tilespmem:$0x1A500] =	vst v63  }
0x1b: {  	_ =	swait.ge [sflag:s16], $0x1900  }
0x1c: {  	[sflag:s16] =	ssyncset.done $0x0  }
0x1d: {  	s3 =	simm.s32 $0x18900;
	s13 =	rddreg [dreg:$0x8];
	[sflag:s16] =	ssyncadd.s32 $0xFFFFE700  }
0x1e: {  	[tilespmem:s3], [sflag:$0x5] =	stream.linear.gather [hbm4b:s13+s7], $0x1900, $0x38;
	[tilespmem:$0x1A500] =	vst v63  }
0x1f: {  	_ =	swait.ge [sflag:s16], $0x1900  }
0x20: {  	[sflag:s16] =	ssyncset.done $0x0  }
0x21: {  	[sflag:s16] =	ssyncadd.s32 $0xFFFFE700  }
0x22: {  	[tilespmem:s7], [sflag:$0x5] =	stream.linear.gather [hbm4b:s9+s7], $0x6400, $0x38;
	[tilespmem:$0x1A500] =	vst v63  }
0x23: {  	_ =	swait.ge [sflag:s16], $0x6400  }
0x24: {  	[sflag:s16] =	ssyncset.done $0x0  }
0x25: {  	s2 =	simm.s32 $0x6400;
	[sflag:s16] =	ssyncadd.s32 $0xFFFF9C00  }
0x26: {  	[tilespmem:s2], [sflag:$0x5] =	stream.linear.gather [hbm4b:s9+s7], $0x6400, $0x38;
	[tilespmem:$0x1A500] =	vst v63  }
0x27: {  	_ =	swait.ge [sflag:s16], $0x6400  }
0x28: {  	[sflag:s16] =	ssyncset.done $0x0  }
0x29: {  	[sflag:s16] =	ssyncadd.s32 $0xFFFF9C00  }
0x2a: {  	s5 =	simm.s32 $0x1A400;
	s15 =	rddreg [dreg:$0x2]  }
0x2b: {  	[tilespmem:s5], [sflag:$0x5] =	stream.linear.gather [hbm4b:s15+s7], $0x100, $0x38;
	[tilespmem:$0x1A500] =	vst v63  }
0x2c: {  	_ =	swait.ge [sflag:s16], $0x100  }
0x2d: {  	[sflag:s16] =	ssyncset.done $0x0  }
0x2e: {  	[sflag:s16] =	ssyncadd.s32 $0xFFFFFF00  }
0x2f: {  	s18 =	simm.s32 $0x1A300;
	s17 =	rddreg [dreg:$0x3]  }
0x30: {  	[tilespmem:s18], [sflag:$0x5] =	stream.linear.gather [hbm4b:s17+s7], $0x80, $0x38;
	[tilespmem:$0x1A500] =	vst v63  }
0x31: {  	_ =	swait.ge [sflag:s16], $0x80  }
0x32: {  	[sflag:s16] =	ssyncset.done $0x0  }
0x33: {  	[sflag:s16] =	ssyncadd.s32 $0xFFFFFF80  }
0x34: {  	s20 =	simm.s32 $0x1A380;
	s19 =	rddreg [dreg:$0x4]  }
0x35: {  	[tilespmem:s20], [sflag:$0x5] =	stream.linear.gather [hbm4b:s19+s7], $0x80, $0x38;
	[tilespmem:$0x1A500] =	vst v63  }
0x36: {  	_ =	swait.ge [sflag:s16], $0x80  }
0x37: {  	[sflag:s16] =	ssyncset.done $0x0  }
0x38: {  	v9 =	vimm.f32 $0.0e+00;
	[sflag:s16] =	ssyncadd.s32 $0xFFFFFF80  }
0x39: {  	[tilespmem:$0xF000] =	vst v9  }
0x3a: {  	[tilespmem:$0x11C00] =	vst v9  }
0x3b: {  	[tilespmem:$0xF010] =	vst v9  }
0x3c: {  	[tilespmem:$0x11C10] =	vst v9  }
0x3d: {  	[tilespmem:$0xF020] =	vst v9  }
0x3e: {  	[tilespmem:$0x11C20] =	vst v9  }
0x3f: {  	[tilespmem:$0xF030] =	vst v9  }
0x40: {  	[tilespmem:$0x11C30] =	vst v9  }
0x41: {  	v1 =	vld [tilespmem:$0x1A480];
	[tilespmem:$0xF040] =	vst v9  }
0x42: {  	v2 =	vld [tilespmem:$0x1A490];
	[tilespmem:$0x11C40] =	vst v9  }
0x43: {  	v7 =	vld [tilespmem:$0x1A4A0];
	[tilespmem:$0xF050] =	vst v9  }
0x44: {  	v3 =	vld [tilespmem:$0x1A4B0];
	[tilespmem:$0x11C50] =	vst v9  }
0x45: {  	v4 =	vld [tilespmem:$0x1A4C0];
	[tilespmem:$0xF060] =	vst v9  }
0x46: {  	v5 =	vld [tilespmem:$0x1A4D0];
	[tilespmem:$0x11C60] =	vst v9  }
0x47: {  	v6 =	vld [tilespmem:$0x1A4E0];
	[tilespmem:$0xF070] =	vst v9  }
0x48: {  	v8 =	vld [tilespmem:$0x1A4F0];
	[tilespmem:$0x11C70] =	vst v9  }
0x49: {  	v9 =	vld [tilespmem:s2+$0xF0]  }
0x4a: {  	v10 =	vld [tilespmem:s2+$0x10]  }
0x4b: {  	v11 =	vld [tilespmem:s2+$0x20]  }
0x4c: {  	v12 =	vld [tilespmem:s2+$0x30]  }
0x4d: {  	v13 =	vld [tilespmem:s2+$0x40]  }
0x4e: {  	v14 =	vld [tilespmem:s2+$0x50];
	v9 =	vadd.f32 v9, v8  }
0x4f: {  	v15 =	vld [tilespmem:s2+$0x60];
	v10 =	vadd.f32 v10, v2  }
0x50: {  	v16 =	vld [tilespmem:s2+$0x70];
	v11 =	vadd.f32 v11, v7;
	[tilespmem:s2+$0xF0] =	vst v9  }
0x51: {  	[tilespmem:s2+$0x10] =	vst v10;
	v9 =	vadd.f32 v12, v3;
	v12 =	vld [tilespmem:s2+$0x80]  }
0x52: {  	[tilespmem:s2+$0x20] =	vst v11;
	v10 =	vadd.f32 v13, v4;
	v13 =	vld [tilespmem:s2+$0x90]  }
0x53: {  	v17 =	vld [tilespmem:s2+$0xA0];
	v11 =	vadd.f32 v14, v5;
	[tilespmem:s2+$0x30] =	vst v9  }
0x54: {  	v14 =	vadd.f32 v15, v6;
	[tilespmem:s2+$0x40] =	vst v10;
	v9 =	vld [tilespmem:s2+$0xB0]  }
0x55: {  	v15 =	vadd.f32 v16, v8;
	[tilespmem:s2+$0x50] =	vst v11;
	v10 =	vld [tilespmem:s2+$0xC0]  }
0x56: {  	[tilespmem:s2+$0x60] =	vst v14;
	v11 =	vld [tilespmem:s2+$0xD0];
	v16 =	vadd.f32 v12, v1  }
0x57: {  	[tilespmem:s2+$0x70] =	vst v15;
	v12 =	vld [tilespmem:s2+$0xE0];
	v14 =	vadd.f32 v13, v2  }
0x58: {  	s3 =	simm.s32 $0x0;
	s5 =	simm.s32 $0x6500;
	v15 =	vadd.f32 v17, v7;
	v13 =	vld [tilespmem:s2+$0x0];
	[tilespmem:s2+$0x80] =	vst v16  }
.LBB2_2:
0x59: {  	v16 =	vld [tilespmem:s5+$0xF0];
	s3 =	sadd.s32 $0x2, s3;
	[tilespmem:s2+$0x90] =	vst v14;
	v9 =	vadd.f32 v9, v3  }
0x5a: {  	v14 =	vld [tilespmem:s5+$0x10];
	p0 =	slt.u32 s3, $0xC6;
	[tilespmem:s2+$0xA0] =	vst v15;
	v10 =	vadd.f32 v10, v4  }
0x5b: {  	v15 =	vld [tilespmem:s5+$0x20];
	[tilespmem:s2+$0xB0] =	vst v9;
	v9 =	vadd.f32 v11, v5  }
0x5c: {  	v11 =	vld [tilespmem:s5+$0x30];
	[tilespmem:s2+$0xC0] =	vst v10;
	v10 =	vadd.f32 v12, v6  }
0x5d: {  	v12 =	vld [tilespmem:s5+$0x40];
	v13 =	vadd.f32 v13, v1;
	[tilespmem:s2+$0xD0] =	vst v9  }
0x5e: {  	v9 =	vld [tilespmem:s5+$0x50];
	v16 =	vadd.f32 v16, v8;
	[tilespmem:s2+$0xE0] =	vst v10  }
0x5f: {  	v10 =	vadd.f32 v14, v2;
	v14 =	vld [tilespmem:s5+$0x60];
	[tilespmem:s2+$0x0] =	vst v13;
	s2 =	smov.u32 s5  }
0x60: {  	v13 =	vadd.f32 v15, v7;
	v15 =	vld [tilespmem:s5+$0x70];
	[tilespmem:s5+$0xF0] =	vst v16  }
0x61: {  	[tilespmem:s5+$0x10] =	vst v10;
	v10 =	vadd.f32 v11, v3;
	v11 =	vld [tilespmem:s5+$0x80]  }
0x62: {  	[tilespmem:s5+$0x20] =	vst v13;
	v12 =	vadd.f32 v12, v4;
	v13 =	vld [tilespmem:s5+$0x90]  }
0x63: {  	[tilespmem:s5+$0x30] =	vst v10;
	v10 =	vadd.f32 v9, v5;
	v16 =	vld [tilespmem:s5+$0xA0]  }
.Ltmp2:
0x64: {  	[tilespmem:s5+$0x40] =	vst v12;
	v12 =	vadd.f32 v14, v6;
	v9 =	vld [tilespmem:s5+$0xB0];
	(pc) =	sbr.rel @p0 .LBB2_2-.Ltmp2, $4  }
0x65: {  	[tilespmem:s5+$0x50] =	vst v10;
	v14 =	vadd.f32 v15, v8;
	v10 =	vld [tilespmem:s5+$0xC0]  }
0x66: {  	[tilespmem:s5+$0x60] =	vst v12;
	v15 =	vadd.f32 v11, v1;
	v11 =	vld [tilespmem:s5+$0xD0]  }
0x67: {  	[tilespmem:s5+$0x70] =	vst v14;
	v14 =	vadd.f32 v13, v2;
	v12 =	vld [tilespmem:s5+$0xE0]  }
0x68: {  	s5 =	sadd.s32 $0x100, s5;
	v13 =	vld [tilespmem:s2+$0x0];
	[tilespmem:s2+$0x80] =	vst v15;
	v15 =	vadd.f32 v16, v7  }
0x69: {  	[tilespmem:s2+$0x90] =	vst v14;
	v2 =	vadd.f32 v9, v3  }
0x6a: {  	[tilespmem:s2+$0xA0] =	vst v15;
	v3 =	vadd.f32 v10, v4  }
0x6b: {  	[tilespmem:s2+$0xB0] =	vst v2;
	v2 =	vadd.f32 v11, v5  }
0x6c: {  	[tilespmem:s2+$0xC0] =	vst v3;
	v3 =	vadd.f32 v12, v6  }
0x6d: {  	v1 =	vadd.f32 v13, v1;
	[tilespmem:s2+$0xD0] =	vst v2  }
0x6e: {  	[tilespmem:s2+$0xE0] =	vst v3  }
0x6f: {  	[tilespmem:s2+$0x0] =	vst v1  }
0x70: {  	v42 =	vld [tilespmem:$0x1A300]  }
0x71: {  	v43 =	vld [tilespmem:$0x1A310]  }
0x72: {  	v44 =	vld [tilespmem:$0x1A380];
	_ =	sdelay $0x2  }
0x73: {  	v45 =	vld [tilespmem:$0x1A320];
	v1 =	vadd.f32 $-1.000000000e+00, v42  }
0x74: {  	v46 =	vld [tilespmem:$0x1A390]  }
0x75: {  	v2 =	vand.u32 $0x7FFFFFFF, v44;
	v60 =	vadd.f32 $-1.000000000e+00, v43;
	v1 =	vand.u32 $0x7FFFFFFF, v1  }
0x76: {  	v1 =	vadd.f32 v2, v1  }
0x77: {  	v47 =	vld [tilespmem:$0x1A330];
	v2 =	vand.u32 $0x7FFFFFFF, v60  }
0x78: {  	v48 =	vld [tilespmem:$0x1A3A0];
	v1 =	vadd.f32 v1, v2  }
0x79: {  	v61 =	vadd.f32 $-1.000000000e+00, v45;
	v2 =	vand.u32 $0x7FFFFFFF, v46  }
0x7a: {  	v1 =	vadd.f32 v1, v2  }
0x7b: {  	v49 =	vld [tilespmem:$0x1A340];
	v2 =	vand.u32 $0x7FFFFFFF, v61  }
0x7c: {  	v50 =	vld [tilespmem:$0x1A3B0];
	v1 =	vadd.f32 v1, v2  }
0x7d: {  	v62 =	vadd.f32 $-1.000000000e+00, v47;
	v2 =	vand.u32 $0x7FFFFFFF, v48  }
0x7e: {  	v1 =	vadd.f32 v1, v2  }
0x7f: {  	v51 =	vld [tilespmem:$0x1A350];
	v2 =	vand.u32 $0x7FFFFFFF, v62  }
0x80: {  	v52 =	vld [tilespmem:$0x1A3C0];
	v1 =	vadd.f32 v1, v2  }
0x81: {  	v63 =	vadd.f32 $-1.000000000e+00, v49;
	v2 =	vand.u32 $0x7FFFFFFF, v50  }
0x82: {  	v1 =	vadd.f32 v1, v2  }
0x83: {  	v53 =	vld [tilespmem:$0x1A360];
	v2 =	vand.u32 $0x7FFFFFFF, v63  }
0x84: {  	v54 =	vld [tilespmem:$0x1A3D0];
	v1 =	vadd.f32 v1, v2  }
0x85: {  	v17 =	vadd.f32 $-1.000000000e+00, v51;
	v2 =	vand.u32 $0x7FFFFFFF, v52  }
0x86: {  	v1 =	vadd.f32 v1, v2  }
0x87: {  	v55 =	vld [tilespmem:$0x1A370];
	v2 =	vand.u32 $0x7FFFFFFF, v17  }
0x88: {  	v56 =	vld [tilespmem:$0x1A3E0];
	v1 =	vadd.f32 v1, v2  }
0x89: {  	v18 =	vadd.f32 $-1.000000000e+00, v53;
	v2 =	vand.u32 $0x7FFFFFFF, v54  }
0x8a: {  	v1 =	vadd.f32 v1, v2  }
0x8b: {  	v2 =	vand.u32 $0x7FFFFFFF, v18  }
0x8c: {  	v57 =	vld [tilespmem:$0x1A3F0];
	v1 =	vadd.f32 v1, v2  }
0x8d: {  	v19 =	vadd.f32 $-1.000000000e+00, v55;
	v2 =	vand.u32 $0x7FFFFFFF, v56  }
0x8e: {  	v1 =	vadd.f32 v1, v2  }
0x8f: {  	v2 =	vand.u32 $0x7FFFFFFF, v19  }
0x90: {  	v1 =	vadd.f32 v1, v2  }
0x91: {  	v2 =	vand.u32 $0x7FFFFFFF, v57  }
0x92: {  	v1 =	vadd.f32 v1, v2;
	_ =	sdelay $0x1  }
0x93: {  	(xrf0) =	vmax.scan.msk.f32 $0xffff, v1;
	_ =	sdelay $0x2  }
0x94: {  	[tilespmem:s22], [sflag:$0x1] =	stream.indirect.gather [hbm4b:s0+s21], $0x80, s10, s21, $0xb8;
	[tilespmem:$0x1A500] =	vst v63  }
0x95: {  	s2 =	simm.s32 $0x0  }
0x96: {  	[hbm4b:s11+s2] =	stream.linear.scatter [tilespmem:s23], [sflag:$0x3], $0x2800, $0x38;
	[tilespmem:$0x1A500] =	vst v63  }
0x97: {  	s3 =	rddreg [dreg:$0x9];
	v1, _, _ =	vpop (xrf0)  }
0x98: {  	[hbm4b:s3+s2] =	stream.linear.scatter [tilespmem:s24], [sflag:$0x4], $0x2800, $0x38;
	(v2sf) =	vpush v1, $0xF;
	[tilespmem:$0x1A500] =	vst v63  }
0x99: {  	[tilespmem:$0x1FEF0] =	vst v42  }
0x9a: {  	[tilespmem:$0x1FF00] =	vst v43  }
0x9b: {  	[tilespmem:$0x1FF10] =	vst v44  }
0x9c: {  	[tilespmem:$0x1FF20] =	vst v45  }
0x9d: {  	[tilespmem:$0x1FF30] =	vst v46  }
0x9e: {  	[tilespmem:$0x1FF40] =	vst v47  }
0x9f: {  	[tilespmem:$0x1FF50] =	vst v48  }
0xa0: {  	[tilespmem:$0x1FF60] =	vst v49  }
0xa1: {  	[tilespmem:$0x1FF70] =	vst v50  }
0xa2: {  	[tilespmem:$0x1FF80] =	vst v51  }
0xa3: {  	[tilespmem:$0x1FF90] =	vst v52  }
.Ltmp3:
0xa4: {  	[tilespmem:$0x1FFA0] =	vst v53;
	(pc) =	sbr.rel .LBB2_4-.Ltmp3, $4  }
0xa5: {  	[tilespmem:$0x1FFB0] =	vst v54  }
0xa6: {  	[tilespmem:$0x1FFC0] =	vst v55  }
0xa7: {  	[tilespmem:$0x1FFD0] =	vst v56;
	s20 =	spop (v2sf)  }
0xa8: {  	[tilespmem:$0x1FFE0] =	vst v57;
	p0 =	sne.f32 s20, $0.0e+00  }
.LBB2_26:
0xa9: {  	s2 =	sadd.s32 $0x1, s2  }
0xaa: {  	p1 =	sne.s32 s2, $0x28  }
.Ltmp4:
0xab: {  	_ = 	snop;
	(pc) =	sbr.rel @!p1 .LBB2_27-.Ltmp4, $4  }
0xac: {  	s3 =	sadd.s32 s8, s3  }
0xad: {  	s3 =	sshll.u32 s3, $0x4  }
0xae: {  	s3 =	sadd.s32 s6, s3  }
0xaf: {  	[hbm4b:s3+s7] =	stream.linear.scatter [tilespmem:s24], [sflag:$0x4], $0x2800, $0x38;
	[tilespmem:$0x1A500] =	vst v63  }
.LBB2_4:
0xb0: {  	s5 =	smul.u32 $0xA0, s2;
	_ =	sdelay $0x1  }
0xb1: {  	s3 =	sadd.s32 $0x17050, s5  }
0xb2: {  	[tilespmem:s25], [sflag:$0x2] =	stream.indirect.gather [hbm4b:s0+s21], $0x80, s3, s21, $0xb8;
	[tilespmem:$0x1A500] =	vst v63  }
0xb3: {  	_ =	swait.ge [sflag:s26], $0x2800  }
0xb4: {  	[sflag:s26] =	ssyncset.done $0x0  }
0xb5: {  	[sflag:s26] =	ssyncadd.s32 $0xFFFFD800  }
0xb6: {  	_ =	swait.ge [sflag:s28], $0x2800  }
0xb7: {  	v1 =	vmov s5;
	[sflag:s28] =	ssyncset.done $0x0  }
0xb8: {  	s17 =	simm.s32 $0x0;
	s3 =	sadd.s32 $0x50, s5;
	[tilespmem:$0x1FEE0] =	vst v1;
	[sflag:s28] =	ssyncadd.s32 $0xFFFFD800  }
.LBB2_5:
0xb9: {  	v3 =	vld [tilespmem:$0x1FEE0];
	_ =	sdelay $0x5  }
0xba: {  	s18 =	sshll.u32 s17, $0x4  }
0xbb: {  	s15 =	sadd.s32 s5, s18  }
0xbc: {  	s15 =	sadd.s32 s8, s15;
	v1 =	vld.idx.msk [tilespmem:v3+s18+$0x17000 ss:$0x1], $0xffff  }
0xbd: {  	v2 =	vor.u32 s15, v0;
	v20 =	vld.idx.msk [tilespmem:v3+s18+$0x18900 ss:$0x1], $0xffff  }
0xbe: {  	v21 =	vmulhi.u32 $0x51EB851F, v2;
	v3 =	vld [tilespmem:$0x1FFF0];
	_ =	sdelay $0x1  }
0xbf: {  	v21 =	vshrl.u32 v21, $0x6  }
0xc0: {  	v22 =	vmov s18;
	v21 =	vmul.u32 $0xC8, v21  }
0xc1: {  	v22 =	vshll.u32 v22, $0x7;
	vm0 =	veq.s32 v1, $0x0  }
0xc2: {  	s12 =	simm.s32 $0x0;
	v1 =	vsub.s32 v2, v21;
	v2 =	vmul.u32 $0x6400, v20;
	v20 =	vor.u32 v3, v22  }
0xc3: {  	s13 =	simm.s32 $0x2;
	v23 =	vor.u32 s12, v0;
	v1 =	vshll.u32 v1, $0x7;
	v22 =	vsel vm0, $0x2800, v20  }
0xc4: {  	v24 =	vxor.u32 s13, v0;
	v21 =	vadd.s32 v1, v2;
	v1 =	vor.u32 v22, v23  }
0xc5: {  	s19 =	simm.s32 $0x1;
	v26 =	vor.u32 v22, v24  }
0xc6: {  	v31 =	vxor.u32 s19, v0;
	v2 =	vor.u32 v21, v23  }
0xc7: {  	s20 =	simm.s32 $0x3;
	v27 =	vor.u32 v22, v31  }
0xc8: {  	v33 =	vimm.f32 $0.0e+00;
	s10 =	simm.s32 $0x4;
	v32 =	vxor.u32 s20, v0;
	s12 =	simm.s32 $0x5;
	v28 =	vor.u32 v21, v31  }
0xc9: {  	v35 =	vxor.u32 s10, v0;
	s13 =	simm.s32 $0xF;
	s20 =	simm.s32 $0xE;
	v38 =	vxor.u32 s12, v0;
	v30 =	vor.u32 v21, v24;
	v29 =	vld.idx.msk [tilespmem:v1+s22+$0x0], $0xffff  }
0xca: {  	v39 =	vxor.u32 s13, v0;
	s12 =	simm.s32 $0x6;
	v41 =	vxor.u32 s20, v0;
	v34 =	vor.u32 v22, v32;
	v26 =	vld.idx.msk [tilespmem:v26+s22+$0x0], $0xffff  }
0xcb: {  	s13 =	simm.s32 $0xC;
	v43 =	vxor.u32 s12, v0;
	s12 =	simm.s32 $0xB;
	v25 =	vor.u32 v20, v24;
	v24 =	vor.u32 v21, v32;
	v2 =	vld.idx.msk [tilespmem:v2+s7+$0x0], $0xffff  }
0xcc: {  	v45 =	vxor.u32 s13, v0;
	v48 =	vxor.u32 s12, v0;
	s12 =	simm.s32 $0x9;
	v37 =	vor.u32 v21, v35;
	v27 =	vld.idx.msk [tilespmem:v27+s22+$0x0], $0xffff  }
0xcd: {  	v51 =	vxor.u32 s12, v0;
	v62 =	vor.u32 v20, v31;
	v36 =	vor.u32 v22, v35;
	v28 =	vld.idx.msk [tilespmem:v28+s7+$0x0], $0xffff  }
0xce: {  	s10 =	simm.s32 $0xD;
	v40 =	vor.u32 v22, v38;
	v44 =	vor.u32 v22, v43;
	v10 =	vor.u32 v22, v51;
	v30 =	vld.idx.msk [tilespmem:v30+s7+$0x0], $0xffff  }
0xcf: {  	v17 =	vor.u32 v22, v45;
	v42 =	vor.u32 v21, v38;
	v1 =	vxor.u32 s10, v0;
	s10 =	simm.s32 $0xA;
	v34 =	vld.idx.msk [tilespmem:v34+s22+$0x0], $0xffff  }
0xd0: {  	s13 =	simm.s32 $0x7;
	v23 =	vor.u32 v20, v23;
	v47 =	vxor.u32 s10, v0;
	v46 =	vld.idx.msk [tilespmem:v24+s7+$0x0], $0xffff;
	s10 =	simm.s32 $0x8;
	v24 =	vadd.f32 v2, v29  }
0xd1: {  	v6 =	vor.u32 v21, v43;
	v37 =	vld.idx.msk [tilespmem:v37+s7+$0x0], $0xffff;
	v50 =	vxor.u32 s10, v0;
	v2 =	vxor.u32 s13, v0  }
0xd2: {  	v29 =	vld.idx.msk [tilespmem:v36+s22+$0x0], $0xffff;
	v53 =	vadd.f32 v28, v27;
	v49 =	vor.u32 v22, v2;
	v52 =	vmul.f32 v24, v24  }
0xd3: {  	v27 =	vld.idx.msk [tilespmem:v40+s22+$0x0], $0xffff;
	v54 =	vadd.f32 v30, v26;
	v26 =	vor.u32 v22, v50;
	v28 =	vor.u32 v21, v2  }
0xd4: {  	v30 =	vld.idx.msk [tilespmem:v42+s7+$0x0], $0xffff;
	v7 =	vadd.f32 v24, v33;
	v8 =	vmul.f32 v53, v53;
	v33 =	vadd.f32 v52, v33  }
0xd5: {  	v12 =	vor.u32 v21, v51;
	v44 =	vld.idx.msk [tilespmem:v44+s22+$0x0], $0xffff;
	v9 =	vor.u32 v21, v50;
	v55 =	vadd.f32 v46, v34  }
0xd6: {  	v36 =	vld.idx.msk [tilespmem:v6+s7+$0x0], $0xffff;
	v11 =	vmul.f32 v54, v54;
	v40 =	vadd.f32 v53, v7;
	v33 =	vadd.f32 v8, v33  }
0xd7: {  	v58 =	vor.u32 v21, v48;
	v15 =	vor.u32 v21, v47;
	v57 =	vadd.f32 v37, v29;
	v49 =	vld.idx.msk [tilespmem:v49+s22+$0x0], $0xffff  }
0xd8: {  	v14 =	vmul.f32 v55, v55;
	v28 =	vld.idx.msk [tilespmem:v28+s7+$0x0], $0xffff;
	v13 =	vadd.f32 v54, v40;
	v33 =	vadd.f32 v11, v33  }
0xd9: {  	v38 =	vor.u32 v20, v38;
	v29 =	vor.u32 v22, v47;
	v56 =	vld.idx.msk [tilespmem:v26+s22+$0x0], $0xffff;
	v26 =	vadd.f32 v30, v27  }
0xda: {  	v52 =	vld.idx.msk [tilespmem:v9+s7+$0x0], $0xffff;
	v16 =	vmul.f32 v57, v57;
	v37 =	vadd.f32 v55, v13;
	v33 =	vadd.f32 v14, v33  }
0xdb: {  	v4 =	vld.idx.msk [tilespmem:v12+s7+$0x0], $0xffff;
	v60 =	vor.u32 v21, v1;
	v30 =	vor.u32 v22, v48;
	v27 =	vadd.f32 v36, v44  }
0xdc: {  	v34 =	vld.idx.msk [tilespmem:v10+s22+$0x0], $0xffff;
	v5 =	vmul.f32 v26, v26;
	v37 =	vadd.f32 v57, v37;
	v33 =	vadd.f32 v16, v33  }
0xdd: {  	v12 =	vor.u32 v21, v41;
	v6 =	vor.u32 v21, v45;
	v42 =	vld.idx.msk [tilespmem:v15+s7+$0x0], $0xffff;
	v28 =	vadd.f32 v28, v49  }
0xde: {  	v8 =	vmul.f32 v27, v27;
	v59 =	vld.idx.msk [tilespmem:v29+s22+$0x0], $0xffff;
	v37 =	vadd.f32 v26, v37;
	v33 =	vadd.f32 v5, v33  }
0xdf: {  	v10 =	vld.idx.msk [tilespmem:v58+s7+$0x0], $0xffff;
	v7 =	vor.u32 v22, v1;
	v9 =	vor.u32 v22, v41;
	v29 =	vadd.f32 v52, v56  }
0xe0: {  	v61 =	vld.idx.msk [tilespmem:v30+s22+$0x0], $0xffff;
	v11 =	vmul.f32 v28, v28;
	v37 =	vadd.f32 v27, v37;
	v33 =	vadd.f32 v8, v33  }
0xe1: {  	v46 =	vor.u32 v20, v51;
	v36 =	vld.idx.msk [tilespmem:v17+s22+$0x0], $0xffff;
	v30 =	vadd.f32 v4, v34;
	v15 =	vmul.f32 v29, v29  }
0xe2: {  	v14 =	vld.idx.msk [tilespmem:v6+s7+$0x0], $0xffff;
	v16 =	vor.u32 v21, v39;
	v37 =	vadd.f32 v28, v37;
	v33 =	vadd.f32 v11, v33  }
0xe3: {  	v45 =	vor.u32 v20, v45;
	v17 =	vld.idx.msk [tilespmem:v60+s7+$0x0], $0xffff;
	v13 =	vor.u32 v22, v39;
	v31 =	vadd.f32 v42, v59  }
0xe4: {  	v49 =	vld.idx.msk [tilespmem:v7+s22+$0x0], $0xffff;
	v4 =	vmul.f32 v30, v30;
	v37 =	vadd.f32 v29, v37;
	v33 =	vadd.f32 v15, v33  }
0xe5: {  	[tilespmem:v62+s23+$0x0] =	vst.idx.msk $0xffff, v53;
	v7 =	vld.idx.msk [tilespmem:v9+s22+$0x0], $0xffff;
	v5 =	vor.u32 v20, v32;
	v32 =	vadd.f32 v10, v61  }
0xe6: {  	v8 =	vld.idx.msk [tilespmem:v12+s7+$0x0], $0xffff;
	v10 =	vmul.f32 v31, v31;
	v9 =	vadd.f32 v30, v37;
	v40 =	vadd.f32 v4, v33  }
0xe7: {  	[tilespmem:v25+s23+$0x0] =	vst.idx.msk $0xffff, v54;
	v41 =	vor.u32 v20, v41;
	v12 =	vld.idx.msk [tilespmem:v16+s7+$0x0], $0xffff;
	v33 =	vadd.f32 v14, v36  }
0xe8: {  	v11 =	vld.idx.msk [tilespmem:v13+s22+$0x0], $0xffff;
	v15 =	vmul.f32 v32, v32;
	v13 =	vadd.f32 v31, v9;
	v14 =	vadd.f32 v10, v40  }
0xe9: {  	v44 =	vor.u32 v20, v2;
	v6 =	vor.u32 v20, v35;
	v34 =	vadd.f32 v17, v49  }
0xea: {  	v2 =	vadd.f32 v32, v13;
	v17 =	vmul.f32 v33, v33;
	v16 =	vadd.f32 v15, v14  }
0xeb: {  	v39 =	vor.u32 v20, v39;
	v42 =	vor.u32 v20, v47;
	v35 =	vadd.f32 v8, v7  }
0xec: {  	s19 =	simm.s32 $0x10;
	v56 =	vmul.f32 v34, v34;
	v2 =	vadd.f32 v33, v2;
	v49 =	vadd.f32 v17, v16  }
0xed: {  	v63 =	vor.u32 s19, v0;
	v47 =	vor.u32 v20, v48;
	[tilespmem:v5+s23+$0x0] =	vst.idx.msk $0xffff, v55;
	v36 =	vadd.f32 v12, v11  }
0xee: {  	v61 =	vmul.f32 v35, v35;
	v2 =	vadd.f32 v34, v2;
	v58 =	vadd.f32 v56, v49  }
0xef: {  	v55 =	vor.u32 v21, v63;
	v37 =	vor.u32 v20, v43;
	v43 =	vor.u32 v20, v1  }
0xf0: {  	s13 =	simm.s32 $0x12;
	v62 =	vmul.f32 v36, v36;
	v2 =	vadd.f32 v35, v2;
	v25 =	vadd.f32 v61, v58  }
0xf1: {  	[tilespmem:v6+s23+$0x0] =	vst.idx.msk $0xffff, v57;
	v1 =	vor.u32 v22, v63;
	v40 =	vor.u32 v20, v50;
	v50 =	vxor.u32 s13, v0  }
0xf2: {  	s20 =	simm.s32 $0x20;
	s15 =	simm.s32 $0x11;
	v56 =	vadd.f32 v36, v2;
	v54 =	vadd.f32 v62, v25;
	v25 =	vor.u32 v20, v63  }
.LBB2_6:
0xf3: {  	p1 =	slt.u32 s20, $0x70;
	v2 =	vxor.u32 s15, v0;
	v49 =	vor.u32 v22, v50;
	v48 =	vor.u32 v20, v50;
	[tilespmem:v38+s23+$0x0] =	vst.idx.msk $0xffff, v26  }
0xf4: {  	v26 =	vor.u32 v22, v2;
	v51 =	vor.u32 v20, v2;
	[tilespmem:v37+s23+$0x0] =	vst.idx.msk $0xffff, v27  }
0xf5: {  	s15 =	sadd.s32 $0x3, s19;
	v2 =	vor.u32 v21, v2;
	[tilespmem:v44+s23+$0x0] =	vst.idx.msk $0xffff, v28  }
0xf6: {  	v27 =	vor.u32 v21, v50;
	v28 =	vxor.u32 s15, v0;
	v1 =	vld.idx.msk [tilespmem:v1+s22+$0x0], $0xffff;
	[tilespmem:v40+s23+$0x0] =	vst.idx.msk $0xffff, v29  }
0xf7: {  	s15 =	sadd.s32 $0x4, s19;
	v37 =	vor.u32 v22, v28;
	v50 =	vor.u32 v20, v28;
	v29 =	vld.idx.msk [tilespmem:v55+s7+$0x0], $0xffff;
	[tilespmem:v46+s23+$0x0] =	vst.idx.msk $0xffff, v30  }
0xf8: {  	v28 =	vor.u32 v21, v28;
	v38 =	vxor.u32 s15, v0;
	v30 =	vld.idx.msk [tilespmem:v49+s22+$0x0], $0xffff;
	[tilespmem:v42+s23+$0x0] =	vst.idx.msk $0xffff, v31  }
0xf9: {  	s10 =	sadd.s32 $0xF, s19;
	s15 =	sadd.s32 $0x5, s19;
	v31 =	vor.u32 v22, v38;
	v49 =	vor.u32 v20, v38;
	v26 =	vld.idx.msk [tilespmem:v26+s22+$0x0], $0xffff;
	[tilespmem:v47+s23+$0x0] =	vst.idx.msk $0xffff, v32  }
0xfa: {  	s12 =	sadd.s32 $0xE, s19;
	v52 =	vxor.u32 s10, v0;
	v32 =	vor.u32 v21, v38;
	v38 =	vxor.u32 s15, v0;
	s15 =	sadd.s32 $0xD, s19;
	v2 =	vld.idx.msk [tilespmem:v2+s7+$0x0], $0xffff;
	[tilespmem:v45+s23+$0x0] =	vst.idx.msk $0xffff, v33  }
0xfb: {  	s13 =	sadd.s32 $0xC, s19;
	s10 =	sadd.s32 $0x6, s19;
	v53 =	vxor.u32 s12, v0;
	v33 =	vor.u32 v22, v38;
	v55 =	vxor.u32 s15, v0;
	v27 =	vld.idx.msk [tilespmem:v27+s7+$0x0], $0xffff;
	[tilespmem:v43+s23+$0x0] =	vst.idx.msk $0xffff, v34  }
0xfc: {  	s12 =	sadd.s32 $0xB, s19;
	v42 =	vxor.u32 s10, v0;
	s10 =	sadd.s32 $0xA, s19;
	v40 =	vor.u32 v21, v38;
	v34 =	vxor.u32 s13, v0;
	v37 =	vld.idx.msk [tilespmem:v37+s22+$0x0], $0xffff;
	[tilespmem:v41+s23+$0x0] =	vst.idx.msk $0xffff, v35  }
0xfd: {  	s13 =	sadd.s32 $0x7, s19;
	v43 =	vxor.u32 s10, v0;
	v41 =	vor.u32 v22, v42;
	v35 =	vxor.u32 s12, v0;
	v28 =	vld.idx.msk [tilespmem:v28+s7+$0x0], $0xffff;
	[tilespmem:v39+s23+$0x0] =	vst.idx.msk $0xffff, v36  }
0xfe: {  	s10 =	sadd.s32 $0x8, s19;
	v44 =	vxor.u32 s13, v0;
	s12 =	sadd.s32 $0x9, s19;
	s19 =	smov.u32 s20;
	v39 =	vadd.f32 v29, v1;
	v29 =	vld.idx.msk [tilespmem:v31+s22+$0x0], $0xffff;
	v31 =	vor.u32 v21, v42  }
0xff: {  	v46 =	vxor.u32 s10, v0;
	v45 =	vor.u32 v22, v44;
	v47 =	vxor.u32 s12, v0;
	v32 =	vld.idx.msk [tilespmem:v32+s7+$0x0], $0xffff;
	[tilespmem:v23+s23+$0x0] =	vst.idx.msk $0xffff, v24  }
0x100: {  	v23 =	vmul.f32 v39, v39;
	v36 =	vadd.f32 v2, v26;
	v26 =	vor.u32 v21, v44;
	v24 =	vld.idx.msk [tilespmem:v33+s22+$0x0], $0xffff  }
0x101: {  	v1 =	vadd.f32 v27, v30;
	v30 =	vor.u32 v22, v46;
	v33 =	vor.u32 v21, v46;
	v27 =	vld.idx.msk [tilespmem:v40+s7+$0x0], $0xffff  }
0x102: {  	v2 =	vadd.f32 v39, v56;
	v23 =	vadd.f32 v23, v54;
	v40 =	vmul.f32 v36, v36;
	v41 =	vld.idx.msk [tilespmem:v41+s22+$0x0], $0xffff  }
0x103: {  	v54 =	vadd.f32 v28, v37;
	v37 =	vor.u32 v21, v47;
	v28 =	vld.idx.msk [tilespmem:v31+s7+$0x0], $0xffff;
	v31 =	vor.u32 v22, v47  }
0x104: {  	v56 =	vadd.f32 v36, v2;
	v23 =	vadd.f32 v40, v23;
	v40 =	vmul.f32 v1, v1;
	v45 =	vld.idx.msk [tilespmem:v45+s22+$0x0], $0xffff  }
0x105: {  	v57 =	vor.u32 v21, v43;
	v2 =	vadd.f32 v32, v29;
	v32 =	vor.u32 v22, v43;
	v29 =	vld.idx.msk [tilespmem:v26+s7+$0x0], $0xffff  }
0x106: {  	v56 =	vadd.f32 v1, v56;
	v23 =	vadd.f32 v40, v23;
	v40 =	vmul.f32 v54, v54;
	v30 =	vld.idx.msk [tilespmem:v30+s22+$0x0], $0xffff  }
0x107: {  	v58 =	vor.u32 v21, v35;
	v26 =	vadd.f32 v27, v24;
	v24 =	vld.idx.msk [tilespmem:v33+s7+$0x0], $0xffff;
	v33 =	vor.u32 v22, v35  }
0x108: {  	v56 =	vadd.f32 v54, v56;
	v23 =	vadd.f32 v40, v23;
	v40 =	vmul.f32 v2, v2;
	v31 =	vld.idx.msk [tilespmem:v31+s22+$0x0], $0xffff  }
0x109: {  	v59 =	vor.u32 v21, v34;
	v27 =	vadd.f32 v28, v41;
	v41 =	vor.u32 v22, v34;
	v37 =	vld.idx.msk [tilespmem:v37+s7+$0x0], $0xffff  }
0x10a: {  	v56 =	vadd.f32 v2, v56;
	v23 =	vadd.f32 v40, v23;
	v40 =	vmul.f32 v26, v26;
	v32 =	vld.idx.msk [tilespmem:v32+s22+$0x0], $0xffff  }
0x10b: {  	v60 =	vor.u32 v21, v55;
	v28 =	vadd.f32 v29, v45;
	v45 =	vld.idx.msk [tilespmem:v57+s7+$0x0], $0xffff;
	v57 =	vor.u32 v22, v55  }
0x10c: {  	v56 =	vadd.f32 v26, v56;
	v23 =	vadd.f32 v40, v23;
	v40 =	vmul.f32 v27, v27;
	v33 =	vld.idx.msk [tilespmem:v33+s22+$0x0], $0xffff  }
0x10d: {  	v61 =	vor.u32 v21, v53;
	v29 =	vadd.f32 v24, v30;
	v24 =	vld.idx.msk [tilespmem:v58+s7+$0x0], $0xffff;
	v58 =	vor.u32 v22, v53  }
0x10e: {  	v56 =	vadd.f32 v27, v56;
	v23 =	vadd.f32 v40, v23;
	v40 =	vmul.f32 v28, v28;
	v41 =	vld.idx.msk [tilespmem:v41+s22+$0x0], $0xffff  }
0x10f: {  	v62 =	vor.u32 v22, v52;
	v63 =	vor.u32 v21, v52;
	v30 =	vadd.f32 v37, v31;
	v59 =	vld.idx.msk [tilespmem:v59+s7+$0x0], $0xffff  }
0x110: {  	v56 =	vadd.f32 v28, v56;
	v23 =	vadd.f32 v40, v23;
	v40 =	vmul.f32 v29, v29;
	v57 =	vld.idx.msk [tilespmem:v57+s22+$0x0], $0xffff  }
0x111: {  	v38 =	vor.u32 v20, v38;
	v37 =	vor.u32 v20, v42;
	v31 =	vadd.f32 v45, v32;
	v60 =	vld.idx.msk [tilespmem:v60+s7+$0x0], $0xffff  }
0x112: {  	v42 =	vadd.f32 v29, v56;
	v45 =	vmul.f32 v30, v30;
	v23 =	vadd.f32 v40, v23;
	v56 =	vld.idx.msk [tilespmem:v58+s22+$0x0], $0xffff  }
0x113: {  	v44 =	vor.u32 v20, v44;
	v40 =	vor.u32 v20, v46;
	v32 =	vadd.f32 v24, v33;
	v58 =	vld.idx.msk [tilespmem:v61+s7+$0x0], $0xffff  }
0x114: {  	v3 =	vadd.f32 v30, v42;
	v4 =	vadd.f32 v45, v23;
	v45 =	vmul.f32 v31, v31;
	v61 =	vld.idx.msk [tilespmem:v62+s22+$0x0], $0xffff  }
0x115: {  	v46 =	vor.u32 v20, v47;
	v42 =	vor.u32 v20, v43;
	v33 =	vadd.f32 v59, v41;
	v59 =	vld.idx.msk [tilespmem:v63+s7+$0x0], $0xffff  }
0x116: {  	v24 =	vmovc v39;
	v41 =	vadd.f32 v31, v3;
	v62 =	vmul.f32 v32, v32;
	v43 =	vadd.f32 v45, v4  }
0x117: {  	v47 =	vor.u32 v20, v35;
	v45 =	vor.u32 v20, v34;
	v23 =	vmovc v25;
	v34 =	vadd.f32 v60, v57  }
0x118: {  	v25 =	vadd.f32 v32, v41;
	v57 =	vmul.f32 v33, v33;
	v39 =	vadd.f32 v62, v43  }
0x119: {  	v41 =	vor.u32 v20, v53;
	v43 =	vor.u32 v20, v55;
	v35 =	vadd.f32 v58, v56  }
0x11a: {  	v25 =	vadd.f32 v33, v25;
	v55 =	vmul.f32 v34, v34;
	v53 =	vadd.f32 v57, v39  }
0x11b: {  	v39 =	vor.u32 v20, v52;
	[tilespmem:v51+s23+$0x0] =	vst.idx.msk $0xffff, v36;
	v36 =	vadd.f32 v59, v61  }
0x11c: {  	v25 =	vadd.f32 v34, v25;
	v52 =	vmul.f32 v35, v35;
	v51 =	vadd.f32 v55, v53  }
.Ltmp5:
0x11d: {  	[tilespmem:v48+s23+$0x0] =	vst.idx.msk $0xffff, v1;
	(pc) =	sbr.rel @p1 .LBB2_6-.Ltmp5, $4  }
0x11e: {  	v25 =	vadd.f32 v35, v25;
	v48 =	vadd.f32 v52, v51;
	v51 =	vmul.f32 v36, v36  }
0x11f: {  	v52 =	vor.u32 s20, v0;
	[tilespmem:v50+s23+$0x0] =	vst.idx.msk $0xffff, v54  }
0x120: {  	s10 =	sadd.s32 $0x2, s20;
	v1 =	vor.u32 v22, v52;
	v56 =	vadd.f32 v36, v25;
	v54 =	vadd.f32 v51, v48  }
0x121: {  	s15 =	sadd.s32 $0x1, s19;
	s20 =	sadd.s32 $0x10, s20;
	v55 =	vor.u32 v21, v52;
	v25 =	vor.u32 v20, v52;
	v50 =	vxor.u32 s10, v0;
	[tilespmem:v49+s23+$0x0] =	vst.idx.msk $0xffff, v2  }
0x122: {  	_ =	sdelay $0x1  }
0x123: {  	v3 =	vxor.u32 s15, v0;
	v2 =	vor.u32 v22, v50  }
0x124: {  	v51 =	vor.u32 v21, v50;
	[tilespmem:$0x1FEB0] =	vst v3  }
0x125: {  	s10 =	sadd.s32 $0x3, s19;
	v48 =	vor.u32 v22, v3;
	v1 =	vld.idx.msk [tilespmem:v1+s22+$0x0], $0xffff  }
0x126: {  	v49 =	vor.u32 v21, v3;
	v53 =	vxor.u32 s10, v0;
	v61 =	vld.idx.msk [tilespmem:v55+s7+$0x0], $0xffff  }
0x127: {  	s12 =	sadd.s32 $0x4, s19;
	v15 =	vor.u32 v22, v53  }
0x128: {  	v57 =	vxor.u32 s12, v0;
	v59 =	vor.u32 v21, v53;
	v2 =	vld.idx.msk [tilespmem:v2+s22+$0x0], $0xffff  }
0x129: {  	s13 =	sadd.s32 $0x5, s19;
	s12 =	sadd.s32 $0xE, s19;
	v62 =	vor.u32 v22, v57;
	v5 =	vld.idx.msk [tilespmem:v51+s7+$0x0], $0xffff  }
0x12a: {  	v58 =	vxor.u32 s13, v0;
	v63 =	vor.u32 v21, v57;
	v6 =	vxor.u32 s12, v0;
	v19 =	vld.idx.msk [tilespmem:v48+s22+$0x0], $0xffff  }
0x12b: {  	s13 =	sadd.s32 $0x6, s19;
	v4 =	vor.u32 v22, v58;
	v3 =	vld.idx.msk [tilespmem:v49+s7+$0x0], $0xffff;
	[tilespmem:$0x1FEC0] =	vst v6;
	v14 =	vadd.f32 v61, v1  }
0x12c: {  	s20 =	sadd.s32 $0xC, s19;
	v60 =	vxor.u32 s13, v0;
	v7 =	vor.u32 v21, v58;
	v6 =	vld.idx.msk [tilespmem:v15+s22+$0x0], $0xffff  }
0x12d: {  	s15 =	sadd.s32 $0xD, s19;
	v55 =	vxor.u32 s20, v0;
	s20 =	sadd.s32 $0x7, s19;
	v8 =	vor.u32 v22, v60;
	v9 =	vld.idx.msk [tilespmem:v59+s7+$0x0], $0xffff;
	[tilespmem:$0x1FED0] =	vst v14  }
0x12e: {  	v52 =	vxor.u32 s15, v0;
	s13 =	sadd.s32 $0xA, s19;
	v10 =	vor.u32 v21, v60;
	v61 =	vxor.u32 s20, v0;
	v1 =	vld.idx.msk [tilespmem:v62+s22+$0x0], $0xffff  }
0x12f: {  	s12 =	sadd.s32 $0x8, s19;
	v59 =	vxor.u32 s13, v0;
	v11 =	vor.u32 v22, v61;
	v13 =	vmul.f32 v14, v14;
	v12 =	vld.idx.msk [tilespmem:v63+s7+$0x0], $0xffff  }
0x130: {  	s13 =	sadd.s32 $0x9, s19;
	v17 =	vadd.f32 v14, v56;
	v62 =	vxor.u32 s12, v0;
	v4 =	vld.idx.msk [tilespmem:v4+s22+$0x0], $0xffff;
	v51 =	vadd.f32 v3, v19  }
0x131: {  	v63 =	vxor.u32 s13, v0;
	v49 =	vadd.f32 v5, v2;
	v7 =	vld.idx.msk [tilespmem:v7+s7+$0x0], $0xffff;
	v19 =	vor.u32 v21, v61  }
0x132: {  	v8 =	vld.idx.msk [tilespmem:v8+s22+$0x0], $0xffff;
	v56 =	vor.u32 v22, v62;
	v13 =	vadd.f32 v13, v54;
	v18 =	vmul.f32 v51, v51  }
0x133: {  	v10 =	vld.idx.msk [tilespmem:v10+s7+$0x0], $0xffff;
	v14 =	vor.u32 v21, v62;
	v48 =	vadd.f32 v9, v6;
	v9 =	vadd.f32 v51, v17  }
0x134: {  	v2 =	vld [tilespmem:$0x1FEC0];
	v5 =	vor.u32 v22, v63;
	v15 =	vmul.f32 v49, v49;
	v54 =	vadd.f32 v18, v13  }
0x135: {  	v16 =	vor.u32 v21, v63;
	v11 =	vld.idx.msk [tilespmem:v11+s22+$0x0], $0xffff;
	v17 =	vor.u32 v21, v59;
	v9 =	vadd.f32 v49, v9  }
0x136: {  	s15 =	sadd.s32 $0xB, s19;
	v6 =	vadd.f32 v12, v1;
	v12 =	vld.idx.msk [tilespmem:v19+s7+$0x0], $0xffff;
	v19 =	vmul.f32 v48, v48;
	v15 =	vadd.f32 v15, v54  }
0x137: {  	v13 =	vxor.u32 s15, v0;
	v56 =	vld.idx.msk [tilespmem:v56+s22+$0x0], $0xffff;
	v54 =	vor.u32 v22, v59;
	v9 =	vadd.f32 v48, v9  }
0x138: {  	v4 =	vadd.f32 v7, v4;
	v7 =	vld.idx.msk [tilespmem:v14+s7+$0x0], $0xffff;
	v14 =	vadd.f32 v19, v15;
	v15 =	vmul.f32 v6, v6  }
0x139: {  	v8 =	vadd.f32 v10, v8;
	v18 =	vor.u32 v21, v13;
	v5 =	vld.idx.msk [tilespmem:v5+s22+$0x0], $0xffff;
	v9 =	vadd.f32 v6, v9  }
0x13a: {  	v10 =	vld.idx.msk [tilespmem:v16+s7+$0x0], $0xffff;
	v19 =	vor.u32 v22, v13;
	v14 =	vadd.f32 v15, v14;
	v15 =	vmul.f32 v4, v4  }
0x13b: {  	v1 =	vor.u32 v21, v55;
	v16 =	vor.u32 v22, v55;
	v9 =	vadd.f32 v4, v9  }
0x13c: {  	v11 =	vadd.f32 v12, v11;
	v54 =	vld.idx.msk [tilespmem:v54+s22+$0x0], $0xffff;
	v12 =	vadd.f32 v15, v14;
	v14 =	vmul.f32 v8, v8  }
0x13d: {  	v7 =	vadd.f32 v7, v56;
	v15 =	vld.idx.msk [tilespmem:v17+s7+$0x0], $0xffff;
	v17 =	vor.u32 v22, v52;
	v9 =	vadd.f32 v8, v9  }
0x13e: {  	v56 =	vor.u32 v21, v52;
	v18 =	vld.idx.msk [tilespmem:v18+s7+$0x0], $0xffff;
	v12 =	vadd.f32 v14, v12;
	v14 =	vmul.f32 v11, v11  }
0x13f: {  	s20 =	sadd.s32 $0xF, s19;
	v5 =	vadd.f32 v10, v5;
	v10 =	vor.u32 v22, v2;
	v19 =	vld.idx.msk [tilespmem:v19+s22+$0x0], $0xffff;
	v9 =	vadd.f32 v11, v9  }
0x140: {  	v3 =	vld.idx.msk [tilespmem:v1+s7+$0x0], $0xffff;
	v2 =	vor.u32 v21, v2;
	v12 =	vadd.f32 v14, v12;
	v14 =	vxor.u32 s20, v0  }
0x141: {  	v16 =	vld.idx.msk [tilespmem:v16+s22+$0x0], $0xffff;
	v1 =	vmul.f32 v7, v7;
	v9 =	vadd.f32 v7, v9;
	v22 =	vor.u32 v22, v14  }
0x142: {  	v15 =	vadd.f32 v15, v54;
	v21 =	vor.u32 v21, v14;
	v17 =	vld.idx.msk [tilespmem:v17+s22+$0x0], $0xffff  }
0x143: {  	v54 =	vmul.f32 v5, v5;
	v1 =	vadd.f32 v1, v12;
	v12 =	vld.idx.msk [tilespmem:v56+s7+$0x0], $0xffff;
	v9 =	vadd.f32 v5, v9  }
0x144: {  	v10 =	vld.idx.msk [tilespmem:v10+s22+$0x0], $0xffff;
	v18 =	vadd.f32 v18, v19  }
0x145: {  	v2 =	vld.idx.msk [tilespmem:v2+s7+$0x0], $0xffff;
	v56 =	vmul.f32 v15, v15;
	v1 =	vadd.f32 v54, v1;
	v9 =	vadd.f32 v15, v9  }
0x146: {  	v3 =	vadd.f32 v3, v16;
	v16 =	vld.idx.msk [tilespmem:v22+s22+$0x0], $0xffff  }
0x147: {  	v21 =	vld.idx.msk [tilespmem:v21+s7+$0x0], $0xffff;
	v1 =	vadd.f32 v56, v1;
	v22 =	vmul.f32 v18, v18;
	v9 =	vadd.f32 v18, v9  }
0x148: {  	v12 =	vadd.f32 v12, v17  }
0x149: {  	v54 =	vmul.f32 v3, v3;
	v1 =	vadd.f32 v22, v1;
	v9 =	vadd.f32 v3, v9  }
0x14a: {  	v2 =	vadd.f32 v2, v10  }
0x14b: {  	v56 =	vmul.f32 v12, v12;
	v1 =	vadd.f32 v54, v1;
	v9 =	vadd.f32 v12, v9  }
0x14c: {  	v16 =	vadd.f32 v21, v16  }
0x14d: {  	v19 =	vmul.f32 v2, v2;
	v1 =	vadd.f32 v56, v1;
	v9 =	vadd.f32 v2, v9  }
0x14e: {  	[tilespmem:v38+s23+$0x0] =	vst.idx.msk $0xffff, v26  }
0x14f: {  	v21 =	vmul.f32 v16, v16;
	v1 =	vadd.f32 v19, v1;
	v9 =	vadd.f32 v16, v9  }
0x150: {  	[tilespmem:v37+s23+$0x0] =	vst.idx.msk $0xffff, v27  }
0x151: {  	[tilespmem:v44+s23+$0x0] =	vst.idx.msk $0xffff, v28;
	v1 =	vadd.f32 v21, v1;
	v9 =	vmul.f32 $7.812500000e-03, v9  }
0x152: {  	[tilespmem:v40+s23+$0x0] =	vst.idx.msk $0xffff, v29  }
0x153: {  	[tilespmem:v46+s23+$0x0] =	vst.idx.msk $0xffff, v30;
	v1 =	vmul.f32 $7.812500000e-03, v1;
	v22 =	vmul.f32 v9, v9  }
0x154: {  	[tilespmem:v42+s23+$0x0] =	vst.idx.msk $0xffff, v31  }
0x155: {  	[tilespmem:v47+s23+$0x0] =	vst.idx.msk $0xffff, v32;
	v1 =	vsub.f32 v1, v22  }
0x156: {  	[tilespmem:v45+s23+$0x0] =	vst.idx.msk $0xffff, v33;
	v44 =	vor.u32 v20, v53  }
0x157: {  	v42 =	vld [tilespmem:$0x1FEB0];
	[tilespmem:v43+s23+$0x0] =	vst.idx.msk $0xffff, v34;
	v43 =	vor.u32 v20, v50;
	v1 =	vadd.f32 $9.999999960e-13, v1  }
0x158: {  	v45 =	vor.u32 v20, v57;
	[tilespmem:v41+s23+$0x0] =	vst.idx.msk $0xffff, v35  }
0x159: {  	v46 =	vor.u32 v20, v58;
	[tilespmem:v39+s23+$0x0] =	vst.idx.msk $0xffff, v36;
	v38 =	vshra.s32 v1, $0x1;
	v1 =	vmul.f32 $5.000000000e-01, v1  }
0x15a: {  	[tilespmem:v23+s23+$0x0] =	vst.idx.msk $0xffff, v24;
	v50 =	vor.u32 v20, v60;
	v10 =	vsub.s32 $0x5F3759DF, v38  }
0x15b: {  	v53 =	vor.u32 v20, v61;
	[tilespmem:v44+s23+$0x0] =	vst.idx.msk $0xffff, v48;
	v40 =	vmul.f32 v10, v1  }
0x15c: {  	[tilespmem:v43+s23+$0x0] =	vst.idx.msk $0xffff, v49;
	v56 =	vor.u32 v20, v62  }
0x15d: {  	[tilespmem:v45+s23+$0x0] =	vst.idx.msk $0xffff, v6;
	v19 =	vor.u32 v20, v42;
	v17 =	vmul.f32 v10, v40  }
0x15e: {  	[tilespmem:v46+s23+$0x0] =	vst.idx.msk $0xffff, v4  }
0x15f: {  	[tilespmem:v50+s23+$0x0] =	vst.idx.msk $0xffff, v8;
	v17 =	vsub.f32 $1.500000000e+00, v17  }
0x160: {  	[tilespmem:v53+s23+$0x0] =	vst.idx.msk $0xffff, v11  }
0x161: {  	[tilespmem:v56+s23+$0x0] =	vst.idx.msk $0xffff, v7;
	v10 =	vmul.f32 v10, v17  }
0x162: {  	v57 =	vor.u32 v20, v63;
	[tilespmem:v19+s23+$0x0] =	vst.idx.msk $0xffff, v51  }
0x163: {  	v59 =	vor.u32 v20, v59;
	v7 =	vld [tilespmem:$0x1FEC0];
	v47 =	vmul.f32 v10, v1  }
0x164: {  	v60 =	vor.u32 v20, v13  }
0x165: {  	v61 =	vor.u32 v20, v55;
	v54 =	vmul.f32 v47, v10  }
0x166: {  	v62 =	vor.u32 v20, v52  }
0x167: {  	v63 =	vor.u32 v20, v14;
	[tilespmem:v57+s23+$0x0] =	vst.idx.msk $0xffff, v5;
	v58 =	vsub.f32 $1.500000000e+00, v54  }
0x168: {  	[tilespmem:v59+s23+$0x0] =	vst.idx.msk $0xffff, v15;
	v7 =	vor.u32 v20, v7  }
0x169: {  	[tilespmem:v60+s23+$0x0] =	vst.idx.msk $0xffff, v18;
	v6 =	vmul.f32 v58, v10  }
0x16a: {  	[tilespmem:v61+s23+$0x0] =	vst.idx.msk $0xffff, v3  }
0x16b: {  	[tilespmem:v62+s23+$0x0] =	vst.idx.msk $0xffff, v12;
	v1 =	vmul.f32 v6, v1  }
0x16c: {  	[tilespmem:v63+s23+$0x0] =	vst.idx.msk $0xffff, v16  }
0x16d: {  	[tilespmem:v7+s23+$0x0] =	vst.idx.msk $0xffff, v2;
	v1 =	vmul.f32 v1, v6  }
0x16e: {  	v3 =	vld [tilespmem:$0x1FED0]  }
0x16f: {  	s17 =	sadd.s32 $0x1, s17;
	v1 =	vsub.f32 $1.500000000e+00, v1  }
0x170: {  	p1 =	sne.s32 s17, $0x5  }
.Ltmp6:
0x171: {  	v2 =	vsub.f32 $0.0e+00, v9;
	v1 =	vmul.f32 v1, v6;
	(pc) =	sbr.rel @p1 .LBB2_5-.Ltmp6, $4  }
0x172: {  	_ = 	snop  }
0x173: {  	[tilespmem:v25+s23+$0x0] =	vst.idx.msk $0xffff, v3;
	v2 =	vmul.f32 v1, v2  }
0x174: {  	[tilespmem:s18+$0x1A200] =	vst v1  }
0x175: {  	[tilespmem:s18+$0x1A280] =	vst v2  }
.Ltmp7:
0x176: {  	(pc) =	sbr.rel @p0 .LBB2_12-.Ltmp7, $2  }
0x177: {  	_ =	sdelay $0x2  }
0x178: {  	s18 =	simm.s32 $0x0;
	s17 =	simm.s32 $0x12100  }
0x179: {  	v7 =	vld [tilespmem:s17+$0x70]  }
0x17a: {  	v54 =	vld [tilespmem:s17+$0xFFFFFF00]  }
0x17b: {  	v1 =	vmov s18;
	s10 =	simm.s32 $0x3;
	v8 =	vld [tilespmem:s17+$0xFFFFFF10]  }
0x17c: {  	v9 =	vld [tilespmem:s17+$0xFFFFFF20];
	v2 =	vmov s10;
	v1 =	vand.u32 $0xFFFFFFFC, v1  }
0x17d: {  	v10 =	vld [tilespmem:s17+$0xFFFFFF30];
	v1 =	vbroadcast v1, $0x0  }
0x17e: {  	v11 =	vld [tilespmem:s17+$0xFFFFFF40]  }
0x17f: {  	s15 =	simm.s32 $0x2;
	v12 =	vld [tilespmem:s17+$0xFFFFFF50]  }
0x180: {  	v13 =	vld [tilespmem:s17+$0xFFFFFF60];
	v4 =	vmov s15  }
0x181: {  	v4 =	vand.u32 $0xFFFFFFFE, v4;
	v19 =	vld.idx.msk [tilespmem:v2+s30+$0x0], $0xffff  }
0x182: {  	v4 =	vbroadcast v4, $0x0;
	v20 =	vld.idx.msk [tilespmem:v2+s29+$0x0], $0xffff  }
0x183: {  	s13 =	simm.s32 $0x1;
	v2 =	vld.idx.msk [tilespmem:v1+s30+$0x0], $0xffff  }
0x184: {  	v3 =	vmov s13;
	v1 =	vld.idx.msk [tilespmem:v1+s29+$0x0], $0xffff  }
0x185: {  	v14 =	vld [tilespmem:s17+$0xFFFFFF70];
	v3 =	vand.u32 $0xFFFFFFFD, v3  }
0x186: {  	v57 =	vld [tilespmem:s17+$0xFFFFFF80];
	v3 =	vbroadcast v3, $0x0  }
0x187: {  	v60 =	vld [tilespmem:s17+$0xFFFFFF90]  }
0x188: {  	v6 =	vld.idx.msk [tilespmem:v4+s29+$0x0], $0xffff  }
0x189: {  	v21 =	vld.idx.msk [tilespmem:v4+s30+$0x0], $0xffff;
	v4 =	vmul.f32 v54, v1  }
0x18a: {  	v63 =	vld [tilespmem:s17+$0xFFFFFFA0];
	v8 =	vmul.f32 v8, v1  }
0x18b: {  	v34 =	vld [tilespmem:s17+$0xFFFFFFB0];
	v9 =	vmul.f32 v9, v1;
	v4 =	vadd.f32 v4, v2  }
0x18c: {  	v5 =	vld.idx.msk [tilespmem:v3+s30+$0x0], $0xffff;
	v56 =	vmul.f32 v10, v1;
	v55 =	vadd.f32 v8, v2  }
0x18d: {  	v3 =	vld.idx.msk [tilespmem:v3+s29+$0x0], $0xffff;
	v59 =	vmul.f32 v11, v1;
	v58 =	vadd.f32 v9, v2;
	[tilespmem:s17+$0xFFFFFF00] =	vst v4  }
0x18e: {  	v36 =	vld [tilespmem:s17+$0xFFFFFFC0];
	v62 =	vmul.f32 v12, v1;
	v61 =	vadd.f32 v56, v2;
	[tilespmem:s17+$0xFFFFFF10] =	vst v55  }
0x18f: {  	v39 =	vld [tilespmem:s17+$0xFFFFFFD0];
	v33 =	vmul.f32 v13, v1;
	v32 =	vadd.f32 v59, v2;
	[tilespmem:s17+$0xFFFFFF20] =	vst v58  }
0x190: {  	v44 =	vld [tilespmem:s17+$0x0];
	v1 =	vmul.f32 v14, v1;
	v35 =	vadd.f32 v62, v2;
	[tilespmem:s17+$0xFFFFFF30] =	vst v61  }
0x191: {  	v47 =	vld [tilespmem:s17+$0x20];
	v7 =	vmul.f32 v7, v6;
	v37 =	vadd.f32 v33, v2;
	[tilespmem:s17+$0xFFFFFF40] =	vst v32  }
0x192: {  	v40 =	vld [tilespmem:s17+$0xFFFFFFE0];
	v38 =	vmul.f32 v57, v3;
	v1 =	vadd.f32 v1, v2;
	[tilespmem:s17+$0xFFFFFF50] =	vst v35  }
0x193: {  	v49 =	vld [tilespmem:s17+$0x30];
	v2 =	vmul.f32 v60, v3;
	v7 =	vadd.f32 v7, v21;
	[tilespmem:s17+$0xFFFFFF60] =	vst v37  }
0x194: {  	v43 =	vld [tilespmem:s17+$0xFFFFFFF0];
	v42 =	vmul.f32 v63, v3;
	v41 =	vadd.f32 v38, v5;
	[tilespmem:s17+$0xFFFFFF70] =	vst v1  }
0x195: {  	v51 =	vmul.f32 v44, v6;
	v1 =	vadd.f32 v2, v5;
	v2 =	vmul.f32 v34, v3;
	[tilespmem:s17+$0x70] =	vst v7  }
0x196: {  	v57 =	vmul.f32 v47, v6;
	v8 =	vmul.f32 v36, v3;
	v45 =	vadd.f32 v42, v5;
	[tilespmem:s17+$0xFFFFFF80] =	vst v41  }
0x197: {  	v46 =	vld [tilespmem:s17+$0x10];
	v56 =	vadd.f32 v51, v21;
	[tilespmem:s17+$0xFFFFFF90] =	vst v1;
	v1 =	vadd.f32 v2, v5;
	v2 =	vmul.f32 v39, v3  }
0x198: {  	v52 =	vld [tilespmem:s17+$0x50];
	v60 =	vadd.f32 v57, v21;
	v48 =	vadd.f32 v8, v5;
	v8 =	vmul.f32 v49, v6;
	[tilespmem:s17+$0xFFFFFFA0] =	vst v45  }
0x199: {  	v7 =	vmul.f32 v40, v3;
	[tilespmem:s17+$0xFFFFFFB0] =	vst v1;
	v1 =	vadd.f32 v2, v5;
	v2 =	vmul.f32 v43, v3;
	v3 =	vld [tilespmem:s17+$0x40]  }
0x19a: {  	[tilespmem:s17+$0x0] =	vst v56  }
0x19b: {  	s18 =	simm.s32 $0x4;
	v55 =	vld [tilespmem:s17+$0x60];
	[tilespmem:s17+$0x20] =	vst v60;
	v61 =	vadd.f32 v8, v21  }
0x19c: {  	s20 =	simm.s32 $0x5;
	v53 =	vmov s18;
	v58 =	vld [tilespmem:s17+$0x80];
	[tilespmem:s17+$0xFFFFFFC0] =	vst v48;
	v50 =	vadd.f32 v7, v5  }
0x19d: {  	v24 =	vld [tilespmem:s17+$0x90];
	v12 =	vand.u32 $0xFFFFFFFC, v53;
	v54 =	vmul.f32 v46, v6;
	v59 =	vmov s20;
	[tilespmem:s17+$0x30] =	vst v61  }
0x19e: {  	s19 =	simm.s32 $0x7;
	v25 =	vld [tilespmem:s17+$0xA0];
	v62 =	vmul.f32 v52, v6;
	[tilespmem:s17+$0xFFFFFFE0] =	vst v50;
	v2 =	vadd.f32 v2, v5;
	v3 =	vmul.f32 v3, v6  }
0x19f: {  	v26 =	vld [tilespmem:s17+$0xB0];
	v63 =	vand.u32 $0xFFFFFFFD, v59;
	[tilespmem:s17+$0xFFFFFFD0] =	vst v1;
	v1 =	vmov s19;
	v5 =	vadd.f32 v54, v21  }
0x1a0: {  	v27 =	vld [tilespmem:s17+$0xC0];
	v31 =	vmul.f32 v55, v6;
	[tilespmem:s17+$0xFFFFFFF0] =	vst v2;
	v2 =	vbroadcast v12, $0x0;
	v30 =	vadd.f32 v3, v21  }
0x1a1: {  	v29 =	vld [tilespmem:s17+$0xD0];
	s15 =	simm.s32 $0x6;
	s18 =	simm.s32 $0x12100;
	v28 =	vbroadcast v63, $0x0;
	v32 =	vadd.f32 v62, v21;
	v33 =	vmul.f32 v58, v20;
	s19 =	simm.s32 $0x8;
	[tilespmem:s17+$0x10] =	vst v5  }
.LBB2_10:
0x1a2: {  	p1 =	slt.u32 s19, $0x4C;
	v3 =	vmov s15;
	[tilespmem:s17+$0x40] =	vst v30;
	v4 =	vadd.f32 v31, v21;
	v5 =	vmul.f32 v24, v20;
	v6 =	vld [tilespmem:s17+$0xE0]  }
0x1a3: {  	v3 =	vand.u32 $0xFFFFFFFE, v3;
	[tilespmem:s17+$0x50] =	vst v32;
	v7 =	vadd.f32 v33, v19;
	v8 =	vmul.f32 v25, v20;
	v9 =	vld [tilespmem:s17+$0xF0]  }
0x1a4: {  	v3 =	vbroadcast v3, $0x0;
	v10 =	vld.idx.msk [tilespmem:v1+s30+$0x0], $0xffff;
	[tilespmem:s17+$0x60] =	vst v4;
	v4 =	vadd.f32 v5, v19;
	v5 =	vmul.f32 v26, v20  }
0x1a5: {  	v1 =	vld.idx.msk [tilespmem:v1+s29+$0x0], $0xffff;
	[tilespmem:s17+$0x80] =	vst v7;
	v7 =	vadd.f32 v8, v19;
	v8 =	vmul.f32 v27, v20  }
0x1a6: {  	v11 =	vld.idx.msk [tilespmem:v2+s30+$0x0], $0xffff;
	[tilespmem:s17+$0x90] =	vst v4;
	v4 =	vadd.f32 v5, v19;
	v5 =	vmul.f32 v29, v20  }
0x1a7: {  	v2 =	vld.idx.msk [tilespmem:v2+s29+$0x0], $0xffff;
	[tilespmem:s17+$0xA0] =	vst v7;
	v7 =	vadd.f32 v8, v19;
	v6 =	vmul.f32 v6, v20  }
0x1a8: {  	v8 =	vld.idx.msk [tilespmem:v28+s30+$0x0], $0xffff;
	[tilespmem:s17+$0xB0] =	vst v4;
	v4 =	vadd.f32 v5, v19;
	v5 =	vmul.f32 v9, v20  }
0x1a9: {  	v9 =	vld.idx.msk [tilespmem:v28+s29+$0x0], $0xffff;
	[tilespmem:s17+$0xC0] =	vst v7;
	v6 =	vadd.f32 v6, v19  }
0x1aa: {  	s17 =	sadd.s32 $0x200, s17;
	v22 =	vld.idx.msk [tilespmem:v3+s29+$0x0], $0xffff;
	[tilespmem:s18+$0xD0] =	vst v4;
	v4 =	vadd.f32 v5, v19;
	v19 =	vmov v10  }
0x1ab: {  	v20 =	vmov v1;
	v5 =	vld [tilespmem:s17+$0x70];
	[tilespmem:s18+$0xE0] =	vst v6  }
0x1ac: {  	v21 =	vld.idx.msk [tilespmem:v3+s30+$0x0], $0xffff;
	[tilespmem:s18+$0xF0] =	vst v4;
	s18 =	smov.u32 s17  }
0x1ad: {  	v1 =	vld [tilespmem:s17+$0xFFFFFF00]  }
0x1ae: {  	v3 =	vld [tilespmem:s17+$0xFFFFFF10]  }
0x1af: {  	v4 =	vld [tilespmem:s17+$0xFFFFFF20]  }
0x1b0: {  	v6 =	vld [tilespmem:s17+$0xFFFFFF30];
	v5 =	vmul.f32 v5, v22  }
0x1b1: {  	v7 =	vld [tilespmem:s17+$0xFFFFFF40]  }
0x1b2: {  	v1 =	vmul.f32 v1, v2;
	v10 =	vld [tilespmem:s17+$0xFFFFFF50];
	v5 =	vadd.f32 v5, v21  }
0x1b3: {  	v3 =	vmul.f32 v3, v2;
	v12 =	vld [tilespmem:s17+$0xFFFFFF60]  }
0x1b4: {  	v1 =	vadd.f32 v1, v11;
	v4 =	vmul.f32 v4, v2;
	v13 =	vld [tilespmem:s17+$0xFFFFFF70];
	[tilespmem:s17+$0x70] =	vst v5  }
0x1b5: {  	v3 =	vadd.f32 v3, v11;
	v5 =	vmul.f32 v6, v2;
	v6 =	vld [tilespmem:s17+$0xFFFFFF80]  }
0x1b6: {  	[tilespmem:s17+$0xFFFFFF00] =	vst v1;
	v1 =	vadd.f32 v4, v11;
	v4 =	vmul.f32 v7, v2;
	v7 =	vld [tilespmem:s17+$0xFFFFFF90]  }
0x1b7: {  	[tilespmem:s17+$0xFFFFFF10] =	vst v3;
	v3 =	vadd.f32 v5, v11;
	v5 =	vmul.f32 v10, v2;
	v10 =	vld [tilespmem:s17+$0xFFFFFFA0]  }
0x1b8: {  	[tilespmem:s17+$0xFFFFFF20] =	vst v1;
	v1 =	vadd.f32 v4, v11;
	v4 =	vmul.f32 v12, v2;
	v12 =	vld [tilespmem:s17+$0xFFFFFFB0]  }
0x1b9: {  	[tilespmem:s17+$0xFFFFFF30] =	vst v3;
	v3 =	vadd.f32 v5, v11;
	v2 =	vmul.f32 v13, v2;
	v5 =	vld [tilespmem:s17+$0xFFFFFFC0]  }
0x1ba: {  	[tilespmem:s17+$0xFFFFFF40] =	vst v1;
	v1 =	vadd.f32 v4, v11;
	v4 =	vmul.f32 v6, v9;
	v6 =	vld [tilespmem:s17+$0xFFFFFFD0]  }
0x1bb: {  	[tilespmem:s17+$0xFFFFFF50] =	vst v3;
	v2 =	vadd.f32 v2, v11;
	v3 =	vmul.f32 v7, v9;
	v7 =	vld [tilespmem:s17+$0xFFFFFFE0]  }
0x1bc: {  	[tilespmem:s17+$0xFFFFFF60] =	vst v1;
	v1 =	vadd.f32 v4, v8;
	v4 =	vmul.f32 v10, v9;
	v10 =	vld [tilespmem:s17+$0xFFFFFFF0]  }
0x1bd: {  	[tilespmem:s17+$0xFFFFFF70] =	vst v2;
	v2 =	vadd.f32 v3, v8;
	v3 =	vmul.f32 v12, v9;
	v11 =	vld [tilespmem:s17+$0x0]  }
0x1be: {  	[tilespmem:s17+$0xFFFFFF80] =	vst v1;
	v1 =	vadd.f32 v4, v8;
	v4 =	vmul.f32 v5, v9;
	v5 =	vld [tilespmem:s17+$0x10]  }
0x1bf: {  	[tilespmem:s17+$0xFFFFFF90] =	vst v2;
	v2 =	vadd.f32 v3, v8;
	v3 =	vmul.f32 v6, v9;
	v6 =	vld [tilespmem:s17+$0x20]  }
0x1c0: {  	[tilespmem:s17+$0xFFFFFFA0] =	vst v1;
	v1 =	vadd.f32 v4, v8;
	v4 =	vmul.f32 v7, v9;
	v7 =	vld [tilespmem:s17+$0x30]  }
0x1c1: {  	[tilespmem:s17+$0xFFFFFFB0] =	vst v2;
	v2 =	vadd.f32 v3, v8;
	v3 =	vmul.f32 v10, v9;
	v9 =	vld [tilespmem:s17+$0x40]  }
0x1c2: {  	[tilespmem:s17+$0xFFFFFFC0] =	vst v1;
	v4 =	vadd.f32 v4, v8;
	v10 =	vmul.f32 v11, v22;
	v11 =	vld [tilespmem:s17+$0x50]  }
0x1c3: {  	s10 =	sadd.s32 $0x3, s19;
	v12 =	vmov s19;
	[tilespmem:s17+$0xFFFFFFD0] =	vst v2;
	v2 =	vadd.f32 v3, v8;
	v3 =	vmul.f32 v5, v22;
	v5 =	vld [tilespmem:s17+$0x60]  }
0x1c4: {  	v1 =	vmov s10;
	[tilespmem:s17+$0xFFFFFFE0] =	vst v4;
	v4 =	vadd.f32 v10, v21;
	v6 =	vmul.f32 v6, v22;
	v8 =	vld [tilespmem:s17+$0x80]  }
.Ltmp8:
0x1c5: {  	s10 =	sadd.s32 $0x1, s19;
	v10 =	vand.u32 $0xFFFFFFFC, v12;
	[tilespmem:s17+$0xFFFFFFF0] =	vst v2;
	v3 =	vadd.f32 v3, v21;
	v7 =	vmul.f32 v7, v22;
	v24 =	vld [tilespmem:s17+$0x90];
	(pc) =	sbr.rel @p1 .LBB2_10-.Ltmp8, $4  }
0x1c6: {  	v12 =	vmov s10;
	[tilespmem:s17+$0x0] =	vst v4;
	v4 =	vadd.f32 v6, v21;
	v6 =	vmul.f32 v9, v22;
	v25 =	vld [tilespmem:s17+$0xA0]  }
0x1c7: {  	v2 =	vbroadcast v10, $0x0;
	[tilespmem:s17+$0x10] =	vst v3;
	v3 =	vadd.f32 v7, v21;
	v7 =	vmul.f32 v11, v22;
	v26 =	vld [tilespmem:s17+$0xB0]  }
0x1c8: {  	v9 =	vand.u32 $0xFFFFFFFD, v12;
	[tilespmem:s17+$0x20] =	vst v4;
	v30 =	vadd.f32 v6, v21;
	v31 =	vmul.f32 v5, v22;
	v27 =	vld [tilespmem:s17+$0xC0]  }
0x1c9: {  	s15 =	sadd.s32 $0x2, s19;
	s19 =	sadd.s32 $0x4, s19;
	v28 =	vbroadcast v9, $0x0;
	[tilespmem:s17+$0x30] =	vst v3;
	v32 =	vadd.f32 v7, v21;
	v33 =	vmul.f32 v8, v20;
	v29 =	vld [tilespmem:s17+$0xD0]  }
0x1ca: {  	_ =	sdelay $0x1  }
0x1cb: {  	v4 =	vld [tilespmem:s17+$0xE0]  }
0x1cc: {  	v5 =	vld [tilespmem:s17+$0xF0]  }
0x1cd: {  	v22 =	vld.idx.msk [tilespmem:v1+s30+$0x0], $0xffff  }
0x1ce: {  	v23 =	vld.idx.msk [tilespmem:v1+s29+$0x0], $0xffff  }
0x1cf: {  	v1 =	vld.idx.msk [tilespmem:v2+s30+$0x0], $0xffff  }
0x1d0: {  	v2 =	vld.idx.msk [tilespmem:v2+s29+$0x0], $0xffff  }
0x1d1: {  	v6 =	vld.idx.msk [tilespmem:v28+s30+$0x0], $0xffff  }
0x1d2: {  	s19 =	sadd.s32 $0x200, s17;
	v7 =	vld.idx.msk [tilespmem:v28+s29+$0x0], $0xffff  }
0x1d3: {  	[tilespmem:s17+$0x40] =	vst v30;
	v8 =	vadd.f32 v31, v21;
	v9 =	vmul.f32 v24, v20;
	v13 =	vld [tilespmem:s19+$0x70]  }
0x1d4: {  	[tilespmem:s17+$0x50] =	vst v32;
	v11 =	vadd.f32 v33, v19;
	v12 =	vmul.f32 v25, v20;
	v14 =	vld [tilespmem:s19+$0xFFFFFF00]  }
0x1d5: {  	v15 =	vld [tilespmem:s19+$0xFFFFFF10];
	[tilespmem:s17+$0x60] =	vst v8;
	v39 =	vadd.f32 v9, v19;
	v40 =	vmul.f32 v26, v20  }
0x1d6: {  	v46 =	vld [tilespmem:s19+$0xFFFFFF20];
	[tilespmem:s17+$0x80] =	vst v11;
	v41 =	vadd.f32 v12, v19;
	v42 =	vmul.f32 v27, v20  }
0x1d7: {  	v48 =	vld [tilespmem:s19+$0xFFFFFF30];
	[tilespmem:s17+$0x90] =	vst v39;
	v43 =	vadd.f32 v40, v19;
	v44 =	vmul.f32 v29, v20  }
0x1d8: {  	v50 =	vld [tilespmem:s19+$0xFFFFFF40];
	[tilespmem:s17+$0xA0] =	vst v41;
	v45 =	vadd.f32 v42, v19;
	v4 =	vmul.f32 v4, v20  }
0x1d9: {  	v52 =	vld [tilespmem:s19+$0xFFFFFF50];
	v5 =	vmul.f32 v5, v20;
	[tilespmem:s17+$0xB0] =	vst v43;
	v47 =	vadd.f32 v44, v19  }
0x1da: {  	v55 =	vld [tilespmem:s19+$0xFFFFFF60];
	v51 =	vmul.f32 v14, v2;
	[tilespmem:s17+$0xC0] =	vst v45;
	v4 =	vadd.f32 v4, v19  }
0x1db: {  	v60 =	vld [tilespmem:s19+$0xFFFFFF80];
	v54 =	vmul.f32 v15, v2;
	v5 =	vadd.f32 v5, v19;
	[tilespmem:s18+$0xD0] =	vst v47  }
0x1dc: {  	v3 =	vmov s15;
	v58 =	vld [tilespmem:s19+$0xFFFFFF70];
	v57 =	vmul.f32 v46, v2;
	v56 =	vadd.f32 v51, v1;
	[tilespmem:s18+$0xE0] =	vst v4  }
0x1dd: {  	v3 =	vand.u32 $0xFFFFFFFE, v3;
	v63 =	vld [tilespmem:s19+$0xFFFFFF90];
	v9 =	vmul.f32 v48, v2;
	v59 =	vadd.f32 v54, v1;
	[tilespmem:s18+$0xF0] =	vst v5  }
0x1de: {  	v3 =	vbroadcast v3, $0x0;
	v27 =	vld [tilespmem:s19+$0xFFFFFFC0];
	v62 =	vmul.f32 v50, v2;
	v61 =	vadd.f32 v57, v1;
	[tilespmem:s19+$0xFFFFFF00] =	vst v56  }
0x1df: {  	v25 =	vld [tilespmem:s19+$0xFFFFFFB0];
	v24 =	vmul.f32 v55, v2;
	v18 =	vadd.f32 v9, v1;
	[tilespmem:s19+$0xFFFFFF10] =	vst v59  }
0x1e0: {  	v31 =	vld [tilespmem:s19+$0xFFFFFFE0];
	v29 =	vmul.f32 v60, v7;
	v21 =	vadd.f32 v62, v1;
	[tilespmem:s19+$0xFFFFFF20] =	vst v61  }
0x1e1: {  	v30 =	vld [tilespmem:s19+$0xFFFFFFD0];
	v19 =	vmul.f32 v52, v2;
	v28 =	vadd.f32 v24, v1;
	[tilespmem:s19+$0xFFFFFF30] =	vst v18  }
0x1e2: {  	v20 =	vld [tilespmem:s19+$0xFFFFFFA0];
	v2 =	vmul.f32 v58, v2;
	v32 =	vadd.f32 v29, v6;
	[tilespmem:s19+$0xFFFFFF40] =	vst v21  }
0x1e3: {  	v34 =	vld [tilespmem:s19+$0xFFFFFFF0];
	v37 =	vmul.f32 v27, v7;
	v26 =	vadd.f32 v19, v1;
	[tilespmem:s19+$0xFFFFFF60] =	vst v28  }
0x1e4: {  	v10 =	vld.idx.msk [tilespmem:v3+s29+$0x0], $0xffff;
	v1 =	vadd.f32 v2, v1;
	v2 =	vmul.f32 v63, v7;
	[tilespmem:s19+$0xFFFFFF80] =	vst v32  }
0x1e5: {  	v35 =	vld [tilespmem:s19+$0x0];
	v4 =	vmul.f32 v31, v7;
	v40 =	vadd.f32 v37, v6;
	[tilespmem:s19+$0xFFFFFF50] =	vst v26  }
0x1e6: {  	v3 =	vld.idx.msk [tilespmem:v3+s30+$0x0], $0xffff;
	[tilespmem:s19+$0xFFFFFF70] =	vst v1;
	v1 =	vadd.f32 v2, v6;
	v2 =	vmul.f32 v25, v7  }
0x1e7: {  	v38 =	vld [tilespmem:s19+$0x10];
	v33 =	vmul.f32 v20, v7;
	v4 =	vadd.f32 v4, v6;
	[tilespmem:s19+$0xFFFFFFC0] =	vst v40  }
0x1e8: {  	v39 =	vld [tilespmem:s19+$0x20];
	[tilespmem:s19+$0xFFFFFF90] =	vst v1;
	v1 =	vadd.f32 v2, v6;
	v2 =	vmul.f32 v30, v7  }
0x1e9: {  	v41 =	vld [tilespmem:s19+$0x30];
	v36 =	vadd.f32 v33, v6;
	v49 =	vmul.f32 v13, v10;
	[tilespmem:s19+$0xFFFFFFE0] =	vst v4  }
0x1ea: {  	v42 =	vld [tilespmem:s19+$0x40];
	[tilespmem:s19+$0xFFFFFFB0] =	vst v1;
	v1 =	vadd.f32 v2, v6;
	v2 =	vmul.f32 v34, v7  }
0x1eb: {  	v44 =	vld [tilespmem:s19+$0x50];
	v43 =	vmul.f32 v35, v10;
	[tilespmem:s19+$0xFFFFFFA0] =	vst v36;
	v53 =	vadd.f32 v49, v3  }
0x1ec: {  	v45 =	vld [tilespmem:s19+$0x60];
	[tilespmem:s19+$0xFFFFFFD0] =	vst v1;
	v1 =	vadd.f32 v2, v6;
	v2 =	vmul.f32 v38, v10  }
0x1ed: {  	v48 =	vld [tilespmem:s19+$0x80];
	v47 =	vmul.f32 v39, v10;
	v46 =	vadd.f32 v43, v3;
	[tilespmem:s19+$0x70] =	vst v53  }
0x1ee: {  	v49 =	vld [tilespmem:s19+$0x90];
	[tilespmem:s19+$0xFFFFFFF0] =	vst v1;
	v1 =	vadd.f32 v2, v3;
	v2 =	vmul.f32 v41, v10  }
0x1ef: {  	v52 =	vld [tilespmem:s19+$0xA0];
	v51 =	vmul.f32 v42, v10;
	v50 =	vadd.f32 v47, v3;
	[tilespmem:s19+$0x0] =	vst v46  }
0x1f0: {  	v53 =	vld [tilespmem:s19+$0xB0];
	[tilespmem:s19+$0x10] =	vst v1;
	v1 =	vadd.f32 v2, v3;
	v2 =	vmul.f32 v44, v10  }
0x1f1: {  	v56 =	vld [tilespmem:s19+$0xC0];
	v55 =	vmul.f32 v45, v10;
	v54 =	vadd.f32 v51, v3;
	[tilespmem:s19+$0x20] =	vst v50  }
0x1f2: {  	v57 =	vld [tilespmem:s19+$0xD0];
	[tilespmem:s19+$0x30] =	vst v1;
	v1 =	vadd.f32 v2, v3;
	v2 =	vmul.f32 v48, v23  }
0x1f3: {  	v59 =	vld [tilespmem:s19+$0xE0];
	[tilespmem:s19+$0x40] =	vst v54;
	v58 =	vmul.f32 v49, v23;
	v3 =	vadd.f32 v55, v3  }
0x1f4: {  	v60 =	vld [tilespmem:s19+$0xF0];
	[tilespmem:s19+$0x50] =	vst v1;
	v1 =	vadd.f32 v2, v22;
	v2 =	vmul.f32 v52, v23  }
0x1f5: {  	v61 =	vmul.f32 v53, v23;
	[tilespmem:s19+$0x60] =	vst v3;
	v3 =	vadd.f32 v58, v22  }
0x1f6: {  	[tilespmem:s19+$0x80] =	vst v1;
	v1 =	vadd.f32 v2, v22;
	v2 =	vmul.f32 v56, v23  }
0x1f7: {  	v62 =	vmul.f32 v57, v23;
	[tilespmem:s19+$0x90] =	vst v3;
	v3 =	vadd.f32 v61, v22  }
0x1f8: {  	[tilespmem:s19+$0xA0] =	vst v1;
	v1 =	vadd.f32 v2, v22;
	v2 =	vmul.f32 v59, v23  }
.Ltmp9:
0x1f9: {  	v63 =	vmul.f32 v60, v23;
	[tilespmem:s19+$0xB0] =	vst v3;
	v3 =	vadd.f32 v62, v22;
	(pc) =	sbr.rel .LBB2_15-.Ltmp9, $4  }
0x1fa: {  	[tilespmem:s19+$0xC0] =	vst v1;
	v1 =	vadd.f32 v2, v22  }
0x1fb: {  	[tilespmem:s19+$0xD0] =	vst v3;
	v2 =	vadd.f32 v63, v22  }
0x1fc: {  	[tilespmem:s19+$0xE0] =	vst v1  }
0x1fd: {  	[tilespmem:s19+$0xF0] =	vst v2  }
.LBB2_12:
0x1fe: {  	v1 =	vld [tilespmem:s17+$0xFFFFFF00]  }
0x1ff: {  	v3 =	vld [tilespmem:s17+$0xFFFFFF70]  }
0x200: {  	v4 =	vld [tilespmem:s17+$0x70]  }
0x201: {  	v5 =	vld [tilespmem:s17+$0xFFFFFFB0]  }
0x202: {  	v6 =	vld [tilespmem:s17+$0xFFFFFF80]  }
0x203: {  	v8 =	vld [tilespmem:s17+$0xFFFFFFF0]  }
0x204: {  	v9 =	vld [tilespmem:s17+$0xFFFFFFE0]  }
0x205: {  	v10 =	vld [tilespmem:s17+$0xFFFFFFD0]  }
0x206: {  	v11 =	vld [tilespmem:s17+$0xFFFFFFA0]  }
0x207: {  	v13 =	vld [tilespmem:s17+$0xFFFFFF90]  }
0x208: {  	v14 =	vld [tilespmem:s17+$0xFFFFFFC0]  }
0x209: {  	v17 =	vld [tilespmem:s17+$0x10]  }
0x20a: {  	v18 =	vld [tilespmem:s17+$0x0]  }
0x20b: {  	v21 =	vld [tilespmem:s17+$0x50]  }
0x20c: {  	v23 =	vld [tilespmem:s17+$0x20]  }
0x20d: {  	v43 =	vld [tilespmem:$0x1FF00]  }
0x20e: {  	v55 =	vld [tilespmem:$0x1FFC0]  }
0x20f: {  	v33 =	vld [tilespmem:s17+$0x30]  }
0x210: {  	s10 =	simm.s32 $0x1;
	s20 =	simm.s32 $0x3;
	v47 =	vld [tilespmem:$0x1FF40]  }
0x211: {  	v42 =	vld [tilespmem:$0x1FEF0];
	v2 =	vmov s10;
	v16 =	vmov s20  }
0x212: {  	v34 =	vld [tilespmem:s17+$0x40];
	v2 =	vand.u32 $0xFFFFFFFD, v2  }
0x213: {  	v45 =	vld [tilespmem:$0x1FF20];
	v2 =	vbroadcast v2, $0x0  }
0x214: {  	s19 =	simm.s32 $0x2;
	v25 =	vld [tilespmem:s17+$0xB0]  }
0x215: {  	v36 =	vld [tilespmem:s17+$0xC0];
	v7 =	vmov s19  }
0x216: {  	v7 =	vand.u32 $0xFFFFFFFE, v7;
	v20 =	vld.idx.msk [tilespmem:v16+s30+$0x0], $0xffff  }
0x217: {  	v7 =	vbroadcast v7, $0x0;
	v16 =	vld.idx.msk [tilespmem:v16+s29+$0x0], $0xffff  }
0x218: {  	v29 =	vld [tilespmem:s17+$0xA0]  }
0x219: {  	v12 =	vld.idx.msk [tilespmem:v2+s29+$0x0], $0xffff  }
0x21a: {  	v24 =	vmov s18;
	v26 =	vld [tilespmem:s17+$0x60]  }
0x21b: {  	v28 =	vld [tilespmem:s17+$0xF0];
	v24 =	vand.u32 $0xFFFFFFFC, v24  }
0x21c: {  	v50 =	vld [tilespmem:$0x1FF70];
	v27 =	vbroadcast v24, $0x0;
	v24 =	vmul.f32 v25, v16  }
0x21d: {  	v15 =	vld.idx.msk [tilespmem:v7+s29+$0x0], $0xffff;
	v30 =	vmul.f32 v29, v16;
	v40 =	vmul.f32 v36, v16  }
0x21e: {  	v2 =	vld.idx.msk [tilespmem:v2+s30+$0x0], $0xffff;
	v13 =	vmul.f32 v13, v12;
	v9 =	vmul.f32 v9, v12  }
0x21f: {  	v44 =	vld [tilespmem:$0x1FF10];
	v11 =	vmul.f32 v11, v12;
	v10 =	vmul.f32 v10, v12  }
0x220: {  	v46 =	vld [tilespmem:$0x1FF30];
	v5 =	vmul.f32 v5, v12;
	v8 =	vmul.f32 v8, v12  }
0x221: {  	v7 =	vld.idx.msk [tilespmem:v7+s30+$0x0], $0xffff;
	v6 =	vmul.f32 v6, v12;
	v12 =	vmul.f32 v14, v12  }
0x222: {  	v31 =	vld [tilespmem:s17+$0xD0];
	v62 =	vmul.f32 v17, v15;
	v4 =	vmul.f32 v4, v15  }
0x223: {  	v51 =	vld [tilespmem:$0x1FF80];
	v18 =	vmul.f32 v18, v15;
	v13 =	vadd.f32 v13, v2;
	v10 =	vadd.f32 v10, v2  }
0x224: {  	v37 =	vld [tilespmem:s17+$0xFFFFFF20];
	v21 =	vmul.f32 v21, v15;
	v8 =	vadd.f32 v8, v2;
	v5 =	vadd.f32 v5, v2  }
0x225: {  	v49 =	vld [tilespmem:$0x1FF60];
	v23 =	vmul.f32 v23, v15;
	v6 =	vadd.f32 v6, v2;
	v63 =	vadd.f32 v11, v2  }
0x226: {  	v48 =	vld [tilespmem:$0x1FF50];
	v35 =	vmul.f32 v33, v15;
	v32 =	vadd.f32 v62, v7;
	v22 =	vadd.f32 v12, v2  }
0x227: {  	v54 =	vld [tilespmem:$0x1FFB0];
	v4 =	vadd.f32 v4, v7;
	v2 =	vadd.f32 v9, v2;
	v12 =	vmul.f32 v34, v15  }
0x228: {  	v52 =	vld [tilespmem:$0x1FF90];
	v9 =	vadd.f32 v35, v7;
	v15 =	vmul.f32 v26, v15;
	v26 =	vmul.f32 v28, v16  }
0x229: {  	v17 =	vld [tilespmem:s17+$0xE0];
	v25 =	vadd.f32 v18, v7;
	v13 =	vmul.f32 v13, v43;
	v19 =	vmul.f32 v8, v55  }
0x22a: {  	v33 =	vld.idx.msk [tilespmem:v27+s29+$0x0], $0xffff;
	v23 =	vadd.f32 v23, v7;
	v5 =	vmul.f32 v5, v47;
	v6 =	vmul.f32 v6, v42  }
0x22b: {  	v39 =	vld [tilespmem:s17+$0xFFFFFF60];
	v28 =	vadd.f32 v21, v7;
	v8 =	vmul.f32 v63, v45;
	v11 =	vmul.f32 v32, v43  }
0x22c: {  	v18 =	vld [tilespmem:s17+$0x80];
	v9 =	vmul.f32 v9, v47;
	v12 =	vadd.f32 v12, v7;
	v10 =	vmul.f32 v10, v51  }
0x22d: {  	v34 =	vld [tilespmem:s17+$0x90];
	v21 =	vadd.f32 v15, v7;
	v38 =	vmul.f32 v28, v51;
	v5 =	vadd.f32 v5, v50  }
0x22e: {  	v32 =	vld.idx.msk [tilespmem:v27+s30+$0x0], $0xffff;
	v28 =	vmul.f32 v31, v16;
	v17 =	vmul.f32 v17, v16;
	v6 =	vadd.f32 v6, v44  }
0x22f: {  	v41 =	vld [tilespmem:s17+$0xFFFFFF50];
	v7 =	vmul.f32 v37, v33;
	v3 =	vmul.f32 v3, v33;
	v11 =	vadd.f32 v11, v46;
	[tilespmem:s17+$0xFFFFFFB0] =	vst v5  }
0x230: {  	v60 =	vmul.f32 v1, v33;
	v1 =	vmul.f32 v4, v55;
	v9 =	vadd.f32 v9, v50;
	v53 =	vld [tilespmem:$0x1FFA0];
	[tilespmem:s17+$0xFFFFFF80] =	vst v6  }
0x231: {  	v27 =	vld [tilespmem:s17+$0xFFFFFF10];
	v12 =	vmul.f32 v12, v49;
	v8 =	vadd.f32 v8, v48;
	v10 =	vadd.f32 v10, v54;
	[tilespmem:s17+$0x10] =	vst v11  }
0x232: {  	v35 =	vmul.f32 v39, v33;
	v15 =	vadd.f32 v38, v54;
	v13 =	vadd.f32 v13, v46;
	v56 =	vld [tilespmem:$0x1FFD0]  }
0x233: {  	v18 =	vmul.f32 v18, v16;
	v29 =	vmul.f32 v34, v16;
	v12 =	vadd.f32 v12, v52;
	[tilespmem:s17+$0x30] =	vst v9  }
0x234: {  	v31 =	vadd.f32 v17, v20;
	v34 =	vmul.f32 v41, v33;
	v7 =	vadd.f32 v7, v32;
	[tilespmem:s17+$0xFFFFFFD0] =	vst v10  }
0x235: {  	v6 =	vadd.f32 v40, v20;
	v62 =	vadd.f32 v29, v20;
	[tilespmem:s17+$0x40] =	vst v12;
	v2 =	vmul.f32 v2, v53  }
0x236: {  	v61 =	vmul.f32 v27, v33;
	v3 =	vadd.f32 v3, v32;
	v9 =	vadd.f32 v60, v32;
	[tilespmem:s17+$0xFFFFFFA0] =	vst v8  }
0x237: {  	v27 =	vld [tilespmem:s17+$0xFFFFFF30];
	[tilespmem:s17+$0x50] =	vst v15;
	v7 =	vmul.f32 v7, v45;
	v5 =	vmul.f32 v62, v43;
	v59 =	vadd.f32 v2, v56  }
0x238: {  	v29 =	vld [tilespmem:s17+$0xFFFFFF40];
	[tilespmem:s17+$0xFFFFFF90] =	vst v13;
	v4 =	vadd.f32 v61, v32;
	v39 =	vmul.f32 v6, v49;
	v63 =	vmul.f32 v9, v42  }
0x239: {  	v37 =	vmul.f32 v3, v55;
	v41 =	vadd.f32 v7, v48;
	v36 =	vadd.f32 v5, v46;
	[tilespmem:s17+$0xFFFFFFE0] =	vst v59  }
0x23a: {  	s18 =	simm.s32 $0x12300;
	s19 =	simm.s32 $0x4;
	v40 =	vmul.f32 v4, v43;
	v38 =	vadd.f32 v63, v44;
	v2 =	vadd.f32 v18, v20;
	v57 =	vld [tilespmem:$0x1FFE0]  }
.LBB2_13:
0x23b: {  	s10 =	sadd.s32 $0x1, s19  }
0x23c: {  	s12 =	sadd.s32 $0x2, s19;
	v3 =	vadd.f32 v40, v46;
	[tilespmem:s17+$0xFFFFFF20] =	vst v41;
	v4 =	vmul.f32 v27, v33;
	v5 =	vadd.f32 v39, v52;
	s20 =	smov.u32 s19;
	s15 =	sadd.s32 $0x4, s19  }
0x23d: {  	p1 =	slt.u32 s19, $0x4C;
	v27 =	vld [tilespmem:s18+$0xFFFFFF00];
	v6 =	vmov s10;
	v7 =	vmov s12;
	[tilespmem:s17+$0xFFFFFF00] =	vst v38;
	v8 =	vmul.f32 v29, v33  }
0x23e: {  	v2 =	vmul.f32 v2, v42;
	v29 =	vld [tilespmem:s18+$0xFFFFFF70];
	[tilespmem:s17+$0xFFFFFF10] =	vst v3;
	v3 =	vadd.f32 v4, v32;
	v4 =	vadd.f32 v35, v32  }
0x23f: {  	v10 =	vadd.f32 v34, v32;
	v6 =	vand.u32 $0xFFFFFFFD, v6;
	v7 =	vand.u32 $0xFFFFFFFE, v7;
	v9 =	vld [tilespmem:s18+$0x70];
	[tilespmem:s17+$0xC0] =	vst v5  }
0x240: {  	v11 =	vadd.f32 v37, v57;
	v5 =	vbroadcast v6, $0x0;
	v6 =	vld [tilespmem:s18+$0xFFFFFFB0];
	v4 =	vmul.f32 v4, v53;
	[tilespmem:s17+$0x90] =	vst v36  }
0x241: {  	v13 =	vadd.f32 v30, v20;
	s10 =	sadd.s32 $0x3, s20;
	v10 =	vmul.f32 v10, v51;
	v7 =	vbroadcast v7, $0x0;
	v12 =	vld [tilespmem:s18+$0xFFFFFF80]  }
0x242: {  	v15 =	vmov s10;
	v8 =	vadd.f32 v8, v32;
	v3 =	vmul.f32 v3, v47;
	v14 =	vld [tilespmem:s18+$0xFFFFFFF0];
	[tilespmem:s17+$0xFFFFFF70] =	vst v11  }
0x243: {  	v16 =	vmul.f32 v22, v49;
	v1 =	vadd.f32 v1, v57;
	v4 =	vadd.f32 v4, v56;
	v11 =	vld [tilespmem:s18+$0xFFFFFFE0]  }
0x244: {  	v18 =	vmul.f32 v25, v42;
	v2 =	vadd.f32 v2, v44;
	v3 =	vadd.f32 v3, v50;
	v17 =	vld [tilespmem:s18+$0xFFFFFFD0]  }
0x245: {  	v25 =	vadd.f32 v26, v20;
	v22 =	vld [tilespmem:s18+$0xFFFFFFA0];
	[tilespmem:s17+$0xFFFFFF60] =	vst v4;
	v4 =	vadd.f32 v16, v52;
	v16 =	vmul.f32 v31, v53  }
0x246: {  	v18 =	vadd.f32 v18, v44;
	v26 =	vld.idx.msk [tilespmem:v5+s29+$0x0], $0xffff;
	[tilespmem:s17+$0x70] =	vst v1;
	v1 =	vadd.f32 v24, v20  }
0x247: {  	v8 =	vmul.f32 v8, v49;
	v24 =	vld [tilespmem:s18+$0xFFFFFF90];
	[tilespmem:s17+$0x80] =	vst v2;
	v2 =	vadd.f32 v16, v56;
	v16 =	vmul.f32 v25, v55  }
0x248: {  	v10 =	vadd.f32 v10, v54;
	v20 =	vadd.f32 v28, v20;
	v5 =	vld.idx.msk [tilespmem:v5+s30+$0x0], $0xffff;
	v1 =	vmul.f32 v1, v47  }
0x249: {  	v8 =	vadd.f32 v8, v52;
	v25 =	vld [tilespmem:s18+$0xFFFFFFC0];
	[tilespmem:s17+$0xFFFFFFC0] =	vst v4;
	v4 =	vmul.f32 v13, v45;
	v13 =	vadd.f32 v16, v57  }
0x24a: {  	v16 =	vld.idx.msk [tilespmem:v7+s29+$0x0], $0xffff;
	[tilespmem:s17+$0xFFFFFF50] =	vst v10;
	v1 =	vadd.f32 v1, v50;
	v10 =	vmul.f32 v20, v51  }
0x24b: {  	v28 =	vld [tilespmem:s18+$0x10];
	[tilespmem:s17+$0xFFFFFF40] =	vst v8;
	v8 =	vadd.f32 v19, v57;
	v19 =	vmul.f32 v23, v45;
	v4 =	vadd.f32 v4, v48  }
0x24c: {  	v11 =	vmul.f32 v11, v26;
	v20 =	vmul.f32 v24, v26;
	v7 =	vld.idx.msk [tilespmem:v7+s30+$0x0], $0xffff;
	v10 =	vadd.f32 v10, v54  }
0x24d: {  	v22 =	vmul.f32 v22, v26;
	v17 =	vmul.f32 v17, v26;
	v23 =	vld [tilespmem:s18+$0x0];
	[tilespmem:s17+$0xFFFFFF30] =	vst v3;
	v3 =	vadd.f32 v19, v48  }
0x24e: {  	v6 =	vmul.f32 v6, v26;
	v14 =	vmul.f32 v14, v26;
	v19 =	vadd.f32 v20, v5;
	v24 =	vld [tilespmem:s18+$0x50];
	[tilespmem:s17+$0x0] =	vst v18  }
0x24f: {  	v12 =	vmul.f32 v12, v26;
	v17 =	vadd.f32 v17, v5;
	v18 =	vmul.f32 v25, v26;
	v25 =	vld [tilespmem:s18+$0x20];
	[tilespmem:s17+$0xF0] =	vst v13  }
0x250: {  	v14 =	vadd.f32 v14, v5;
	v13 =	vmul.f32 v19, v43;
	v20 =	vld.idx.msk [tilespmem:v15+s30+$0x0], $0xffff;
	[tilespmem:s17+$0x20] =	vst v3  }
0x251: {  	v9 =	vmul.f32 v9, v16;
	v3 =	vadd.f32 v6, v5;
	v6 =	vmul.f32 v28, v16;
	v15 =	vld.idx.msk [tilespmem:v15+s29+$0x0], $0xffff  }
0x252: {  	v12 =	vadd.f32 v12, v5;
	v19 =	vmul.f32 v14, v55;
	v14 =	vld [tilespmem:s18+$0xE0];
	[tilespmem:s17+$0xFFFFFFF0] =	vst v8;
	v8 =	vmul.f32 v21, v53  }
0x253: {  	v21 =	vadd.f32 v22, v5;
	v3 =	vmul.f32 v3, v47;
	v6 =	vadd.f32 v6, v7;
	v26 =	vld [tilespmem:s18+$0x30];
	[tilespmem:s17+$0xA0] =	vst v4  }
0x254: {  	v22 =	vadd.f32 v18, v5;
	v4 =	vmul.f32 v12, v42;
	v12 =	vld [tilespmem:s18+$0x40];
	v8 =	vadd.f32 v8, v56;
	[tilespmem:s17+$0xD0] =	vst v10  }
0x255: {  	v10 =	vmov s20;
	v18 =	vmul.f32 v21, v45;
	v6 =	vmul.f32 v6, v43;
	v21 =	vld [tilespmem:s18+$0xB0];
	[tilespmem:s17+$0xB0] =	vst v1  }
0x256: {  	v28 =	vmul.f32 v24, v16;
	v1 =	vand.u32 $0xFFFFFFFC, v10;
	v10 =	vmul.f32 v23, v16;
	v30 =	vld [tilespmem:s18+$0x60];
	[tilespmem:s17+$0xE0] =	vst v2  }
0x257: {  	v9 =	vadd.f32 v9, v7;
	v1 =	vbroadcast v1, $0x0;
	v2 =	vmul.f32 v25, v16;
	v31 =	vld [tilespmem:s18+$0xF0];
	[tilespmem:s17+$0x60] =	vst v8;
	s17 =	smov.u32 s18  }
0x258: {  	v5 =	vadd.f32 v11, v5;
	v3 =	vadd.f32 v3, v50;
	v8 =	vmul.f32 v26, v16;
	v11 =	vld [tilespmem:s18+$0xC0]  }
0x259: {  	v4 =	vadd.f32 v4, v44;
	v6 =	vadd.f32 v6, v46;
	v12 =	vmul.f32 v12, v16;
	v32 =	vld [tilespmem:s18+$0xA0]  }
0x25a: {  	v14 =	vmul.f32 v14, v15;
	[tilespmem:s18+$0xFFFFFFB0] =	vst v3;
	v3 =	vadd.f32 v8, v7;
	v24 =	vmul.f32 v21, v15;
	v8 =	vld [tilespmem:s18+$0xD0]  }
0x25b: {  	v25 =	vadd.f32 v10, v7;
	v23 =	vadd.f32 v2, v7;
	[tilespmem:s18+$0xFFFFFF80] =	vst v4;
	v2 =	vmul.f32 v30, v16;
	v4 =	vld [tilespmem:s18+$0x80]  }
0x25c: {  	[tilespmem:s18+$0x10] =	vst v6;
	v3 =	vmul.f32 v3, v47;
	v6 =	vadd.f32 v12, v7;
	v10 =	vld [tilespmem:s18+$0x90];
	v26 =	vmul.f32 v31, v15  }
0x25d: {  	v16 =	vadd.f32 v28, v7;
	v12 =	vmul.f32 v17, v51;
	v33 =	vld.idx.msk [tilespmem:v1+s29+$0x0], $0xffff;
	v21 =	vadd.f32 v2, v7  }
0x25e: {  	v2 =	vld [tilespmem:s18+$0xFFFFFF20];
	v3 =	vadd.f32 v3, v50;
	v6 =	vmul.f32 v6, v49;
	v30 =	vmul.f32 v32, v15  }
0x25f: {  	v7 =	vadd.f32 v12, v54;
	v12 =	vmul.f32 v16, v51;
	v32 =	vld.idx.msk [tilespmem:v1+s30+$0x0], $0xffff;
	v1 =	vadd.f32 v18, v48  }
0x260: {  	v28 =	vmul.f32 v8, v15;
	v16 =	vld [tilespmem:s18+$0xFFFFFF10];
	[tilespmem:s18+$0x30] =	vst v3;
	v3 =	vadd.f32 v6, v52;
	v4 =	vmul.f32 v4, v15  }
0x261: {  	v5 =	vmul.f32 v5, v53;
	v6 =	vld [tilespmem:s18+$0xFFFFFF60];
	[tilespmem:s18+$0xFFFFFFD0] =	vst v7;
	v7 =	vadd.f32 v12, v54;
	v8 =	vmul.f32 v10, v15  }
0x262: {  	v31 =	vadd.f32 v14, v20;
	v12 =	vadd.f32 v13, v46;
	v10 =	vld [tilespmem:s18+$0xFFFFFF50];
	[tilespmem:s18+$0x40] =	vst v3;
	v3 =	vmul.f32 v11, v15  }
0x263: {  	v5 =	vadd.f32 v5, v56;
	v13 =	vmul.f32 v29, v33;
	v11 =	vmul.f32 v2, v33;
	[tilespmem:s18+$0xFFFFFFA0] =	vst v1  }
0x264: {  	v14 =	vmul.f32 v27, v33;
	v1 =	vmul.f32 v9, v55;
	v2 =	vadd.f32 v4, v20;
	[tilespmem:s18+$0x50] =	vst v7  }
0x265: {  	v3 =	vadd.f32 v3, v20;
	v4 =	vmul.f32 v16, v33;
	v7 =	vadd.f32 v11, v32;
	[tilespmem:s18+$0xFFFFFFE0] =	vst v5  }
.Ltmp10:
0x266: {  	v5 =	vadd.f32 v14, v32;
	v27 =	vld [tilespmem:s18+$0xFFFFFF30];
	v35 =	vmul.f32 v6, v33;
	[tilespmem:s18+$0xFFFFFF90] =	vst v12;
	v6 =	vadd.f32 v8, v20;
	(pc) =	sbr.rel @p1 .LBB2_13-.Ltmp10, $4  }
0x267: {  	v4 =	vadd.f32 v4, v32;
	v7 =	vmul.f32 v7, v45;
	v29 =	vld [tilespmem:s18+$0xFFFFFF40];
	v34 =	vmul.f32 v10, v33  }
0x268: {  	v8 =	vadd.f32 v13, v32;
	v5 =	vmul.f32 v5, v42;
	v6 =	vmul.f32 v6, v43  }
0x269: {  	v39 =	vmul.f32 v3, v49;
	v40 =	vmul.f32 v4, v43;
	v41 =	vadd.f32 v7, v48  }
0x26a: {  	s19 =	smov.u32 s15;
	s18 =	sadd.s32 $0x200, s18;
	v37 =	vmul.f32 v8, v55;
	v38 =	vadd.f32 v5, v44;
	v36 =	vadd.f32 v6, v46  }
0x26b: {  	[tilespmem:s17+$0xFFFFFF20] =	vst v41  }
0x26c: {  	v3 =	vadd.f32 v40, v46;
	[tilespmem:s17+$0xFFFFFF00] =	vst v38  }
0x26d: {  	v4 =	vadd.f32 v35, v32;
	v5 =	vadd.f32 v39, v52;
	[tilespmem:s17+$0x90] =	vst v36  }
0x26e: {  	v7 =	vadd.f32 v34, v32;
	v1 =	vadd.f32 v1, v57;
	[tilespmem:s17+$0xFFFFFF10] =	vst v3  }
0x26f: {  	v2 =	vmul.f32 v2, v42;
	v59 =	vadd.f32 v28, v20;
	v61 =	vadd.f32 v19, v57;
	[tilespmem:s17+$0xC0] =	vst v5  }
0x270: {  	v6 =	vmul.f32 v29, v33;
	v41 =	vadd.f32 v37, v57;
	v3 =	vmul.f32 v4, v53;
	[tilespmem:s17+$0x70] =	vst v1  }
0x271: {  	v40 =	vmul.f32 v27, v33;
	v7 =	vmul.f32 v7, v51;
	v2 =	vadd.f32 v2, v44;
	[tilespmem:s17+$0xFFFFFFF0] =	vst v61  }
0x272: {  	v60 =	vmul.f32 v59, v51;
	v6 =	vadd.f32 v6, v32;
	[tilespmem:s17+$0xFFFFFF70] =	vst v41;
	v3 =	vadd.f32 v3, v56  }
0x273: {  	v43 =	vmul.f32 v22, v49;
	v4 =	vadd.f32 v40, v32;
	[tilespmem:s17+$0x80] =	vst v2;
	v2 =	vadd.f32 v7, v54  }
0x274: {  	v62 =	vadd.f32 v60, v54;
	v1 =	vmul.f32 v6, v49;
	[tilespmem:s17+$0xFFFFFF60] =	vst v3  }
0x275: {  	v4 =	vmul.f32 v4, v47;
	v3 =	vadd.f32 v43, v52;
	[tilespmem:s17+$0xFFFFFF50] =	vst v2;
	v2 =	vadd.f32 v30, v20  }
0x276: {  	v49 =	vmul.f32 v25, v42;
	[tilespmem:s17+$0xD0] =	vst v62;
	v1 =	vadd.f32 v1, v52  }
0x277: {  	v46 =	vadd.f32 v26, v20;
	[tilespmem:s17+$0xFFFFFFC0] =	vst v3;
	v3 =	vadd.f32 v4, v50;
	v2 =	vmul.f32 v2, v45  }
0x278: {  	v58 =	vadd.f32 v49, v44;
	[tilespmem:s17+$0xFFFFFF40] =	vst v1;
	v1 =	vmul.f32 v23, v45  }
0x279: {  	v55 =	vmul.f32 v46, v55;
	[tilespmem:s17+$0xFFFFFF30] =	vst v3;
	v3 =	vadd.f32 v24, v20;
	v2 =	vadd.f32 v2, v48  }
0x27a: {  	v63 =	vmul.f32 v21, v53;
	[tilespmem:s17+$0x0] =	vst v58;
	v1 =	vadd.f32 v1, v48  }
0x27b: {  	v4 =	vadd.f32 v55, v57;
	v3 =	vmul.f32 v3, v47;
	[tilespmem:s17+$0xA0] =	vst v2  }
0x27c: {  	v2 =	vadd.f32 v63, v56;
	[tilespmem:s17+$0x20] =	vst v1;
	v1 =	vmul.f32 v31, v53  }
0x27d: {  	[tilespmem:s17+$0xF0] =	vst v4;
	v3 =	vadd.f32 v3, v50  }
0x27e: {  	[tilespmem:s17+$0x60] =	vst v2;
	v1 =	vadd.f32 v1, v56  }
0x27f: {  	[tilespmem:s17+$0xB0] =	vst v3  }
0x280: {  	[tilespmem:s17+$0xE0] =	vst v1  }
.LBB2_15:
0x281: {  	s5 =	sadd.s32 s8, s5  }
0x282: {  	s10 =	sshll.u32 s2, $0x1;
	s5 =	sshll.u32 s5, $0x4  }
0x283: {  	s10 =	sadd.s32 $0x2, s10;
	s12 =	sadd.s32 s6, s5;
	s5 =	simm.s32 $0x0  }
0x284: {  	[hbm4b:s12+s5] =	stream.linear.scatter [tilespmem:s23], [sflag:$0x3], $0x2800, $0x38;
	[tilespmem:$0x1A500] =	vst v63  }
0x285: {  	s12 =	smul.u32 $0x140, s10  }
0x286: {  	p1 =	seq.s32 s10, $0x50  }
0x287: {  	s12 =	simm.s32 @p1 $0x0  }
0x288: {  	s20 =	sshra.s32 s12, $0x2  }
0x289: {  	s10 =	sadd.s32 $0x17000, s20  }
0x28a: {  	[tilespmem:s22], [sflag:$0x1] =	stream.indirect.gather [hbm4b:s0+s21], $0x80, s10, s21, $0xb8;
	[tilespmem:$0x1A500] =	vst v63  }
0x28b: {  	_ =	swait.ge [sflag:s31], $0x2800  }
0x28c: {  	[sflag:s31] =	ssyncset.done $0x0  }
0x28d: {  	[sflag:s31] =	ssyncadd.s32 $0xFFFFD800  }
0x28e: {  	_ =	swait.ge [sflag:s4], $0x2800  }
0x28f: {  	v1 =	vmov s3;
	[sflag:s4] =	ssyncset.done $0x0  }
0x290: {  	s17 =	simm.s32 $0x0;
	[tilespmem:$0x1FEA0] =	vst v1;
	[sflag:s4] =	ssyncadd.s32 $0xFFFFD800  }
.LBB2_16:
0x291: {  	v3 =	vld [tilespmem:$0x1FEA0];
	_ =	sdelay $0x4  }
0x292: {  	s18 =	sshll.u32 s17, $0x4  }
0x293: {  	s10 =	sadd.s32 s3, s18  }
0x294: {  	s10 =	sadd.s32 s8, s10  }
0x295: {  	v2 =	vor.u32 s10, v0;
	v1 =	vld.idx.msk [tilespmem:v3+s18+$0x17000 ss:$0x1], $0xffff  }
0x296: {  	v4 =	vmulhi.u32 $0x51EB851F, v2;
	v3 =	vld.idx.msk [tilespmem:v3+s18+$0x18900 ss:$0x1], $0xffff;
	_ =	sdelay $0x1  }
0x297: {  	v4 =	vshrl.u32 v4, $0x6  }
0x298: {  	v4 =	vmul.u32 $0xC8, v4;
	_ =	sdelay $0x1  }
0x299: {  	vm0 =	veq.s32 v1, $0x0;
	v1 =	vsub.s32 v2, v4;
	v2 =	vmul.u32 $0x6400, v3;
	v3 =	vld [tilespmem:$0x1FFF0];
	_ =	sdelay $0x2  }
0x29a: {  	s20 =	simm.s32 $0x2;
	v5 =	vmov s18;
	v1 =	vshll.u32 v1, $0x7  }
0x29b: {  	v47 =	vxor.u32 s20, v0;
	v5 =	vshll.u32 v5, $0x7;
	v21 =	vadd.s32 v1, v2  }
0x29c: {  	v10 =	vor.u32 v21, v47;
	v20 =	vor.u32 v3, v5;
	v3 =	vor.u32 s5, v0  }
0x29d: {  	s12 =	simm.s32 $0x1;
	v22 =	vsel vm0, $0x2800, v20;
	v2 =	vor.u32 v21, v3  }
0x29e: {  	v5 =	vxor.u32 s12, v0;
	v1 =	vor.u32 v22, v3  }
0x29f: {  	s13 =	simm.s32 $0x3;
	v8 =	vor.u32 v21, v5  }
0x2a0: {  	v12 =	vimm.f32 $0.0e+00;
	s15 =	simm.s32 $0x4;
	s19 =	simm.s32 $0x5;
	v11 =	vxor.u32 s13, v0;
	v7 =	vor.u32 v22, v5  }
0x2a1: {  	v13 =	vxor.u32 s15, v0;
	s20 =	simm.s32 $0xF;
	v16 =	vxor.u32 s19, v0;
	v6 =	vor.u32 v22, v47;
	v10 =	vld.idx.msk [tilespmem:v10+s7+$0x0], $0xffff  }
0x2a2: {  	s13 =	simm.s32 $0xE;
	s19 =	simm.s32 $0x6;
	v39 =	vxor.u32 s20, v0;
	v23 =	vor.u32 v20, v3;
	v3 =	vor.u32 v22, v11;
	v2 =	vld.idx.msk [tilespmem:v2+s7+$0x0], $0xffff  }
0x2a3: {  	s20 =	simm.s32 $0xC;
	v41 =	vxor.u32 s13, v0;
	v33 =	vxor.u32 s19, v0;
	s19 =	simm.s32 $0xB;
	v49 =	vor.u32 v21, v11;
	v9 =	vld.idx.msk [tilespmem:v1+s25+$0x0], $0xffff  }
0x2a4: {  	v43 =	vxor.u32 s20, v0;
	v36 =	vxor.u32 s19, v0;
	s19 =	simm.s32 $0x9;
	v15 =	vor.u32 v21, v13;
	v8 =	vld.idx.msk [tilespmem:v8+s7+$0x0], $0xffff  }
0x2a5: {  	v42 =	vxor.u32 s19, v0;
	v18 =	vor.u32 v21, v16;
	v14 =	vor.u32 v22, v13;
	v7 =	vld.idx.msk [tilespmem:v7+s25+$0x0], $0xffff  }
0x2a6: {  	s15 =	simm.s32 $0xD;
	v51 =	vor.u32 v21, v33;
	v38 =	vor.u32 v21, v36;
	v40 =	vor.u32 v21, v43;
	v48 =	vld.idx.msk [tilespmem:v6+s25+$0x0], $0xffff  }
0x2a7: {  	v45 =	vor.u32 v21, v41;
	v17 =	vor.u32 v22, v16;
	v1 =	vxor.u32 s15, v0;
	s15 =	simm.s32 $0xA;
	v3 =	vld.idx.msk [tilespmem:v3+s25+$0x0], $0xffff  }
0x2a8: {  	s20 =	simm.s32 $0x7;
	v26 =	vor.u32 v22, v33;
	v6 =	vld.idx.msk [tilespmem:v49+s7+$0x0], $0xffff;
	v35 =	vxor.u32 s15, v0;
	s15 =	simm.s32 $0x8;
	v24 =	vadd.f32 v2, v9  }
0x2a9: {  	v46 =	vor.u32 v21, v39;
	v15 =	vld.idx.msk [tilespmem:v15+s7+$0x0], $0xffff;
	v34 =	vxor.u32 s15, v0;
	v2 =	vxor.u32 s20, v0  }
0x2aa: {  	v50 =	vld.idx.msk [tilespmem:v14+s25+$0x0], $0xffff;
	v7 =	vadd.f32 v8, v7;
	v27 =	vor.u32 v22, v2;
	v28 =	vmul.f32 v24, v24  }
0x2ab: {  	v18 =	vld.idx.msk [tilespmem:v18+s7+$0x0], $0xffff;
	v54 =	vor.u32 v22, v34;
	v4 =	vadd.f32 v10, v48;
	v53 =	vor.u32 v21, v2  }
0x2ac: {  	v52 =	vld.idx.msk [tilespmem:v17+s25+$0x0], $0xffff;
	v29 =	vadd.f32 v24, v12;
	v12 =	vadd.f32 v28, v12;
	v28 =	vmul.f32 v7, v7  }
0x2ad: {  	v55 =	vor.u32 v22, v42;
	v31 =	vld.idx.msk [tilespmem:v26+s25+$0x0], $0xffff;
	v30 =	vor.u32 v21, v34;
	v3 =	vadd.f32 v6, v3  }
0x2ae: {  	v14 =	vld.idx.msk [tilespmem:v51+s7+$0x0], $0xffff;
	v26 =	vadd.f32 v7, v29;
	v12 =	vadd.f32 v28, v12;
	v28 =	vmul.f32 v4, v4  }
0x2af: {  	v56 =	vor.u32 v22, v35;
	v9 =	vadd.f32 v15, v50;
	v29 =	vor.u32 v21, v42;
	v32 =	vld.idx.msk [tilespmem:v27+s25+$0x0], $0xffff  }
0x2b0: {  	v17 =	vld.idx.msk [tilespmem:v53+s7+$0x0], $0xffff;
	v27 =	vadd.f32 v4, v26;
	v12 =	vadd.f32 v28, v12;
	v28 =	vmul.f32 v3, v3  }
0x2b1: {  	v57 =	vor.u32 v22, v36;
	v37 =	vor.u32 v21, v35;
	v10 =	vld.idx.msk [tilespmem:v54+s25+$0x0], $0xffff;
	v26 =	vadd.f32 v18, v52  }
0x2b2: {  	v18 =	vld.idx.msk [tilespmem:v30+s7+$0x0], $0xffff;
	v30 =	vadd.f32 v3, v27;
	v12 =	vadd.f32 v28, v12;
	v28 =	vmul.f32 v9, v9  }
0x2b3: {  	v25 =	vor.u32 v20, v47;
	v58 =	vor.u32 v22, v43;
	v6 =	vld.idx.msk [tilespmem:v55+s25+$0x0], $0xffff;
	v27 =	vadd.f32 v14, v31  }
0x2b4: {  	v31 =	vld.idx.msk [tilespmem:v29+s7+$0x0], $0xffff;
	v29 =	vadd.f32 v9, v30;
	v30 =	vmul.f32 v26, v26;
	v12 =	vadd.f32 v28, v12  }
0x2b5: {  	v62 =	vor.u32 v22, v41;
	v44 =	vor.u32 v21, v1;
	v15 =	vld.idx.msk [tilespmem:v56+s25+$0x0], $0xffff;
	v28 =	vadd.f32 v17, v32  }
0x2b6: {  	v60 =	vld.idx.msk [tilespmem:v37+s7+$0x0], $0xffff;
	v61 =	vadd.f32 v26, v29;
	v12 =	vadd.f32 v30, v12;
	v30 =	vmul.f32 v27, v27  }
0x2b7: {  	v5 =	vor.u32 v20, v5;
	v59 =	vor.u32 v22, v1;
	v8 =	vld.idx.msk [tilespmem:v57+s25+$0x0], $0xffff;
	v29 =	vadd.f32 v18, v10  }
0x2b8: {  	v18 =	vld.idx.msk [tilespmem:v38+s7+$0x0], $0xffff;
	v37 =	vadd.f32 v27, v61;
	v63 =	vmul.f32 v28, v28;
	v12 =	vadd.f32 v30, v12  }
0x2b9: {  	v11 =	vor.u32 v20, v11;
	v13 =	vor.u32 v20, v13;
	v40 =	vld.idx.msk [tilespmem:v40+s7+$0x0], $0xffff;
	v30 =	vadd.f32 v31, v6  }
0x2ba: {  	v14 =	vld.idx.msk [tilespmem:v58+s25+$0x0], $0xffff;
	v49 =	vmul.f32 v29, v29;
	v37 =	vadd.f32 v28, v37;
	v12 =	vadd.f32 v63, v12  }
0x2bb: {  	v47 =	vor.u32 v20, v36;
	v48 =	vor.u32 v22, v39;
	v50 =	vld.idx.msk [tilespmem:v44+s7+$0x0], $0xffff;
	v31 =	vadd.f32 v60, v15  }
0x2bc: {  	v17 =	vld.idx.msk [tilespmem:v59+s25+$0x0], $0xffff;
	v37 =	vadd.f32 v29, v37;
	v51 =	vmul.f32 v30, v30;
	v12 =	vadd.f32 v49, v12  }
0x2bd: {  	v41 =	vor.u32 v20, v41;
	v39 =	vor.u32 v20, v39;
	v52 =	vld.idx.msk [tilespmem:v45+s7+$0x0], $0xffff;
	v32 =	vadd.f32 v18, v8  }
0x2be: {  	v10 =	vld.idx.msk [tilespmem:v62+s25+$0x0], $0xffff;
	v53 =	vmul.f32 v31, v31;
	v18 =	vadd.f32 v30, v37;
	v12 =	vadd.f32 v51, v12  }
0x2bf: {  	v44 =	vor.u32 v20, v2;
	v54 =	vld.idx.msk [tilespmem:v46+s7+$0x0], $0xffff;
	v37 =	vor.u32 v20, v33;
	v33 =	vadd.f32 v40, v14  }
0x2c0: {  	v6 =	vld.idx.msk [tilespmem:v48+s25+$0x0], $0xffff;
	v55 =	vadd.f32 v31, v18;
	v18 =	vmul.f32 v32, v32;
	v12 =	vadd.f32 v53, v12  }
0x2c1: {  	[tilespmem:v5+s24+$0x0] =	vst.idx.msk $0xffff, v7;
	v40 =	vor.u32 v20, v34;
	v34 =	vadd.f32 v50, v17  }
0x2c2: {  	v56 =	vmul.f32 v33, v33;
	v2 =	vadd.f32 v32, v55;
	v12 =	vadd.f32 v18, v12  }
0x2c3: {  	v46 =	vor.u32 v20, v42;
	v42 =	vor.u32 v20, v35;
	v35 =	vadd.f32 v52, v10  }
0x2c4: {  	v58 =	vmul.f32 v34, v34;
	v2 =	vadd.f32 v33, v2;
	v57 =	vadd.f32 v56, v12  }
0x2c5: {  	[tilespmem:v25+s24+$0x0] =	vst.idx.msk $0xffff, v4;
	v38 =	vor.u32 v20, v16;
	v36 =	vadd.f32 v54, v6  }
0x2c6: {  	s19 =	simm.s32 $0x10;
	v60 =	vmul.f32 v35, v35;
	v2 =	vadd.f32 v34, v2;
	v59 =	vadd.f32 v58, v57  }
0x2c7: {  	[tilespmem:v11+s24+$0x0] =	vst.idx.msk $0xffff, v3;
	v45 =	vor.u32 v20, v43;
	v43 =	vor.u32 v20, v1;
	v63 =	vor.u32 s19, v0  }
0x2c8: {  	s20 =	simm.s32 $0x12;
	v62 =	vmul.f32 v36, v36;
	v2 =	vadd.f32 v35, v2;
	v61 =	vadd.f32 v60, v59  }
0x2c9: {  	[tilespmem:v13+s24+$0x0] =	vst.idx.msk $0xffff, v9;
	v1 =	vor.u32 v22, v63;
	v25 =	vor.u32 v20, v63;
	v50 =	vxor.u32 s20, v0  }
0x2ca: {  	s15 =	simm.s32 $0x11;
	s20 =	simm.s32 $0x20;
	v55 =	vor.u32 v21, v63;
	v56 =	vadd.f32 v36, v2;
	v54 =	vadd.f32 v62, v61  }
.LBB2_17:
0x2cb: {  	p1 =	slt.u32 s20, $0x70;
	v2 =	vxor.u32 s15, v0;
	v3 =	vor.u32 v22, v50;
	v48 =	vor.u32 v20, v50;
	[tilespmem:v38+s24+$0x0] =	vst.idx.msk $0xffff, v26  }
0x2cc: {  	v4 =	vor.u32 v22, v2;
	v51 =	vor.u32 v20, v2;
	[tilespmem:v37+s24+$0x0] =	vst.idx.msk $0xffff, v27  }
0x2cd: {  	s10 =	sadd.s32 $0x3, s19;
	v2 =	vor.u32 v21, v2;
	[tilespmem:v44+s24+$0x0] =	vst.idx.msk $0xffff, v28  }
0x2ce: {  	v5 =	vor.u32 v21, v50;
	v6 =	vxor.u32 s10, v0;
	v1 =	vld.idx.msk [tilespmem:v1+s25+$0x0], $0xffff;
	[tilespmem:v40+s24+$0x0] =	vst.idx.msk $0xffff, v29  }
0x2cf: {  	s10 =	sadd.s32 $0x4, s19;
	v8 =	vor.u32 v22, v6;
	v50 =	vor.u32 v20, v6;
	v7 =	vld.idx.msk [tilespmem:v55+s7+$0x0], $0xffff;
	[tilespmem:v46+s24+$0x0] =	vst.idx.msk $0xffff, v30  }
0x2d0: {  	v6 =	vor.u32 v21, v6;
	v9 =	vxor.u32 s10, v0;
	v3 =	vld.idx.msk [tilespmem:v3+s25+$0x0], $0xffff;
	[tilespmem:v42+s24+$0x0] =	vst.idx.msk $0xffff, v31  }
0x2d1: {  	s12 =	sadd.s32 $0xF, s19;
	s10 =	sadd.s32 $0x5, s19;
	v10 =	vor.u32 v22, v9;
	v49 =	vor.u32 v20, v9;
	v4 =	vld.idx.msk [tilespmem:v4+s25+$0x0], $0xffff;
	[tilespmem:v47+s24+$0x0] =	vst.idx.msk $0xffff, v32  }
0x2d2: {  	s13 =	sadd.s32 $0xE, s19;
	v52 =	vxor.u32 s12, v0;
	v9 =	vor.u32 v21, v9;
	v11 =	vxor.u32 s10, v0;
	s10 =	sadd.s32 $0xD, s19;
	v2 =	vld.idx.msk [tilespmem:v2+s7+$0x0], $0xffff;
	[tilespmem:v45+s24+$0x0] =	vst.idx.msk $0xffff, v33  }
0x2d3: {  	s15 =	sadd.s32 $0xC, s19;
	s12 =	sadd.s32 $0x6, s19;
	v53 =	vxor.u32 s13, v0;
	v12 =	vor.u32 v22, v11;
	v55 =	vxor.u32 s10, v0;
	v5 =	vld.idx.msk [tilespmem:v5+s7+$0x0], $0xffff;
	[tilespmem:v43+s24+$0x0] =	vst.idx.msk $0xffff, v34  }
0x2d4: {  	v14 =	vxor.u32 s12, v0;
	s12 =	sadd.s32 $0xB, s19;
	v13 =	vor.u32 v21, v11;
	s10 =	sadd.s32 $0xA, s19;
	v34 =	vxor.u32 s15, v0;
	v8 =	vld.idx.msk [tilespmem:v8+s25+$0x0], $0xffff;
	[tilespmem:v41+s24+$0x0] =	vst.idx.msk $0xffff, v35  }
0x2d5: {  	s13 =	sadd.s32 $0x7, s19;
	v15 =	vor.u32 v22, v14;
	v16 =	vxor.u32 s10, v0;
	v35 =	vxor.u32 s12, v0;
	v6 =	vld.idx.msk [tilespmem:v6+s7+$0x0], $0xffff;
	[tilespmem:v39+s24+$0x0] =	vst.idx.msk $0xffff, v36  }
0x2d6: {  	v18 =	vxor.u32 s13, v0;
	v17 =	vor.u32 v21, v14;
	s10 =	sadd.s32 $0x8, s19;
	v7 =	vadd.f32 v7, v1;
	s12 =	sadd.s32 $0x9, s19;
	s19 =	smov.u32 s20;
	v10 =	vld.idx.msk [tilespmem:v10+s25+$0x0], $0xffff  }
0x2d7: {  	v26 =	vor.u32 v22, v18;
	v32 =	vxor.u32 s10, v0;
	v33 =	vxor.u32 s12, v0;
	v9 =	vld.idx.msk [tilespmem:v9+s7+$0x0], $0xffff;
	[tilespmem:v23+s24+$0x0] =	vst.idx.msk $0xffff, v24  }
0x2d8: {  	v23 =	vmul.f32 v7, v7;
	v36 =	vadd.f32 v2, v4;
	v4 =	vld.idx.msk [tilespmem:v12+s25+$0x0], $0xffff;
	v12 =	vor.u32 v21, v18  }
0x2d9: {  	v1 =	vadd.f32 v5, v3;
	v5 =	vor.u32 v22, v32;
	v3 =	vld.idx.msk [tilespmem:v13+s7+$0x0], $0xffff;
	v13 =	vor.u32 v21, v32  }
0x2da: {  	v2 =	vadd.f32 v7, v56;
	v23 =	vadd.f32 v23, v54;
	v24 =	vmul.f32 v36, v36;
	v15 =	vld.idx.msk [tilespmem:v15+s25+$0x0], $0xffff  }
0x2db: {  	v54 =	vadd.f32 v6, v8;
	v8 =	vor.u32 v22, v33;
	v6 =	vld.idx.msk [tilespmem:v17+s7+$0x0], $0xffff;
	v17 =	vor.u32 v21, v33  }
0x2dc: {  	v27 =	vadd.f32 v36, v2;
	v23 =	vadd.f32 v24, v23;
	v24 =	vmul.f32 v1, v1;
	v28 =	vld.idx.msk [tilespmem:v26+s25+$0x0], $0xffff  }
0x2dd: {  	v2 =	vadd.f32 v9, v10;
	v10 =	vor.u32 v22, v16;
	v9 =	vld.idx.msk [tilespmem:v12+s7+$0x0], $0xffff;
	v12 =	vor.u32 v21, v16  }
0x2de: {  	v27 =	vadd.f32 v1, v27;
	v23 =	vadd.f32 v24, v23;
	v24 =	vmul.f32 v54, v54;
	v5 =	vld.idx.msk [tilespmem:v5+s25+$0x0], $0xffff  }
0x2df: {  	v26 =	vadd.f32 v3, v4;
	v4 =	vor.u32 v22, v35;
	v3 =	vld.idx.msk [tilespmem:v13+s7+$0x0], $0xffff;
	v13 =	vor.u32 v21, v35  }
0x2e0: {  	v29 =	vadd.f32 v54, v27;
	v23 =	vadd.f32 v24, v23;
	v24 =	vmul.f32 v2, v2;
	v8 =	vld.idx.msk [tilespmem:v8+s25+$0x0], $0xffff  }
0x2e1: {  	v27 =	vadd.f32 v6, v15;
	v15 =	vor.u32 v22, v34;
	v6 =	vld.idx.msk [tilespmem:v17+s7+$0x0], $0xffff;
	v17 =	vor.u32 v21, v34  }
0x2e2: {  	v29 =	vadd.f32 v2, v29;
	v23 =	vadd.f32 v24, v23;
	v24 =	vmul.f32 v26, v26;
	v10 =	vld.idx.msk [tilespmem:v10+s25+$0x0], $0xffff  }
0x2e3: {  	v39 =	vor.u32 v21, v55;
	v28 =	vadd.f32 v9, v28;
	v9 =	vld.idx.msk [tilespmem:v12+s7+$0x0], $0xffff;
	v12 =	vor.u32 v22, v55  }
0x2e4: {  	v30 =	vadd.f32 v26, v29;
	v23 =	vadd.f32 v24, v23;
	v24 =	vmul.f32 v27, v27;
	v4 =	vld.idx.msk [tilespmem:v4+s25+$0x0], $0xffff  }
0x2e5: {  	v29 =	vadd.f32 v3, v5;
	v5 =	vor.u32 v22, v53;
	v3 =	vld.idx.msk [tilespmem:v13+s7+$0x0], $0xffff;
	v13 =	vor.u32 v21, v53  }
0x2e6: {  	v31 =	vadd.f32 v27, v30;
	v23 =	vadd.f32 v24, v23;
	v24 =	vmul.f32 v28, v28;
	v15 =	vld.idx.msk [tilespmem:v15+s25+$0x0], $0xffff  }
0x2e7: {  	v30 =	vadd.f32 v6, v8;
	v8 =	vor.u32 v22, v52;
	v6 =	vld.idx.msk [tilespmem:v17+s7+$0x0], $0xffff;
	v17 =	vor.u32 v21, v52  }
0x2e8: {  	v40 =	vadd.f32 v28, v31;
	v23 =	vadd.f32 v24, v23;
	v24 =	vmul.f32 v29, v29;
	v12 =	vld.idx.msk [tilespmem:v12+s25+$0x0], $0xffff  }
0x2e9: {  	v37 =	vor.u32 v20, v14;
	v38 =	vor.u32 v20, v11;
	v31 =	vadd.f32 v9, v10;
	v9 =	vld.idx.msk [tilespmem:v39+s7+$0x0], $0xffff  }
0x2ea: {  	v10 =	vadd.f32 v29, v40;
	v14 =	vmul.f32 v30, v30;
	v11 =	vadd.f32 v24, v23;
	v5 =	vld.idx.msk [tilespmem:v5+s25+$0x0], $0xffff  }
0x2eb: {  	v44 =	vor.u32 v20, v18;
	v40 =	vor.u32 v20, v32;
	v32 =	vadd.f32 v3, v4;
	v3 =	vld.idx.msk [tilespmem:v13+s7+$0x0], $0xffff  }
0x2ec: {  	v4 =	vadd.f32 v30, v10;
	v10 =	vadd.f32 v14, v11;
	v11 =	vmul.f32 v31, v31;
	v8 =	vld.idx.msk [tilespmem:v8+s25+$0x0], $0xffff  }
0x2ed: {  	v42 =	vor.u32 v20, v16;
	v46 =	vor.u32 v20, v33;
	v33 =	vadd.f32 v6, v15;
	v6 =	vld.idx.msk [tilespmem:v17+s7+$0x0], $0xffff  }
0x2ee: {  	v24 =	vmovc v7;
	v4 =	vadd.f32 v31, v4;
	v10 =	vadd.f32 v11, v10;
	v11 =	vmul.f32 v32, v32  }
0x2ef: {  	v45 =	vor.u32 v20, v34;
	v47 =	vor.u32 v20, v35;
	v23 =	vmovc v25;
	v34 =	vadd.f32 v9, v12  }
0x2f0: {  	v4 =	vadd.f32 v32, v4;
	v9 =	vmul.f32 v33, v33;
	v7 =	vadd.f32 v11, v10  }
0x2f1: {  	v43 =	vor.u32 v20, v55;
	v41 =	vor.u32 v20, v53;
	v35 =	vadd.f32 v3, v5  }
0x2f2: {  	v3 =	vadd.f32 v33, v4;
	v5 =	vmul.f32 v34, v34;
	v4 =	vadd.f32 v9, v7  }
0x2f3: {  	v39 =	vor.u32 v20, v52;
	[tilespmem:v51+s24+$0x0] =	vst.idx.msk $0xffff, v36;
	v36 =	vadd.f32 v6, v8  }
0x2f4: {  	v3 =	vadd.f32 v34, v3;
	v4 =	vadd.f32 v5, v4;
	v5 =	vmul.f32 v35, v35  }
.Ltmp11:
0x2f5: {  	[tilespmem:v48+s24+$0x0] =	vst.idx.msk $0xffff, v1;
	(pc) =	sbr.rel @p1 .LBB2_17-.Ltmp11, $4  }
0x2f6: {  	v3 =	vadd.f32 v35, v3;
	v4 =	vadd.f32 v5, v4;
	v5 =	vmul.f32 v36, v36  }
0x2f7: {  	v6 =	vor.u32 s20, v0;
	[tilespmem:v50+s24+$0x0] =	vst.idx.msk $0xffff, v54  }
0x2f8: {  	s10 =	sadd.s32 $0x2, s20;
	v1 =	vor.u32 v22, v6;
	v56 =	vadd.f32 v36, v3;
	v54 =	vadd.f32 v5, v4  }
0x2f9: {  	s15 =	sadd.s32 $0x1, s19;
	s20 =	sadd.s32 $0x10, s20;
	v55 =	vor.u32 v21, v6;
	v25 =	vor.u32 v20, v6;
	v50 =	vxor.u32 s10, v0;
	[tilespmem:v49+s24+$0x0] =	vst.idx.msk $0xffff, v2  }
0x2fa: {  	_ =	sdelay $0x1  }
0x2fb: {  	v4 =	vxor.u32 s15, v0;
	v2 =	vor.u32 v22, v50  }
0x2fc: {  	v5 =	vor.u32 v21, v50;
	[tilespmem:$0x1FE70] =	vst v4  }
0x2fd: {  	s10 =	sadd.s32 $0x3, s19;
	v3 =	vor.u32 v22, v4;
	v1 =	vld.idx.msk [tilespmem:v1+s25+$0x0], $0xffff  }
0x2fe: {  	v4 =	vor.u32 v21, v4;
	v53 =	vxor.u32 s10, v0;
	v6 =	vld.idx.msk [tilespmem:v55+s7+$0x0], $0xffff  }
0x2ff: {  	s12 =	sadd.s32 $0x4, s19;
	v7 =	vor.u32 v22, v53  }
0x300: {  	s13 =	sadd.s32 $0x5, s19;
	v57 =	vxor.u32 s12, v0;
	v8 =	vor.u32 v21, v53;
	v2 =	vld.idx.msk [tilespmem:v2+s25+$0x0], $0xffff  }
0x301: {  	v58 =	vxor.u32 s13, v0;
	s12 =	sadd.s32 $0xE, s19;
	s13 =	sadd.s32 $0x6, s19;
	v9 =	vor.u32 v22, v57;
	v5 =	vld.idx.msk [tilespmem:v5+s7+$0x0], $0xffff  }
0x302: {  	v10 =	vor.u32 v21, v57;
	v12 =	vxor.u32 s12, v0;
	v60 =	vxor.u32 s13, v0;
	v3 =	vld.idx.msk [tilespmem:v3+s25+$0x0], $0xffff  }
0x303: {  	s20 =	sadd.s32 $0xC, s19;
	v13 =	vor.u32 v22, v60;
	v4 =	vld.idx.msk [tilespmem:v4+s7+$0x0], $0xffff;
	[tilespmem:$0x1FE80] =	vst v12;
	v1 =	vadd.f32 v6, v1  }
0x304: {  	v11 =	vor.u32 v22, v58;
	v55 =	vxor.u32 s20, v0;
	s20 =	sadd.s32 $0x7, s19;
	v7 =	vld.idx.msk [tilespmem:v7+s25+$0x0], $0xffff  }
0x305: {  	s15 =	sadd.s32 $0xD, s19;
	v19 =	vor.u32 v21, v58;
	v61 =	vxor.u32 s20, v0;
	v8 =	vld.idx.msk [tilespmem:v8+s7+$0x0], $0xffff;
	[tilespmem:$0x1FE90] =	vst v1  }
0x306: {  	v52 =	vxor.u32 s15, v0;
	s13 =	sadd.s32 $0xA, s19;
	s12 =	sadd.s32 $0x8, s19;
	v14 =	vor.u32 v22, v61;
	v6 =	vld.idx.msk [tilespmem:v9+s25+$0x0], $0xffff  }
0x307: {  	v59 =	vxor.u32 s13, v0;
	s13 =	sadd.s32 $0x9, s19;
	v62 =	vxor.u32 s12, v0;
	v9 =	vor.u32 v21, v60;
	v10 =	vld.idx.msk [tilespmem:v10+s7+$0x0], $0xffff  }
0x308: {  	v63 =	vxor.u32 s13, v0;
	v15 =	vmul.f32 v1, v1;
	v13 =	vld.idx.msk [tilespmem:v13+s25+$0x0], $0xffff;
	v51 =	vadd.f32 v4, v3  }
0x309: {  	v12 =	vor.u32 v22, v62;
	v48 =	vadd.f32 v1, v56;
	v49 =	vadd.f32 v5, v2;
	v3 =	vld.idx.msk [tilespmem:v11+s25+$0x0], $0xffff  }
0x30a: {  	v4 =	vor.u32 v21, v61;
	v11 =	vld.idx.msk [tilespmem:v19+s7+$0x0], $0xffff;
	v15 =	vadd.f32 v15, v54;
	v16 =	vmul.f32 v51, v51  }
0x30b: {  	v17 =	vor.u32 v21, v62;
	v14 =	vld.idx.msk [tilespmem:v14+s25+$0x0], $0xffff;
	v54 =	vadd.f32 v8, v7;
	v5 =	vadd.f32 v51, v48  }
0x30c: {  	v8 =	vor.u32 v22, v63;
	v7 =	vld.idx.msk [tilespmem:v9+s7+$0x0], $0xffff;
	v9 =	vadd.f32 v16, v15;
	v15 =	vmul.f32 v49, v49  }
0x30d: {  	v18 =	vor.u32 v21, v59;
	v2 =	vld [tilespmem:$0x1FE80];
	v16 =	vor.u32 v21, v63;
	v5 =	vadd.f32 v49, v5  }
0x30e: {  	s15 =	sadd.s32 $0xB, s19;
	v12 =	vld.idx.msk [tilespmem:v12+s25+$0x0], $0xffff;
	v48 =	vadd.f32 v10, v6;
	v10 =	vmul.f32 v54, v54;
	v9 =	vadd.f32 v15, v9  }
0x30f: {  	v56 =	vxor.u32 s15, v0;
	v4 =	vld.idx.msk [tilespmem:v4+s7+$0x0], $0xffff;
	v6 =	vadd.f32 v11, v3;
	v5 =	vadd.f32 v54, v5  }
0x310: {  	v11 =	vld.idx.msk [tilespmem:v17+s7+$0x0], $0xffff;
	v15 =	vor.u32 v22, v59;
	v9 =	vadd.f32 v10, v9;
	v10 =	vmul.f32 v48, v48  }
0x311: {  	v19 =	vor.u32 v21, v56;
	v17 =	vor.u32 v22, v56;
	v8 =	vld.idx.msk [tilespmem:v8+s25+$0x0], $0xffff;
	v5 =	vadd.f32 v48, v5  }
0x312: {  	v7 =	vadd.f32 v7, v13;
	v13 =	vld.idx.msk [tilespmem:v16+s7+$0x0], $0xffff;
	v9 =	vadd.f32 v10, v9;
	v10 =	vmul.f32 v6, v6  }
0x313: {  	v1 =	vor.u32 v21, v55;
	v16 =	vor.u32 v22, v55;
	v5 =	vadd.f32 v6, v5  }
0x314: {  	v4 =	vadd.f32 v4, v14;
	v14 =	vld.idx.msk [tilespmem:v18+s7+$0x0], $0xffff;
	v9 =	vadd.f32 v10, v9;
	v10 =	vmul.f32 v7, v7  }
0x315: {  	v18 =	vor.u32 v22, v52;
	v11 =	vadd.f32 v11, v12;
	v15 =	vld.idx.msk [tilespmem:v15+s25+$0x0], $0xffff;
	v5 =	vadd.f32 v7, v5  }
0x316: {  	v19 =	vld.idx.msk [tilespmem:v19+s7+$0x0], $0xffff;
	v12 =	vor.u32 v21, v52;
	v9 =	vadd.f32 v10, v9;
	v10 =	vmul.f32 v4, v4  }
0x317: {  	s20 =	sadd.s32 $0xF, s19;
	v17 =	vld.idx.msk [tilespmem:v17+s25+$0x0], $0xffff;
	v8 =	vadd.f32 v13, v8;
	v13 =	vor.u32 v22, v2;
	v5 =	vadd.f32 v4, v5  }
0x318: {  	v3 =	vld.idx.msk [tilespmem:v1+s7+$0x0], $0xffff;
	v2 =	vor.u32 v21, v2;
	v9 =	vadd.f32 v10, v9;
	v10 =	vxor.u32 s20, v0  }
0x319: {  	v1 =	vmul.f32 v11, v11;
	v16 =	vld.idx.msk [tilespmem:v16+s25+$0x0], $0xffff;
	v5 =	vadd.f32 v11, v5;
	v22 =	vor.u32 v22, v10  }
0x31a: {  	v18 =	vld.idx.msk [tilespmem:v18+s25+$0x0], $0xffff;
	v14 =	vadd.f32 v14, v15;
	v15 =	vor.u32 v21, v10  }
0x31b: {  	v21 =	vmul.f32 v8, v8;
	v1 =	vadd.f32 v1, v9;
	v9 =	vld.idx.msk [tilespmem:v12+s7+$0x0], $0xffff;
	v5 =	vadd.f32 v8, v5  }
0x31c: {  	v17 =	vadd.f32 v19, v17;
	v13 =	vld.idx.msk [tilespmem:v13+s25+$0x0], $0xffff  }
0x31d: {  	v2 =	vld.idx.msk [tilespmem:v2+s7+$0x0], $0xffff;
	v1 =	vadd.f32 v21, v1;
	v21 =	vmul.f32 v14, v14;
	v5 =	vadd.f32 v14, v5  }
0x31e: {  	v3 =	vadd.f32 v3, v16;
	v16 =	vld.idx.msk [tilespmem:v22+s25+$0x0], $0xffff  }
0x31f: {  	v15 =	vld.idx.msk [tilespmem:v15+s7+$0x0], $0xffff;
	v1 =	vadd.f32 v21, v1;
	v21 =	vmul.f32 v17, v17;
	v5 =	vadd.f32 v17, v5  }
0x320: {  	v9 =	vadd.f32 v9, v18  }
0x321: {  	v22 =	vmul.f32 v3, v3;
	v1 =	vadd.f32 v21, v1;
	v5 =	vadd.f32 v3, v5  }
0x322: {  	v2 =	vadd.f32 v2, v13  }
0x323: {  	v18 =	vmul.f32 v9, v9;
	v1 =	vadd.f32 v22, v1;
	v5 =	vadd.f32 v9, v5  }
0x324: {  	v13 =	vadd.f32 v15, v16  }
0x325: {  	v19 =	vmul.f32 v2, v2;
	v1 =	vadd.f32 v18, v1;
	v5 =	vadd.f32 v2, v5  }
0x326: {  	[tilespmem:v38+s24+$0x0] =	vst.idx.msk $0xffff, v26  }
0x327: {  	v21 =	vmul.f32 v13, v13;
	v1 =	vadd.f32 v19, v1;
	v5 =	vadd.f32 v13, v5  }
0x328: {  	[tilespmem:v37+s24+$0x0] =	vst.idx.msk $0xffff, v27  }
0x329: {  	[tilespmem:v44+s24+$0x0] =	vst.idx.msk $0xffff, v28;
	v1 =	vadd.f32 v21, v1;
	v5 =	vmul.f32 $7.812500000e-03, v5  }
0x32a: {  	[tilespmem:v40+s24+$0x0] =	vst.idx.msk $0xffff, v29  }
0x32b: {  	[tilespmem:v46+s24+$0x0] =	vst.idx.msk $0xffff, v30;
	v1 =	vmul.f32 $7.812500000e-03, v1;
	v22 =	vmul.f32 v5, v5  }
0x32c: {  	[tilespmem:v42+s24+$0x0] =	vst.idx.msk $0xffff, v31  }
0x32d: {  	[tilespmem:v47+s24+$0x0] =	vst.idx.msk $0xffff, v32;
	v1 =	vsub.f32 v1, v22  }
0x32e: {  	[tilespmem:v45+s24+$0x0] =	vst.idx.msk $0xffff, v33;
	v42 =	vor.u32 v20, v50  }
0x32f: {  	v40 =	vld [tilespmem:$0x1FE70];
	[tilespmem:v43+s24+$0x0] =	vst.idx.msk $0xffff, v34;
	v43 =	vor.u32 v20, v53;
	v1 =	vadd.f32 $9.999999960e-13, v1  }
0x330: {  	v44 =	vor.u32 v20, v57;
	[tilespmem:v41+s24+$0x0] =	vst.idx.msk $0xffff, v35  }
0x331: {  	v45 =	vor.u32 v20, v58;
	[tilespmem:v39+s24+$0x0] =	vst.idx.msk $0xffff, v36;
	v37 =	vshra.s32 v1, $0x1;
	v1 =	vmul.f32 $5.000000000e-01, v1  }
0x332: {  	v47 =	vor.u32 v20, v60;
	[tilespmem:v23+s24+$0x0] =	vst.idx.msk $0xffff, v24;
	v12 =	vsub.s32 $0x5F3759DF, v37  }
0x333: {  	v50 =	vor.u32 v20, v61;
	[tilespmem:v42+s24+$0x0] =	vst.idx.msk $0xffff, v49;
	v38 =	vmul.f32 v12, v1  }
0x334: {  	v53 =	vor.u32 v20, v62;
	[tilespmem:v43+s24+$0x0] =	vst.idx.msk $0xffff, v54  }
0x335: {  	[tilespmem:v44+s24+$0x0] =	vst.idx.msk $0xffff, v48;
	v16 =	vor.u32 v20, v40;
	v15 =	vmul.f32 v12, v38  }
0x336: {  	[tilespmem:v45+s24+$0x0] =	vst.idx.msk $0xffff, v6  }
0x337: {  	[tilespmem:v47+s24+$0x0] =	vst.idx.msk $0xffff, v7;
	v15 =	vsub.f32 $1.500000000e+00, v15  }
0x338: {  	[tilespmem:v50+s24+$0x0] =	vst.idx.msk $0xffff, v4  }
0x339: {  	[tilespmem:v53+s24+$0x0] =	vst.idx.msk $0xffff, v11;
	v12 =	vmul.f32 v12, v15  }
0x33a: {  	v54 =	vor.u32 v20, v63;
	[tilespmem:v16+s24+$0x0] =	vst.idx.msk $0xffff, v51  }
0x33b: {  	v58 =	vor.u32 v20, v59;
	v11 =	vld [tilespmem:$0x1FE80];
	v46 =	vmul.f32 v12, v1  }
0x33c: {  	v59 =	vor.u32 v20, v56  }
0x33d: {  	v61 =	vor.u32 v20, v55;
	v51 =	vmul.f32 v46, v12  }
0x33e: {  	v62 =	vor.u32 v20, v52  }
0x33f: {  	v63 =	vor.u32 v20, v10;
	[tilespmem:v54+s24+$0x0] =	vst.idx.msk $0xffff, v8;
	v57 =	vsub.f32 $1.500000000e+00, v51  }
0x340: {  	[tilespmem:v58+s24+$0x0] =	vst.idx.msk $0xffff, v14;
	v11 =	vor.u32 v20, v11  }
0x341: {  	[tilespmem:v59+s24+$0x0] =	vst.idx.msk $0xffff, v17;
	v60 =	vmul.f32 v57, v12  }
0x342: {  	[tilespmem:v61+s24+$0x0] =	vst.idx.msk $0xffff, v3  }
0x343: {  	[tilespmem:v62+s24+$0x0] =	vst.idx.msk $0xffff, v9;
	v1 =	vmul.f32 v60, v1  }
0x344: {  	[tilespmem:v63+s24+$0x0] =	vst.idx.msk $0xffff, v13  }
0x345: {  	[tilespmem:v11+s24+$0x0] =	vst.idx.msk $0xffff, v2;
	v1 =	vmul.f32 v1, v60  }
0x346: {  	v3 =	vld [tilespmem:$0x1FE90]  }
0x347: {  	s17 =	sadd.s32 $0x1, s17;
	v1 =	vsub.f32 $1.500000000e+00, v1  }
0x348: {  	p1 =	sne.s32 s17, $0x5  }
.Ltmp12:
0x349: {  	v2 =	vsub.f32 $0.0e+00, v5;
	v1 =	vmul.f32 v1, v60;
	(pc) =	sbr.rel @p1 .LBB2_16-.Ltmp12, $4  }
0x34a: {  	_ = 	snop  }
0x34b: {  	[tilespmem:v25+s24+$0x0] =	vst.idx.msk $0xffff, v3;
	v2 =	vmul.f32 v1, v2  }
0x34c: {  	[tilespmem:s18+$0x1A200] =	vst v1  }
0x34d: {  	[tilespmem:s18+$0x1A280] =	vst v2  }
.Ltmp13:
0x34e: {  	(pc) =	sbr.rel @p0 .LBB2_23-.Ltmp13, $2  }
0x34f: {  	_ =	sdelay $0x2  }
0x350: {  	s17 =	simm.s32 $0x0;
	s5 =	simm.s32 $0x14900  }
0x351: {  	v7 =	vld [tilespmem:s5+$0x70]  }
0x352: {  	v54 =	vld [tilespmem:s5+$0xFFFFFF00]  }
0x353: {  	v1 =	vmov s17;
	s10 =	simm.s32 $0x3;
	v8 =	vld [tilespmem:s5+$0xFFFFFF10]  }
0x354: {  	v9 =	vld [tilespmem:s5+$0xFFFFFF20];
	v2 =	vmov s10;
	v1 =	vand.u32 $0xFFFFFFFC, v1  }
0x355: {  	v10 =	vld [tilespmem:s5+$0xFFFFFF30];
	v1 =	vbroadcast v1, $0x0  }
0x356: {  	v11 =	vld [tilespmem:s5+$0xFFFFFF40]  }
0x357: {  	s17 =	simm.s32 $0x2;
	v12 =	vld [tilespmem:s5+$0xFFFFFF50]  }
0x358: {  	v13 =	vld [tilespmem:s5+$0xFFFFFF60];
	v4 =	vmov s17  }
0x359: {  	v4 =	vand.u32 $0xFFFFFFFE, v4;
	v19 =	vld.idx.msk [tilespmem:v2+s30+$0x0], $0xffff  }
0x35a: {  	v4 =	vbroadcast v4, $0x0;
	v20 =	vld.idx.msk [tilespmem:v2+s29+$0x0], $0xffff  }
0x35b: {  	s15 =	simm.s32 $0x1;
	v2 =	vld.idx.msk [tilespmem:v1+s30+$0x0], $0xffff  }
0x35c: {  	v3 =	vmov s15;
	v1 =	vld.idx.msk [tilespmem:v1+s29+$0x0], $0xffff  }
0x35d: {  	v14 =	vld [tilespmem:s5+$0xFFFFFF70];
	v3 =	vand.u32 $0xFFFFFFFD, v3  }
0x35e: {  	v57 =	vld [tilespmem:s5+$0xFFFFFF80];
	v3 =	vbroadcast v3, $0x0  }
0x35f: {  	v60 =	vld [tilespmem:s5+$0xFFFFFF90]  }
0x360: {  	v6 =	vld.idx.msk [tilespmem:v4+s29+$0x0], $0xffff  }
0x361: {  	v21 =	vld.idx.msk [tilespmem:v4+s30+$0x0], $0xffff;
	v4 =	vmul.f32 v54, v1  }
0x362: {  	v63 =	vld [tilespmem:s5+$0xFFFFFFA0];
	v8 =	vmul.f32 v8, v1  }
0x363: {  	v34 =	vld [tilespmem:s5+$0xFFFFFFB0];
	v9 =	vmul.f32 v9, v1;
	v4 =	vadd.f32 v4, v2  }
0x364: {  	v5 =	vld.idx.msk [tilespmem:v3+s30+$0x0], $0xffff;
	v56 =	vmul.f32 v10, v1;
	v55 =	vadd.f32 v8, v2  }
0x365: {  	v3 =	vld.idx.msk [tilespmem:v3+s29+$0x0], $0xffff;
	v59 =	vmul.f32 v11, v1;
	v58 =	vadd.f32 v9, v2;
	[tilespmem:s5+$0xFFFFFF00] =	vst v4  }
0x366: {  	v36 =	vld [tilespmem:s5+$0xFFFFFFC0];
	v62 =	vmul.f32 v12, v1;
	v61 =	vadd.f32 v56, v2;
	[tilespmem:s5+$0xFFFFFF10] =	vst v55  }
0x367: {  	v39 =	vld [tilespmem:s5+$0xFFFFFFD0];
	v33 =	vmul.f32 v13, v1;
	v32 =	vadd.f32 v59, v2;
	[tilespmem:s5+$0xFFFFFF20] =	vst v58  }
0x368: {  	v44 =	vld [tilespmem:s5+$0x0];
	v1 =	vmul.f32 v14, v1;
	v35 =	vadd.f32 v62, v2;
	[tilespmem:s5+$0xFFFFFF30] =	vst v61  }
0x369: {  	v47 =	vld [tilespmem:s5+$0x20];
	v7 =	vmul.f32 v7, v6;
	v37 =	vadd.f32 v33, v2;
	[tilespmem:s5+$0xFFFFFF40] =	vst v32  }
0x36a: {  	v40 =	vld [tilespmem:s5+$0xFFFFFFE0];
	v38 =	vmul.f32 v57, v3;
	v1 =	vadd.f32 v1, v2;
	[tilespmem:s5+$0xFFFFFF50] =	vst v35  }
0x36b: {  	v49 =	vld [tilespmem:s5+$0x30];
	v2 =	vmul.f32 v60, v3;
	v7 =	vadd.f32 v7, v21;
	[tilespmem:s5+$0xFFFFFF60] =	vst v37  }
0x36c: {  	v43 =	vld [tilespmem:s5+$0xFFFFFFF0];
	v42 =	vmul.f32 v63, v3;
	v41 =	vadd.f32 v38, v5;
	[tilespmem:s5+$0xFFFFFF70] =	vst v1  }
0x36d: {  	v51 =	vmul.f32 v44, v6;
	v1 =	vadd.f32 v2, v5;
	v2 =	vmul.f32 v34, v3;
	[tilespmem:s5+$0x70] =	vst v7  }
0x36e: {  	v57 =	vmul.f32 v47, v6;
	v8 =	vmul.f32 v36, v3;
	v45 =	vadd.f32 v42, v5;
	[tilespmem:s5+$0xFFFFFF80] =	vst v41  }
0x36f: {  	v46 =	vld [tilespmem:s5+$0x10];
	v56 =	vadd.f32 v51, v21;
	[tilespmem:s5+$0xFFFFFF90] =	vst v1;
	v1 =	vadd.f32 v2, v5;
	v2 =	vmul.f32 v39, v3  }
0x370: {  	v52 =	vld [tilespmem:s5+$0x50];
	v60 =	vadd.f32 v57, v21;
	v48 =	vadd.f32 v8, v5;
	v8 =	vmul.f32 v49, v6;
	[tilespmem:s5+$0xFFFFFFA0] =	vst v45  }
0x371: {  	v7 =	vmul.f32 v40, v3;
	[tilespmem:s5+$0xFFFFFFB0] =	vst v1;
	v1 =	vadd.f32 v2, v5;
	v2 =	vmul.f32 v43, v3;
	v3 =	vld [tilespmem:s5+$0x40]  }
0x372: {  	[tilespmem:s5+$0x0] =	vst v56  }
0x373: {  	s18 =	simm.s32 $0x4;
	v55 =	vld [tilespmem:s5+$0x60];
	[tilespmem:s5+$0x20] =	vst v60;
	v61 =	vadd.f32 v8, v21  }
0x374: {  	s20 =	simm.s32 $0x5;
	v53 =	vmov s18;
	v58 =	vld [tilespmem:s5+$0x80];
	[tilespmem:s5+$0xFFFFFFC0] =	vst v48;
	v50 =	vadd.f32 v7, v5  }
0x375: {  	v24 =	vld [tilespmem:s5+$0x90];
	v12 =	vand.u32 $0xFFFFFFFC, v53;
	v54 =	vmul.f32 v46, v6;
	v59 =	vmov s20;
	[tilespmem:s5+$0x30] =	vst v61  }
0x376: {  	s19 =	simm.s32 $0x7;
	v25 =	vld [tilespmem:s5+$0xA0];
	v62 =	vmul.f32 v52, v6;
	[tilespmem:s5+$0xFFFFFFE0] =	vst v50;
	v2 =	vadd.f32 v2, v5;
	v3 =	vmul.f32 v3, v6  }
0x377: {  	v26 =	vld [tilespmem:s5+$0xB0];
	v63 =	vand.u32 $0xFFFFFFFD, v59;
	[tilespmem:s5+$0xFFFFFFD0] =	vst v1;
	v1 =	vmov s19;
	v5 =	vadd.f32 v54, v21  }
0x378: {  	v27 =	vld [tilespmem:s5+$0xC0];
	v31 =	vmul.f32 v55, v6;
	[tilespmem:s5+$0xFFFFFFF0] =	vst v2;
	v2 =	vbroadcast v12, $0x0;
	v30 =	vadd.f32 v3, v21  }
0x379: {  	v29 =	vld [tilespmem:s5+$0xD0];
	s15 =	simm.s32 $0x6;
	s18 =	simm.s32 $0x8;
	s17 =	simm.s32 $0x14900;
	v28 =	vbroadcast v63, $0x0;
	v32 =	vadd.f32 v62, v21;
	v33 =	vmul.f32 v58, v20;
	[tilespmem:s5+$0x10] =	vst v5  }
.LBB2_21:
0x37a: {  	p1 =	slt.u32 s18, $0x4C;
	v3 =	vmov s15;
	[tilespmem:s5+$0x40] =	vst v30;
	v4 =	vadd.f32 v31, v21;
	v5 =	vmul.f32 v24, v20;
	v6 =	vld [tilespmem:s5+$0xE0]  }
0x37b: {  	v3 =	vand.u32 $0xFFFFFFFE, v3;
	[tilespmem:s5+$0x50] =	vst v32;
	v7 =	vadd.f32 v33, v19;
	v8 =	vmul.f32 v25, v20;
	v9 =	vld [tilespmem:s5+$0xF0]  }
0x37c: {  	v3 =	vbroadcast v3, $0x0;
	v10 =	vld.idx.msk [tilespmem:v1+s30+$0x0], $0xffff;
	[tilespmem:s5+$0x60] =	vst v4;
	v4 =	vadd.f32 v5, v19;
	v5 =	vmul.f32 v26, v20  }
0x37d: {  	v1 =	vld.idx.msk [tilespmem:v1+s29+$0x0], $0xffff;
	[tilespmem:s5+$0x80] =	vst v7;
	v7 =	vadd.f32 v8, v19;
	v8 =	vmul.f32 v27, v20  }
0x37e: {  	v11 =	vld.idx.msk [tilespmem:v2+s30+$0x0], $0xffff;
	[tilespmem:s5+$0x90] =	vst v4;
	v4 =	vadd.f32 v5, v19;
	v5 =	vmul.f32 v29, v20  }
0x37f: {  	v2 =	vld.idx.msk [tilespmem:v2+s29+$0x0], $0xffff;
	[tilespmem:s5+$0xA0] =	vst v7;
	v7 =	vadd.f32 v8, v19;
	v6 =	vmul.f32 v6, v20  }
0x380: {  	v8 =	vld.idx.msk [tilespmem:v28+s30+$0x0], $0xffff;
	[tilespmem:s5+$0xB0] =	vst v4;
	v4 =	vadd.f32 v5, v19;
	v5 =	vmul.f32 v9, v20  }
0x381: {  	v9 =	vld.idx.msk [tilespmem:v28+s29+$0x0], $0xffff;
	[tilespmem:s5+$0xC0] =	vst v7;
	v6 =	vadd.f32 v6, v19  }
0x382: {  	s5 =	sadd.s32 $0x200, s5;
	v22 =	vld.idx.msk [tilespmem:v3+s29+$0x0], $0xffff;
	[tilespmem:s17+$0xD0] =	vst v4;
	v4 =	vadd.f32 v5, v19;
	v19 =	vmov v10  }
0x383: {  	v20 =	vmov v1;
	v5 =	vld [tilespmem:s5+$0x70];
	[tilespmem:s17+$0xE0] =	vst v6  }
0x384: {  	v21 =	vld.idx.msk [tilespmem:v3+s30+$0x0], $0xffff;
	[tilespmem:s17+$0xF0] =	vst v4;
	s17 =	smov.u32 s5  }
0x385: {  	v1 =	vld [tilespmem:s5+$0xFFFFFF00]  }
0x386: {  	v3 =	vld [tilespmem:s5+$0xFFFFFF10]  }
0x387: {  	v4 =	vld [tilespmem:s5+$0xFFFFFF20]  }
0x388: {  	v6 =	vld [tilespmem:s5+$0xFFFFFF30];
	v5 =	vmul.f32 v5, v22  }
0x389: {  	v7 =	vld [tilespmem:s5+$0xFFFFFF40]  }
0x38a: {  	v1 =	vmul.f32 v1, v2;
	v10 =	vld [tilespmem:s5+$0xFFFFFF50];
	v5 =	vadd.f32 v5, v21  }
0x38b: {  	v3 =	vmul.f32 v3, v2;
	v12 =	vld [tilespmem:s5+$0xFFFFFF60]  }
0x38c: {  	v1 =	vadd.f32 v1, v11;
	v4 =	vmul.f32 v4, v2;
	v13 =	vld [tilespmem:s5+$0xFFFFFF70];
	[tilespmem:s5+$0x70] =	vst v5  }
0x38d: {  	v3 =	vadd.f32 v3, v11;
	v5 =	vmul.f32 v6, v2;
	v6 =	vld [tilespmem:s5+$0xFFFFFF80]  }
0x38e: {  	[tilespmem:s5+$0xFFFFFF00] =	vst v1;
	v1 =	vadd.f32 v4, v11;
	v4 =	vmul.f32 v7, v2;
	v7 =	vld [tilespmem:s5+$0xFFFFFF90]  }
0x38f: {  	[tilespmem:s5+$0xFFFFFF10] =	vst v3;
	v3 =	vadd.f32 v5, v11;
	v5 =	vmul.f32 v10, v2;
	v10 =	vld [tilespmem:s5+$0xFFFFFFA0]  }
0x390: {  	[tilespmem:s5+$0xFFFFFF20] =	vst v1;
	v1 =	vadd.f32 v4, v11;
	v4 =	vmul.f32 v12, v2;
	v12 =	vld [tilespmem:s5+$0xFFFFFFB0]  }
0x391: {  	[tilespmem:s5+$0xFFFFFF30] =	vst v3;
	v3 =	vadd.f32 v5, v11;
	v2 =	vmul.f32 v13, v2;
	v5 =	vld [tilespmem:s5+$0xFFFFFFC0]  }
0x392: {  	[tilespmem:s5+$0xFFFFFF40] =	vst v1;
	v1 =	vadd.f32 v4, v11;
	v4 =	vmul.f32 v6, v9;
	v6 =	vld [tilespmem:s5+$0xFFFFFFD0]  }
0x393: {  	[tilespmem:s5+$0xFFFFFF50] =	vst v3;
	v2 =	vadd.f32 v2, v11;
	v3 =	vmul.f32 v7, v9;
	v7 =	vld [tilespmem:s5+$0xFFFFFFE0]  }
0x394: {  	[tilespmem:s5+$0xFFFFFF60] =	vst v1;
	v1 =	vadd.f32 v4, v8;
	v4 =	vmul.f32 v10, v9;
	v10 =	vld [tilespmem:s5+$0xFFFFFFF0]  }
0x395: {  	[tilespmem:s5+$0xFFFFFF70] =	vst v2;
	v2 =	vadd.f32 v3, v8;
	v3 =	vmul.f32 v12, v9;
	v11 =	vld [tilespmem:s5+$0x0]  }
0x396: {  	[tilespmem:s5+$0xFFFFFF80] =	vst v1;
	v1 =	vadd.f32 v4, v8;
	v4 =	vmul.f32 v5, v9;
	v5 =	vld [tilespmem:s5+$0x10]  }
0x397: {  	[tilespmem:s5+$0xFFFFFF90] =	vst v2;
	v2 =	vadd.f32 v3, v8;
	v3 =	vmul.f32 v6, v9;
	v6 =	vld [tilespmem:s5+$0x20]  }
0x398: {  	[tilespmem:s5+$0xFFFFFFA0] =	vst v1;
	v1 =	vadd.f32 v4, v8;
	v4 =	vmul.f32 v7, v9;
	v7 =	vld [tilespmem:s5+$0x30]  }
0x399: {  	[tilespmem:s5+$0xFFFFFFB0] =	vst v2;
	v2 =	vadd.f32 v3, v8;
	v3 =	vmul.f32 v10, v9;
	v9 =	vld [tilespmem:s5+$0x40]  }
0x39a: {  	[tilespmem:s5+$0xFFFFFFC0] =	vst v1;
	v4 =	vadd.f32 v4, v8;
	v10 =	vmul.f32 v11, v22;
	v11 =	vld [tilespmem:s5+$0x50]  }
0x39b: {  	s10 =	sadd.s32 $0x3, s18;
	v12 =	vmov s18;
	[tilespmem:s5+$0xFFFFFFD0] =	vst v2;
	v2 =	vadd.f32 v3, v8;
	v3 =	vmul.f32 v5, v22;
	v5 =	vld [tilespmem:s5+$0x60]  }
0x39c: {  	v1 =	vmov s10;
	[tilespmem:s5+$0xFFFFFFE0] =	vst v4;
	v4 =	vadd.f32 v10, v21;
	v6 =	vmul.f32 v6, v22;
	v8 =	vld [tilespmem:s5+$0x80]  }
.Ltmp14:
0x39d: {  	s10 =	sadd.s32 $0x1, s18;
	v10 =	vand.u32 $0xFFFFFFFC, v12;
	[tilespmem:s5+$0xFFFFFFF0] =	vst v2;
	v3 =	vadd.f32 v3, v21;
	v7 =	vmul.f32 v7, v22;
	v24 =	vld [tilespmem:s5+$0x90];
	(pc) =	sbr.rel @p1 .LBB2_21-.Ltmp14, $4  }
0x39e: {  	v12 =	vmov s10;
	[tilespmem:s5+$0x0] =	vst v4;
	v4 =	vadd.f32 v6, v21;
	v6 =	vmul.f32 v9, v22;
	v25 =	vld [tilespmem:s5+$0xA0]  }
0x39f: {  	v2 =	vbroadcast v10, $0x0;
	[tilespmem:s5+$0x10] =	vst v3;
	v3 =	vadd.f32 v7, v21;
	v7 =	vmul.f32 v11, v22;
	v26 =	vld [tilespmem:s5+$0xB0]  }
0x3a0: {  	v9 =	vand.u32 $0xFFFFFFFD, v12;
	[tilespmem:s5+$0x20] =	vst v4;
	v30 =	vadd.f32 v6, v21;
	v31 =	vmul.f32 v5, v22;
	v27 =	vld [tilespmem:s5+$0xC0]  }
0x3a1: {  	s15 =	sadd.s32 $0x2, s18;
	s18 =	sadd.s32 $0x4, s18;
	v28 =	vbroadcast v9, $0x0;
	[tilespmem:s5+$0x30] =	vst v3;
	v32 =	vadd.f32 v7, v21;
	v33 =	vmul.f32 v8, v20;
	v29 =	vld [tilespmem:s5+$0xD0]  }
0x3a2: {  	_ =	sdelay $0x1  }
0x3a3: {  	v4 =	vld [tilespmem:s5+$0xE0]  }
0x3a4: {  	v5 =	vld [tilespmem:s5+$0xF0]  }
0x3a5: {  	v22 =	vld.idx.msk [tilespmem:v1+s30+$0x0], $0xffff  }
0x3a6: {  	v23 =	vld.idx.msk [tilespmem:v1+s29+$0x0], $0xffff  }
0x3a7: {  	v1 =	vld.idx.msk [tilespmem:v2+s30+$0x0], $0xffff  }
0x3a8: {  	v2 =	vld.idx.msk [tilespmem:v2+s29+$0x0], $0xffff  }
0x3a9: {  	v6 =	vld.idx.msk [tilespmem:v28+s30+$0x0], $0xffff  }
0x3aa: {  	s18 =	sadd.s32 $0x200, s5;
	v7 =	vld.idx.msk [tilespmem:v28+s29+$0x0], $0xffff  }
0x3ab: {  	[tilespmem:s5+$0x40] =	vst v30;
	v8 =	vadd.f32 v31, v21;
	v9 =	vmul.f32 v24, v20;
	v13 =	vld [tilespmem:s18+$0x70]  }
0x3ac: {  	[tilespmem:s5+$0x50] =	vst v32;
	v11 =	vadd.f32 v33, v19;
	v12 =	vmul.f32 v25, v20;
	v14 =	vld [tilespmem:s18+$0xFFFFFF00]  }
0x3ad: {  	v15 =	vld [tilespmem:s18+$0xFFFFFF10];
	[tilespmem:s5+$0x60] =	vst v8;
	v39 =	vadd.f32 v9, v19;
	v40 =	vmul.f32 v26, v20  }
0x3ae: {  	v46 =	vld [tilespmem:s18+$0xFFFFFF20];
	[tilespmem:s5+$0x80] =	vst v11;
	v41 =	vadd.f32 v12, v19;
	v42 =	vmul.f32 v27, v20  }
0x3af: {  	v48 =	vld [tilespmem:s18+$0xFFFFFF30];
	[tilespmem:s5+$0x90] =	vst v39;
	v43 =	vadd.f32 v40, v19;
	v44 =	vmul.f32 v29, v20  }
0x3b0: {  	v50 =	vld [tilespmem:s18+$0xFFFFFF40];
	[tilespmem:s5+$0xA0] =	vst v41;
	v45 =	vadd.f32 v42, v19;
	v4 =	vmul.f32 v4, v20  }
0x3b1: {  	v52 =	vld [tilespmem:s18+$0xFFFFFF50];
	v5 =	vmul.f32 v5, v20;
	[tilespmem:s5+$0xB0] =	vst v43;
	v47 =	vadd.f32 v44, v19  }
0x3b2: {  	v55 =	vld [tilespmem:s18+$0xFFFFFF60];
	v51 =	vmul.f32 v14, v2;
	[tilespmem:s5+$0xC0] =	vst v45;
	v4 =	vadd.f32 v4, v19  }
0x3b3: {  	v60 =	vld [tilespmem:s18+$0xFFFFFF80];
	v54 =	vmul.f32 v15, v2;
	v5 =	vadd.f32 v5, v19;
	[tilespmem:s17+$0xD0] =	vst v47  }
0x3b4: {  	v3 =	vmov s15;
	v58 =	vld [tilespmem:s18+$0xFFFFFF70];
	v57 =	vmul.f32 v46, v2;
	v56 =	vadd.f32 v51, v1;
	[tilespmem:s17+$0xE0] =	vst v4  }
0x3b5: {  	v3 =	vand.u32 $0xFFFFFFFE, v3;
	v63 =	vld [tilespmem:s18+$0xFFFFFF90];
	v9 =	vmul.f32 v48, v2;
	v59 =	vadd.f32 v54, v1;
	[tilespmem:s17+$0xF0] =	vst v5  }
0x3b6: {  	v3 =	vbroadcast v3, $0x0;
	v27 =	vld [tilespmem:s18+$0xFFFFFFC0];
	v62 =	vmul.f32 v50, v2;
	v61 =	vadd.f32 v57, v1;
	[tilespmem:s18+$0xFFFFFF00] =	vst v56  }
0x3b7: {  	v25 =	vld [tilespmem:s18+$0xFFFFFFB0];
	v24 =	vmul.f32 v55, v2;
	v18 =	vadd.f32 v9, v1;
	[tilespmem:s18+$0xFFFFFF10] =	vst v59  }
0x3b8: {  	v31 =	vld [tilespmem:s18+$0xFFFFFFE0];
	v29 =	vmul.f32 v60, v7;
	v21 =	vadd.f32 v62, v1;
	[tilespmem:s18+$0xFFFFFF20] =	vst v61  }
0x3b9: {  	v30 =	vld [tilespmem:s18+$0xFFFFFFD0];
	v19 =	vmul.f32 v52, v2;
	v28 =	vadd.f32 v24, v1;
	[tilespmem:s18+$0xFFFFFF30] =	vst v18  }
0x3ba: {  	v20 =	vld [tilespmem:s18+$0xFFFFFFA0];
	v2 =	vmul.f32 v58, v2;
	v32 =	vadd.f32 v29, v6;
	[tilespmem:s18+$0xFFFFFF40] =	vst v21  }
0x3bb: {  	v34 =	vld [tilespmem:s18+$0xFFFFFFF0];
	v37 =	vmul.f32 v27, v7;
	v26 =	vadd.f32 v19, v1;
	[tilespmem:s18+$0xFFFFFF60] =	vst v28  }
0x3bc: {  	v10 =	vld.idx.msk [tilespmem:v3+s29+$0x0], $0xffff;
	v1 =	vadd.f32 v2, v1;
	v2 =	vmul.f32 v63, v7;
	[tilespmem:s18+$0xFFFFFF80] =	vst v32  }
0x3bd: {  	v35 =	vld [tilespmem:s18+$0x0];
	v4 =	vmul.f32 v31, v7;
	v40 =	vadd.f32 v37, v6;
	[tilespmem:s18+$0xFFFFFF50] =	vst v26  }
0x3be: {  	v3 =	vld.idx.msk [tilespmem:v3+s30+$0x0], $0xffff;
	[tilespmem:s18+$0xFFFFFF70] =	vst v1;
	v1 =	vadd.f32 v2, v6;
	v2 =	vmul.f32 v25, v7  }
0x3bf: {  	v38 =	vld [tilespmem:s18+$0x10];
	v33 =	vmul.f32 v20, v7;
	v4 =	vadd.f32 v4, v6;
	[tilespmem:s18+$0xFFFFFFC0] =	vst v40  }
0x3c0: {  	v39 =	vld [tilespmem:s18+$0x20];
	[tilespmem:s18+$0xFFFFFF90] =	vst v1;
	v1 =	vadd.f32 v2, v6;
	v2 =	vmul.f32 v30, v7  }
0x3c1: {  	v41 =	vld [tilespmem:s18+$0x30];
	v36 =	vadd.f32 v33, v6;
	v49 =	vmul.f32 v13, v10;
	[tilespmem:s18+$0xFFFFFFE0] =	vst v4  }
0x3c2: {  	v42 =	vld [tilespmem:s18+$0x40];
	[tilespmem:s18+$0xFFFFFFB0] =	vst v1;
	v1 =	vadd.f32 v2, v6;
	v2 =	vmul.f32 v34, v7  }
0x3c3: {  	v44 =	vld [tilespmem:s18+$0x50];
	v43 =	vmul.f32 v35, v10;
	[tilespmem:s18+$0xFFFFFFA0] =	vst v36;
	v53 =	vadd.f32 v49, v3  }
0x3c4: {  	v45 =	vld [tilespmem:s18+$0x60];
	[tilespmem:s18+$0xFFFFFFD0] =	vst v1;
	v1 =	vadd.f32 v2, v6;
	v2 =	vmul.f32 v38, v10  }
0x3c5: {  	v48 =	vld [tilespmem:s18+$0x80];
	v47 =	vmul.f32 v39, v10;
	v46 =	vadd.f32 v43, v3;
	[tilespmem:s18+$0x70] =	vst v53  }
0x3c6: {  	v49 =	vld [tilespmem:s18+$0x90];
	[tilespmem:s18+$0xFFFFFFF0] =	vst v1;
	v1 =	vadd.f32 v2, v3;
	v2 =	vmul.f32 v41, v10  }
0x3c7: {  	v52 =	vld [tilespmem:s18+$0xA0];
	v51 =	vmul.f32 v42, v10;
	v50 =	vadd.f32 v47, v3;
	[tilespmem:s18+$0x0] =	vst v46  }
0x3c8: {  	v53 =	vld [tilespmem:s18+$0xB0];
	[tilespmem:s18+$0x10] =	vst v1;
	v1 =	vadd.f32 v2, v3;
	v2 =	vmul.f32 v44, v10  }
0x3c9: {  	v56 =	vld [tilespmem:s18+$0xC0];
	v55 =	vmul.f32 v45, v10;
	v54 =	vadd.f32 v51, v3;
	[tilespmem:s18+$0x20] =	vst v50  }
0x3ca: {  	v57 =	vld [tilespmem:s18+$0xD0];
	[tilespmem:s18+$0x30] =	vst v1;
	v1 =	vadd.f32 v2, v3;
	v2 =	vmul.f32 v48, v23  }
0x3cb: {  	v59 =	vld [tilespmem:s18+$0xE0];
	[tilespmem:s18+$0x40] =	vst v54;
	v58 =	vmul.f32 v49, v23;
	v3 =	vadd.f32 v55, v3  }
0x3cc: {  	v60 =	vld [tilespmem:s18+$0xF0];
	[tilespmem:s18+$0x50] =	vst v1;
	v1 =	vadd.f32 v2, v22;
	v2 =	vmul.f32 v52, v23  }
0x3cd: {  	v61 =	vmul.f32 v53, v23;
	[tilespmem:s18+$0x60] =	vst v3;
	v3 =	vadd.f32 v58, v22  }
0x3ce: {  	[tilespmem:s18+$0x80] =	vst v1;
	v1 =	vadd.f32 v2, v22;
	v2 =	vmul.f32 v56, v23  }
0x3cf: {  	v62 =	vmul.f32 v57, v23;
	[tilespmem:s18+$0x90] =	vst v3;
	v3 =	vadd.f32 v61, v22  }
0x3d0: {  	[tilespmem:s18+$0xA0] =	vst v1;
	v1 =	vadd.f32 v2, v22;
	v2 =	vmul.f32 v59, v23  }
.Ltmp15:
0x3d1: {  	v63 =	vmul.f32 v60, v23;
	[tilespmem:s18+$0xB0] =	vst v3;
	v3 =	vadd.f32 v62, v22;
	(pc) =	sbr.rel .LBB2_26-.Ltmp15, $4  }
0x3d2: {  	[tilespmem:s18+$0xC0] =	vst v1;
	v1 =	vadd.f32 v2, v22  }
0x3d3: {  	[tilespmem:s18+$0xD0] =	vst v3;
	v2 =	vadd.f32 v63, v22  }
0x3d4: {  	[tilespmem:s18+$0xE0] =	vst v1  }
0x3d5: {  	[tilespmem:s18+$0xF0] =	vst v2  }
.LBB2_23:
0x3d6: {  	v1 =	vld [tilespmem:s5+$0xFFFFFF00]  }
0x3d7: {  	v3 =	vld [tilespmem:s5+$0xFFFFFF70]  }
0x3d8: {  	v4 =	vld [tilespmem:s5+$0x70]  }
0x3d9: {  	v5 =	vld [tilespmem:s5+$0xFFFFFFB0]  }
0x3da: {  	v6 =	vld [tilespmem:s5+$0xFFFFFF80]  }
0x3db: {  	v8 =	vld [tilespmem:s5+$0xFFFFFFF0]  }
0x3dc: {  	v9 =	vld [tilespmem:s5+$0xFFFFFFE0]  }
0x3dd: {  	v10 =	vld [tilespmem:s5+$0xFFFFFFD0]  }
0x3de: {  	v11 =	vld [tilespmem:s5+$0xFFFFFFA0]  }
0x3df: {  	v13 =	vld [tilespmem:s5+$0xFFFFFF90]  }
0x3e0: {  	v14 =	vld [tilespmem:s5+$0xFFFFFFC0]  }
0x3e1: {  	v17 =	vld [tilespmem:s5+$0x10]  }
0x3e2: {  	v18 =	vld [tilespmem:s5+$0x0]  }
0x3e3: {  	v21 =	vld [tilespmem:s5+$0x50]  }
0x3e4: {  	v23 =	vld [tilespmem:s5+$0x20]  }
0x3e5: {  	v43 =	vld [tilespmem:$0x1FF00]  }
0x3e6: {  	v55 =	vld [tilespmem:$0x1FFC0]  }
0x3e7: {  	v33 =	vld [tilespmem:s5+$0x30]  }
0x3e8: {  	s10 =	simm.s32 $0x1;
	s20 =	simm.s32 $0x3;
	v47 =	vld [tilespmem:$0x1FF40]  }
0x3e9: {  	v42 =	vld [tilespmem:$0x1FEF0];
	v2 =	vmov s10;
	v16 =	vmov s20  }
0x3ea: {  	v34 =	vld [tilespmem:s5+$0x40];
	v2 =	vand.u32 $0xFFFFFFFD, v2  }
0x3eb: {  	v45 =	vld [tilespmem:$0x1FF20];
	v2 =	vbroadcast v2, $0x0  }
0x3ec: {  	s19 =	simm.s32 $0x2;
	v25 =	vld [tilespmem:s5+$0xB0]  }
0x3ed: {  	v36 =	vld [tilespmem:s5+$0xC0];
	v7 =	vmov s19  }
0x3ee: {  	v7 =	vand.u32 $0xFFFFFFFE, v7;
	v20 =	vld.idx.msk [tilespmem:v16+s30+$0x0], $0xffff  }
0x3ef: {  	v7 =	vbroadcast v7, $0x0;
	v16 =	vld.idx.msk [tilespmem:v16+s29+$0x0], $0xffff  }
0x3f0: {  	v29 =	vld [tilespmem:s5+$0xA0]  }
0x3f1: {  	v12 =	vld.idx.msk [tilespmem:v2+s29+$0x0], $0xffff  }
0x3f2: {  	v24 =	vmov s17;
	v26 =	vld [tilespmem:s5+$0x60]  }
0x3f3: {  	v28 =	vld [tilespmem:s5+$0xF0];
	v24 =	vand.u32 $0xFFFFFFFC, v24  }
0x3f4: {  	v50 =	vld [tilespmem:$0x1FF70];
	v27 =	vbroadcast v24, $0x0;
	v24 =	vmul.f32 v25, v16  }
0x3f5: {  	v15 =	vld.idx.msk [tilespmem:v7+s29+$0x0], $0xffff;
	v30 =	vmul.f32 v29, v16;
	v40 =	vmul.f32 v36, v16  }
0x3f6: {  	v2 =	vld.idx.msk [tilespmem:v2+s30+$0x0], $0xffff;
	v13 =	vmul.f32 v13, v12;
	v9 =	vmul.f32 v9, v12  }
0x3f7: {  	v44 =	vld [tilespmem:$0x1FF10];
	v11 =	vmul.f32 v11, v12;
	v10 =	vmul.f32 v10, v12  }
0x3f8: {  	v46 =	vld [tilespmem:$0x1FF30];
	v5 =	vmul.f32 v5, v12;
	v8 =	vmul.f32 v8, v12  }
0x3f9: {  	v7 =	vld.idx.msk [tilespmem:v7+s30+$0x0], $0xffff;
	v6 =	vmul.f32 v6, v12;
	v12 =	vmul.f32 v14, v12  }
0x3fa: {  	v31 =	vld [tilespmem:s5+$0xD0];
	v62 =	vmul.f32 v17, v15;
	v4 =	vmul.f32 v4, v15  }
0x3fb: {  	v51 =	vld [tilespmem:$0x1FF80];
	v18 =	vmul.f32 v18, v15;
	v13 =	vadd.f32 v13, v2;
	v10 =	vadd.f32 v10, v2  }
0x3fc: {  	v37 =	vld [tilespmem:s5+$0xFFFFFF20];
	v21 =	vmul.f32 v21, v15;
	v8 =	vadd.f32 v8, v2;
	v5 =	vadd.f32 v5, v2  }
0x3fd: {  	v49 =	vld [tilespmem:$0x1FF60];
	v23 =	vmul.f32 v23, v15;
	v6 =	vadd.f32 v6, v2;
	v63 =	vadd.f32 v11, v2  }
0x3fe: {  	v48 =	vld [tilespmem:$0x1FF50];
	v35 =	vmul.f32 v33, v15;
	v32 =	vadd.f32 v62, v7;
	v22 =	vadd.f32 v12, v2  }
0x3ff: {  	v54 =	vld [tilespmem:$0x1FFB0];
	v4 =	vadd.f32 v4, v7;
	v2 =	vadd.f32 v9, v2;
	v12 =	vmul.f32 v34, v15  }
0x400: {  	v52 =	vld [tilespmem:$0x1FF90];
	v9 =	vadd.f32 v35, v7;
	v15 =	vmul.f32 v26, v15;
	v26 =	vmul.f32 v28, v16  }
0x401: {  	v17 =	vld [tilespmem:s5+$0xE0];
	v25 =	vadd.f32 v18, v7;
	v13 =	vmul.f32 v13, v43;
	v19 =	vmul.f32 v8, v55  }
0x402: {  	v33 =	vld.idx.msk [tilespmem:v27+s29+$0x0], $0xffff;
	v23 =	vadd.f32 v23, v7;
	v5 =	vmul.f32 v5, v47;
	v6 =	vmul.f32 v6, v42  }
0x403: {  	v39 =	vld [tilespmem:s5+$0xFFFFFF60];
	v28 =	vadd.f32 v21, v7;
	v8 =	vmul.f32 v63, v45;
	v11 =	vmul.f32 v32, v43  }
0x404: {  	v18 =	vld [tilespmem:s5+$0x80];
	v9 =	vmul.f32 v9, v47;
	v12 =	vadd.f32 v12, v7;
	v10 =	vmul.f32 v10, v51  }
0x405: {  	v34 =	vld [tilespmem:s5+$0x90];
	v21 =	vadd.f32 v15, v7;
	v38 =	vmul.f32 v28, v51;
	v5 =	vadd.f32 v5, v50  }
0x406: {  	v32 =	vld.idx.msk [tilespmem:v27+s30+$0x0], $0xffff;
	v28 =	vmul.f32 v31, v16;
	v17 =	vmul.f32 v17, v16;
	v6 =	vadd.f32 v6, v44  }
0x407: {  	v41 =	vld [tilespmem:s5+$0xFFFFFF50];
	v7 =	vmul.f32 v37, v33;
	v3 =	vmul.f32 v3, v33;
	v11 =	vadd.f32 v11, v46;
	[tilespmem:s5+$0xFFFFFFB0] =	vst v5  }
0x408: {  	v60 =	vmul.f32 v1, v33;
	v1 =	vmul.f32 v4, v55;
	v9 =	vadd.f32 v9, v50;
	v53 =	vld [tilespmem:$0x1FFA0];
	[tilespmem:s5+$0xFFFFFF80] =	vst v6  }
0x409: {  	v27 =	vld [tilespmem:s5+$0xFFFFFF10];
	v12 =	vmul.f32 v12, v49;
	v8 =	vadd.f32 v8, v48;
	v10 =	vadd.f32 v10, v54;
	[tilespmem:s5+$0x10] =	vst v11  }
0x40a: {  	v35 =	vmul.f32 v39, v33;
	v15 =	vadd.f32 v38, v54;
	v13 =	vadd.f32 v13, v46;
	v56 =	vld [tilespmem:$0x1FFD0]  }
0x40b: {  	v18 =	vmul.f32 v18, v16;
	v29 =	vmul.f32 v34, v16;
	v12 =	vadd.f32 v12, v52;
	[tilespmem:s5+$0x30] =	vst v9  }
0x40c: {  	v31 =	vadd.f32 v17, v20;
	v34 =	vmul.f32 v41, v33;
	v7 =	vadd.f32 v7, v32;
	[tilespmem:s5+$0xFFFFFFD0] =	vst v10  }
0x40d: {  	v6 =	vadd.f32 v40, v20;
	v62 =	vadd.f32 v29, v20;
	[tilespmem:s5+$0x40] =	vst v12;
	v2 =	vmul.f32 v2, v53  }
0x40e: {  	v61 =	vmul.f32 v27, v33;
	v3 =	vadd.f32 v3, v32;
	v9 =	vadd.f32 v60, v32;
	[tilespmem:s5+$0xFFFFFFA0] =	vst v8  }
0x40f: {  	v27 =	vld [tilespmem:s5+$0xFFFFFF30];
	[tilespmem:s5+$0x50] =	vst v15;
	v7 =	vmul.f32 v7, v45;
	v5 =	vmul.f32 v62, v43;
	v59 =	vadd.f32 v2, v56  }
0x410: {  	v29 =	vld [tilespmem:s5+$0xFFFFFF40];
	[tilespmem:s5+$0xFFFFFF90] =	vst v13;
	v4 =	vadd.f32 v61, v32;
	v39 =	vmul.f32 v6, v49;
	v63 =	vmul.f32 v9, v42  }
0x411: {  	v37 =	vmul.f32 v3, v55;
	v41 =	vadd.f32 v7, v48;
	v36 =	vadd.f32 v5, v46;
	[tilespmem:s5+$0xFFFFFFE0] =	vst v59  }
0x412: {  	s15 =	simm.s32 $0x4;
	s17 =	simm.s32 $0x14B00;
	v40 =	vmul.f32 v4, v43;
	v38 =	vadd.f32 v63, v44;
	v2 =	vadd.f32 v18, v20;
	v57 =	vld [tilespmem:$0x1FFE0]  }
.LBB2_24:
0x413: {  	s10 =	sadd.s32 $0x1, s15  }
0x414: {  	s12 =	sadd.s32 $0x2, s15;
	v3 =	vadd.f32 v40, v46;
	[tilespmem:s5+$0xFFFFFF20] =	vst v41;
	v4 =	vmul.f32 v27, v33;
	v5 =	vadd.f32 v39, v52;
	s19 =	smov.u32 s15;
	s18 =	sadd.s32 $0x4, s15  }
0x415: {  	p1 =	slt.u32 s15, $0x4C;
	v27 =	vld [tilespmem:s17+$0xFFFFFF00];
	v6 =	vmov s10;
	v7 =	vmov s12;
	[tilespmem:s5+$0xFFFFFF00] =	vst v38;
	v8 =	vmul.f32 v29, v33  }
0x416: {  	v2 =	vmul.f32 v2, v42;
	v29 =	vld [tilespmem:s17+$0xFFFFFF70];
	[tilespmem:s5+$0xFFFFFF10] =	vst v3;
	v3 =	vadd.f32 v4, v32;
	v4 =	vadd.f32 v35, v32  }
0x417: {  	v10 =	vadd.f32 v34, v32;
	v6 =	vand.u32 $0xFFFFFFFD, v6;
	v7 =	vand.u32 $0xFFFFFFFE, v7;
	v9 =	vld [tilespmem:s17+$0x70];
	[tilespmem:s5+$0xC0] =	vst v5  }
0x418: {  	v11 =	vadd.f32 v37, v57;
	v5 =	vbroadcast v6, $0x0;
	v6 =	vld [tilespmem:s17+$0xFFFFFFB0];
	v4 =	vmul.f32 v4, v53;
	[tilespmem:s5+$0x90] =	vst v36  }
0x419: {  	v13 =	vadd.f32 v30, v20;
	s10 =	sadd.s32 $0x3, s19;
	v10 =	vmul.f32 v10, v51;
	v7 =	vbroadcast v7, $0x0;
	v12 =	vld [tilespmem:s17+$0xFFFFFF80]  }
0x41a: {  	v15 =	vmov s10;
	v8 =	vadd.f32 v8, v32;
	v3 =	vmul.f32 v3, v47;
	v14 =	vld [tilespmem:s17+$0xFFFFFFF0];
	[tilespmem:s5+$0xFFFFFF70] =	vst v11  }
0x41b: {  	v16 =	vmul.f32 v22, v49;
	v1 =	vadd.f32 v1, v57;
	v4 =	vadd.f32 v4, v56;
	v11 =	vld [tilespmem:s17+$0xFFFFFFE0]  }
0x41c: {  	v18 =	vmul.f32 v25, v42;
	v2 =	vadd.f32 v2, v44;
	v3 =	vadd.f32 v3, v50;
	v17 =	vld [tilespmem:s17+$0xFFFFFFD0]  }
0x41d: {  	v25 =	vadd.f32 v26, v20;
	v22 =	vld [tilespmem:s17+$0xFFFFFFA0];
	[tilespmem:s5+$0xFFFFFF60] =	vst v4;
	v4 =	vadd.f32 v16, v52;
	v16 =	vmul.f32 v31, v53  }
0x41e: {  	v18 =	vadd.f32 v18, v44;
	v26 =	vld.idx.msk [tilespmem:v5+s29+$0x0], $0xffff;
	[tilespmem:s5+$0x70] =	vst v1;
	v1 =	vadd.f32 v24, v20  }
0x41f: {  	v8 =	vmul.f32 v8, v49;
	v24 =	vld [tilespmem:s17+$0xFFFFFF90];
	[tilespmem:s5+$0x80] =	vst v2;
	v2 =	vadd.f32 v16, v56;
	v16 =	vmul.f32 v25, v55  }
0x420: {  	v10 =	vadd.f32 v10, v54;
	v20 =	vadd.f32 v28, v20;
	v5 =	vld.idx.msk [tilespmem:v5+s30+$0x0], $0xffff;
	v1 =	vmul.f32 v1, v47  }
0x421: {  	v8 =	vadd.f32 v8, v52;
	v25 =	vld [tilespmem:s17+$0xFFFFFFC0];
	[tilespmem:s5+$0xFFFFFFC0] =	vst v4;
	v4 =	vmul.f32 v13, v45;
	v13 =	vadd.f32 v16, v57  }
0x422: {  	v16 =	vld.idx.msk [tilespmem:v7+s29+$0x0], $0xffff;
	[tilespmem:s5+$0xFFFFFF50] =	vst v10;
	v1 =	vadd.f32 v1, v50;
	v10 =	vmul.f32 v20, v51  }
0x423: {  	v28 =	vld [tilespmem:s17+$0x10];
	[tilespmem:s5+$0xFFFFFF40] =	vst v8;
	v8 =	vadd.f32 v19, v57;
	v19 =	vmul.f32 v23, v45;
	v4 =	vadd.f32 v4, v48  }
0x424: {  	v11 =	vmul.f32 v11, v26;
	v20 =	vmul.f32 v24, v26;
	v7 =	vld.idx.msk [tilespmem:v7+s30+$0x0], $0xffff;
	v10 =	vadd.f32 v10, v54  }
0x425: {  	v22 =	vmul.f32 v22, v26;
	v17 =	vmul.f32 v17, v26;
	v23 =	vld [tilespmem:s17+$0x0];
	[tilespmem:s5+$0xFFFFFF30] =	vst v3;
	v3 =	vadd.f32 v19, v48  }
0x426: {  	v6 =	vmul.f32 v6, v26;
	v14 =	vmul.f32 v14, v26;
	v19 =	vadd.f32 v20, v5;
	v24 =	vld [tilespmem:s17+$0x50];
	[tilespmem:s5+$0x0] =	vst v18  }
0x427: {  	v12 =	vmul.f32 v12, v26;
	v17 =	vadd.f32 v17, v5;
	v18 =	vmul.f32 v25, v26;
	v25 =	vld [tilespmem:s17+$0x20];
	[tilespmem:s5+$0xF0] =	vst v13  }
0x428: {  	v14 =	vadd.f32 v14, v5;
	v13 =	vmul.f32 v19, v43;
	v20 =	vld.idx.msk [tilespmem:v15+s30+$0x0], $0xffff;
	[tilespmem:s5+$0x20] =	vst v3  }
0x429: {  	v9 =	vmul.f32 v9, v16;
	v3 =	vadd.f32 v6, v5;
	v6 =	vmul.f32 v28, v16;
	v15 =	vld.idx.msk [tilespmem:v15+s29+$0x0], $0xffff  }
0x42a: {  	v12 =	vadd.f32 v12, v5;
	v19 =	vmul.f32 v14, v55;
	v14 =	vld [tilespmem:s17+$0xE0];
	[tilespmem:s5+$0xFFFFFFF0] =	vst v8;
	v8 =	vmul.f32 v21, v53  }
0x42b: {  	v21 =	vadd.f32 v22, v5;
	v3 =	vmul.f32 v3, v47;
	v6 =	vadd.f32 v6, v7;
	v26 =	vld [tilespmem:s17+$0x30];
	[tilespmem:s5+$0xA0] =	vst v4  }
0x42c: {  	v22 =	vadd.f32 v18, v5;
	v4 =	vmul.f32 v12, v42;
	v12 =	vld [tilespmem:s17+$0x40];
	v8 =	vadd.f32 v8, v56;
	[tilespmem:s5+$0xD0] =	vst v10  }
0x42d: {  	v10 =	vmov s19;
	v18 =	vmul.f32 v21, v45;
	v6 =	vmul.f32 v6, v43;
	v21 =	vld [tilespmem:s17+$0xB0];
	[tilespmem:s5+$0xB0] =	vst v1  }
0x42e: {  	v28 =	vmul.f32 v24, v16;
	v1 =	vand.u32 $0xFFFFFFFC, v10;
	v10 =	vmul.f32 v23, v16;
	v30 =	vld [tilespmem:s17+$0x60];
	[tilespmem:s5+$0xE0] =	vst v2  }
0x42f: {  	v9 =	vadd.f32 v9, v7;
	v1 =	vbroadcast v1, $0x0;
	v2 =	vmul.f32 v25, v16;
	v31 =	vld [tilespmem:s17+$0xF0];
	[tilespmem:s5+$0x60] =	vst v8;
	s5 =	smov.u32 s17  }
0x430: {  	v5 =	vadd.f32 v11, v5;
	v3 =	vadd.f32 v3, v50;
	v8 =	vmul.f32 v26, v16;
	v11 =	vld [tilespmem:s17+$0xC0]  }
0x431: {  	v4 =	vadd.f32 v4, v44;
	v6 =	vadd.f32 v6, v46;
	v12 =	vmul.f32 v12, v16;
	v32 =	vld [tilespmem:s17+$0xA0]  }
0x432: {  	v14 =	vmul.f32 v14, v15;
	[tilespmem:s17+$0xFFFFFFB0] =	vst v3;
	v3 =	vadd.f32 v8, v7;
	v24 =	vmul.f32 v21, v15;
	v8 =	vld [tilespmem:s17+$0xD0]  }
0x433: {  	v25 =	vadd.f32 v10, v7;
	v23 =	vadd.f32 v2, v7;
	[tilespmem:s17+$0xFFFFFF80] =	vst v4;
	v2 =	vmul.f32 v30, v16;
	v4 =	vld [tilespmem:s17+$0x80]  }
0x434: {  	[tilespmem:s17+$0x10] =	vst v6;
	v3 =	vmul.f32 v3, v47;
	v6 =	vadd.f32 v12, v7;
	v10 =	vld [tilespmem:s17+$0x90];
	v26 =	vmul.f32 v31, v15  }
0x435: {  	v16 =	vadd.f32 v28, v7;
	v12 =	vmul.f32 v17, v51;
	v33 =	vld.idx.msk [tilespmem:v1+s29+$0x0], $0xffff;
	v21 =	vadd.f32 v2, v7  }
0x436: {  	v2 =	vld [tilespmem:s17+$0xFFFFFF20];
	v3 =	vadd.f32 v3, v50;
	v6 =	vmul.f32 v6, v49;
	v30 =	vmul.f32 v32, v15  }
0x437: {  	v7 =	vadd.f32 v12, v54;
	v12 =	vmul.f32 v16, v51;
	v32 =	vld.idx.msk [tilespmem:v1+s30+$0x0], $0xffff;
	v1 =	vadd.f32 v18, v48  }
0x438: {  	v28 =	vmul.f32 v8, v15;
	v16 =	vld [tilespmem:s17+$0xFFFFFF10];
	[tilespmem:s17+$0x30] =	vst v3;
	v3 =	vadd.f32 v6, v52;
	v4 =	vmul.f32 v4, v15  }
0x439: {  	v5 =	vmul.f32 v5, v53;
	v6 =	vld [tilespmem:s17+$0xFFFFFF60];
	[tilespmem:s17+$0xFFFFFFD0] =	vst v7;
	v7 =	vadd.f32 v12, v54;
	v8 =	vmul.f32 v10, v15  }
0x43a: {  	v31 =	vadd.f32 v14, v20;
	v12 =	vadd.f32 v13, v46;
	v10 =	vld [tilespmem:s17+$0xFFFFFF50];
	[tilespmem:s17+$0x40] =	vst v3;
	v3 =	vmul.f32 v11, v15  }
0x43b: {  	v5 =	vadd.f32 v5, v56;
	v13 =	vmul.f32 v29, v33;
	v11 =	vmul.f32 v2, v33;
	[tilespmem:s17+$0xFFFFFFA0] =	vst v1  }
0x43c: {  	v14 =	vmul.f32 v27, v33;
	v1 =	vmul.f32 v9, v55;
	v2 =	vadd.f32 v4, v20;
	[tilespmem:s17+$0x50] =	vst v7  }
0x43d: {  	v3 =	vadd.f32 v3, v20;
	v4 =	vmul.f32 v16, v33;
	v7 =	vadd.f32 v11, v32;
	[tilespmem:s17+$0xFFFFFFE0] =	vst v5  }
.Ltmp16:
0x43e: {  	v5 =	vadd.f32 v14, v32;
	v27 =	vld [tilespmem:s17+$0xFFFFFF30];
	v35 =	vmul.f32 v6, v33;
	[tilespmem:s17+$0xFFFFFF90] =	vst v12;
	v6 =	vadd.f32 v8, v20;
	(pc) =	sbr.rel @p1 .LBB2_24-.Ltmp16, $4  }
0x43f: {  	v4 =	vadd.f32 v4, v32;
	v7 =	vmul.f32 v7, v45;
	v29 =	vld [tilespmem:s17+$0xFFFFFF40];
	v34 =	vmul.f32 v10, v33  }
0x440: {  	v8 =	vadd.f32 v13, v32;
	v5 =	vmul.f32 v5, v42;
	v6 =	vmul.f32 v6, v43  }
0x441: {  	v39 =	vmul.f32 v3, v49;
	v40 =	vmul.f32 v4, v43;
	v41 =	vadd.f32 v7, v48  }
0x442: {  	s15 =	smov.u32 s18;
	s17 =	sadd.s32 $0x200, s17;
	v37 =	vmul.f32 v8, v55;
	v38 =	vadd.f32 v5, v44;
	v36 =	vadd.f32 v6, v46  }
0x443: {  	[tilespmem:s5+$0xFFFFFF20] =	vst v41  }
0x444: {  	v3 =	vadd.f32 v40, v46;
	[tilespmem:s5+$0xFFFFFF00] =	vst v38  }
0x445: {  	v4 =	vadd.f32 v35, v32;
	v5 =	vadd.f32 v39, v52;
	[tilespmem:s5+$0x90] =	vst v36  }
0x446: {  	v7 =	vadd.f32 v34, v32;
	v1 =	vadd.f32 v1, v57;
	[tilespmem:s5+$0xFFFFFF10] =	vst v3  }
0x447: {  	v2 =	vmul.f32 v2, v42;
	v59 =	vadd.f32 v28, v20;
	v61 =	vadd.f32 v19, v57;
	[tilespmem:s5+$0xC0] =	vst v5  }
0x448: {  	v6 =	vmul.f32 v29, v33;
	v41 =	vadd.f32 v37, v57;
	v3 =	vmul.f32 v4, v53;
	[tilespmem:s5+$0x70] =	vst v1  }
0x449: {  	v40 =	vmul.f32 v27, v33;
	v7 =	vmul.f32 v7, v51;
	v2 =	vadd.f32 v2, v44;
	[tilespmem:s5+$0xFFFFFFF0] =	vst v61  }
0x44a: {  	v60 =	vmul.f32 v59, v51;
	v6 =	vadd.f32 v6, v32;
	[tilespmem:s5+$0xFFFFFF70] =	vst v41;
	v3 =	vadd.f32 v3, v56  }
0x44b: {  	v43 =	vmul.f32 v22, v49;
	v4 =	vadd.f32 v40, v32;
	[tilespmem:s5+$0x80] =	vst v2;
	v2 =	vadd.f32 v7, v54  }
0x44c: {  	v62 =	vadd.f32 v60, v54;
	v1 =	vmul.f32 v6, v49;
	[tilespmem:s5+$0xFFFFFF60] =	vst v3  }
0x44d: {  	v4 =	vmul.f32 v4, v47;
	v3 =	vadd.f32 v43, v52;
	[tilespmem:s5+$0xFFFFFF50] =	vst v2;
	v2 =	vadd.f32 v30, v20  }
0x44e: {  	v49 =	vmul.f32 v25, v42;
	[tilespmem:s5+$0xD0] =	vst v62;
	v1 =	vadd.f32 v1, v52  }
0x44f: {  	v46 =	vadd.f32 v26, v20;
	[tilespmem:s5+$0xFFFFFFC0] =	vst v3;
	v3 =	vadd.f32 v4, v50;
	v2 =	vmul.f32 v2, v45  }
0x450: {  	v58 =	vadd.f32 v49, v44;
	[tilespmem:s5+$0xFFFFFF40] =	vst v1;
	v1 =	vmul.f32 v23, v45  }
0x451: {  	v55 =	vmul.f32 v46, v55;
	[tilespmem:s5+$0xFFFFFF30] =	vst v3;
	v3 =	vadd.f32 v24, v20;
	v2 =	vadd.f32 v2, v48  }
0x452: {  	v63 =	vmul.f32 v21, v53;
	[tilespmem:s5+$0x0] =	vst v58;
	v1 =	vadd.f32 v1, v48  }
0x453: {  	v4 =	vadd.f32 v55, v57;
	v3 =	vmul.f32 v3, v47;
	[tilespmem:s5+$0xA0] =	vst v2  }
.Ltmp17:
0x454: {  	v2 =	vadd.f32 v63, v56;
	[tilespmem:s5+$0x20] =	vst v1;
	v1 =	vmul.f32 v31, v53;
	(pc) =	sbr.rel .LBB2_26-.Ltmp17, $4  }
0x455: {  	[tilespmem:s5+$0xF0] =	vst v4;
	v3 =	vadd.f32 v3, v50  }
0x456: {  	[tilespmem:s5+$0x60] =	vst v2;
	v1 =	vadd.f32 v1, v56  }
0x457: {  	[tilespmem:s5+$0xB0] =	vst v3  }
0x458: {  	[tilespmem:s5+$0xE0] =	vst v1  }
.LBB2_28:
0x459: {  	_ =	sfence.sel $0x180000  }
0x45a: {  	[bflag:$0x0] =	sbarrier.arrive $0xFFFF  }
0x45b: {  	_ =	strace $0x90000047  }
0x45c: {  	s0 =	stileid.u32;
	[bflag:$0x2] =	sbarrier.arrive $0xFFFF  }
0x45d: {  	p0 =	sne.s32 s0, $0x0;
	s0 =	rddreg [dreg:$0x6]  }
0x45e: {  	s0 =	sadd.s32 @!p0 $0x100000, s0  }
0x45f: {  	[sflag:s0] =	ssyncadd.tile.s32 @!p0 $0x1;
	_ =	shalt  }
.Lfunc_end2:
_tile_overlayer_lowered:
.L_overlay_start_2:
0x460: {  	(tag) =	ssettag $0x2  }
0x461: {  	s0 =	rddreg [dreg:$0x0];
	s2 =	stileid.u32  }
0x462: {  	s1 =	rddreg [dreg:$0x1];
	p0 =	sne.s32 s2, $0x0  }
0x463: {  	s3 =	rddreg [dreg:$0x2];
	[bflag:$0x3] =	sbarrier.arrive $0xFFFF;
	s2 =	simm.s32 @!p0 $0x1C05  }
0x464: {  	[timem:s3], [sflag:s2] =	dma.local @!p0 [hbm:s0], s1  }
0x465: {  	s0 =	simm.s32 @!p0 $0x5  }
0x466: {  	_ =	swait.ge @!p0 [sflag:s0], s1  }
0x467: {  	s1 =	ssub.s32 @!p0 $0x0, s1;
	[sflag:s0] =	ssyncset.done @!p0 $0x0  }
0x468: {  	[sflag:s0] =	ssyncadd.s32 @!p0 s1  }
0x469: {  	[bflag:$0x3] =	sbarrier.arrive $0xFFFF  }
0x46a: {  	_ =	shalt  }

</sc_bundles>
